<compile_context>
chip_gen: v7x
topology: tpu7x:2x2x1
jax: 0.10.2.dev20260603
libtpu: 0.0.44.dev20260713+nightly
codegen_flags: <defaults>
</compile_context>

<pallas_src>
import functools

import numpy as np
import jax
import jax.numpy as jnp
from jax import lax
from jax.experimental import pallas as pl
from jax.experimental.pallas import tpu as pltpu
from jax.experimental.pallas import tpu_sc as plsc

B, S, H, K, P = 16, 128, 300, 12, 50
D = 2 * K + 1


def _build_static():
    base = np.arange(1, S + 1)
    emo = np.repeat(base, S)
    cau = np.tile(base, S)
    rel = cau - emo
    m = np.abs(rel) <= K
    emo_i = emo[m] - 1
    cau_i = cau[m] - 1
    rel_i = rel[m]
    n_pair = int(emo_i.shape[0])
    cnt = np.bincount(rel_i + K, minlength=D).astype(np.float32)
    u = np.arange(D, dtype=np.float32)
    g = cnt[None, :] * np.exp(-((u[:, None] - u[None, :]) ** 2))
    sel = ((rel_i + K) * S + emo_i).astype(np.int64)
    pos_pairs = np.stack([emo_i + 1, cau_i + 1], axis=1).astype(np.int32)
    return n_pair, g, sel, pos_pairs


N_PAIR, G_MAT, _SEL, POS_PAIRS = _build_static()
N_PAD = 3072
_NW = 32
_CHUNK = (B * N_PAD) // _NW

BAND_STRIDE = 4096

_sel_pad = np.zeros((N_PAD,), dtype=np.int64)
_sel_pad[:N_PAIR] = _SEL
IDX_FLAT = (np.arange(B, dtype=np.int64)[:, None] * BAND_STRIDE
            + _sel_pad[None, :]).reshape(-1).astype(np.int32)


BB = 2


def _band_body(gm_ref, he_ref, hc_ref, pos_ref, w_ref, bh_ref, g_ref,
               b_ref, wr_ref, br_ref, out_ref):
    w = w_ref[...]
    e_tab = jnp.dot(
        jnp.dot(gm_ref[...], pos_ref[...], preferred_element_type=jnp.float32),
        w[2 * H:2 * H + P, :], preferred_element_type=jnp.float32,
    ) + bh_ref[...]
    g_row = g_ref[...]
    b_row = b_ref[...]
    wr_row = wr_ref[...].reshape(1, H)
    br = br_ref[0, 0]
    g16 = g_row.astype(jnp.bfloat16)
    b16 = b_row.astype(jnp.bfloat16)
    w16 = wr_row.astype(jnp.bfloat16)
    one16 = jnp.bfloat16(1.0)
    inv_h = 1.0 / H
    for bb in range(BB):
        x1 = he_ref[bb]
        x2 = hc_ref[bb]
        a = jnp.dot(x1, w[0:H, :], preferred_element_type=jnp.float32)
        c = jnp.dot(x2, w[H:2 * H, :], preferred_element_type=jnp.float32)
        for d in range(D):
            o = (d - K) % S
            cs = jnp.concatenate([c[o:], c[:o]], axis=0) if o else c
            v = a + cs + e_tab[d, :][None, :]
            m1 = jnp.sum(v, axis=-1, keepdims=True)
            m2 = jnp.sum(v * v, axis=-1, keepdims=True)
            mu = m1 * inv_h
            var = m2 * inv_h - mu * mu
            t16 = ((v - mu) * lax.rsqrt(var + 1e-5)).astype(jnp.bfloat16)
            y = t16 * g16 + b16
            y = jnp.where(y > 0, y, jnp.exp(y) - one16)
            t_row = lax.dot_general(w16, y, (((1,), (1,)), ((), ())),
                                    preferred_element_type=jnp.float32)
            out_ref[bb, d, :] = t_row[0] + br


_band_call = pl.pallas_call(
    _band_body,
    grid=(B // BB,),
    in_specs=[
        pl.BlockSpec((D, D), lambda b: (0, 0)),
        pl.BlockSpec((BB, S, H), lambda b: (b, 0, 0)),
        pl.BlockSpec((BB, S, H), lambda b: (b, 0, 0)),
        pl.BlockSpec((D, P), lambda b: (0, 0)),
        pl.BlockSpec((2 * H + P, H), lambda b: (0, 0)),
        pl.BlockSpec((1, H), lambda b: (0, 0)),
        pl.BlockSpec((1, H), lambda b: (0, 0)),
        pl.BlockSpec((1, H), lambda b: (0, 0)),
        pl.BlockSpec((H, 1), lambda b: (0, 0)),
        pl.BlockSpec((1, 1), lambda b: (0, 0)),
    ],
    out_specs=pl.BlockSpec((BB, BAND_STRIDE // S, S), lambda b: (b, 0, 0)),
    out_shape=jax.ShapeDtypeStruct((B, BAND_STRIDE // S, S), jnp.float32),
    compiler_params=pltpu.CompilerParams(
        dimension_semantics=("arbitrary",),
    ),
)


def _gather_body(tab_hbm, idx_hbm, out_hbm, idx_v, rows_v, sem):
    wid = lax.axis_index("s") * 2 + lax.axis_index("c")
    base = wid * _CHUNK
    pltpu.sync_copy(idx_hbm.at[pl.ds(base, _CHUNK)], idx_v)
    pltpu.async_copy(tab_hbm.at[idx_v], rows_v, sem).wait()
    pltpu.sync_copy(rows_v, out_hbm.at[pl.ds(base, _CHUNK)])


@functools.cache
def _gather_call():
    return pl.kernel(
        _gather_body,
        mesh=plsc.VectorSubcoreMesh(core_axis_name="c", subcore_axis_name="s"),
        out_type=jax.ShapeDtypeStruct((B * N_PAD,), jnp.float32),
        scratch_types=[
            pltpu.VMEM((_CHUNK,), jnp.int32),
            pltpu.VMEM((_CHUNK,), jnp.float32),
            pltpu.SemaphoreType.DMA,
        ],
    )


def kernel(h_e, h_c, h_share, pos_emb, W_hid, b_hid, ln_g, ln_b, W_rel, b_rel):
    band = _band_call(
        jnp.asarray(G_MAT, dtype=jnp.float32),
        h_e + h_share, h_c + h_share, pos_emb, W_hid,
        b_hid.reshape(1, H), ln_g.reshape(1, H), ln_b.reshape(1, H),
        W_rel, b_rel.reshape(1, 1),
    )
    flat = _gather_call()(band.reshape(B * BAND_STRIDE), jnp.asarray(IDX_FLAT))
    out = flat.reshape(B, N_PAD)[:, :N_PAIR]
    return out, jnp.asarray(POS_PAIRS)

# --- scband reference (transcript-rebuilt; emitter-appended) ---
"""Pipeline reference for scband-pair-construct-6451040878733 (READ-ONLY COPY).

The authoritative reference and input builder live on the scoring server;
editing this copy changes nothing except your own understanding.
"""

import jax, jax.numpy as jnp
import numpy as np

B, S, H, K, P = 16, 128, 300, 12, 50

def _pair_indices():
    base = np.arange(1, S + 1)
    emo = np.repeat(base, S)          # matches reshape of cat([H_e]*S, dim=2)
    cau = np.tile(base, S)            # matches cat([H_c]*S, dim=1)
    rel = cau - emo
    m = np.abs(rel) <= K              # seq_len > K+1 so masking branch active
    return emo[m] - 1, cau[m] - 1, rel[m]

EMO_IDX, CAU_IDX, REL = _pair_indices()
N_PAIR = REL.shape[0]  # 3044

def setup_inputs(seed: int = 0) -> dict:
    key = jax.random.key(seed)
    ks = jax.random.split(key, 10)
    h_e = jax.random.normal(ks[0], (B, S, H), dtype=jnp.float32)
    h_c = jax.random.normal(ks[1], (B, S, H), dtype=jnp.float32)
    h_share = jax.random.normal(ks[2], (B, S, H), dtype=jnp.float32)
    lim = np.sqrt(6.0 / (2 * K + 1 + P))
    pos_emb = jax.random.uniform(ks[3], (2 * K + 1, P), minval=-lim, maxval=lim, dtype=jnp.float32)
    W_hid = jax.random.normal(ks[4], (2 * H + P, H), dtype=jnp.float32) * 0.04
    b_hid = jnp.zeros((H,), dtype=jnp.float32)
    ln_g = jnp.ones((H,), dtype=jnp.float32)
    ln_b = jnp.zeros((H,), dtype=jnp.float32)
    W_rel = jax.random.normal(ks[5], (H, 1), dtype=jnp.float32) * 0.05
    b_rel = jnp.zeros((1,), dtype=jnp.float32)
    return {"h_e": h_e, "h_c": h_c, "h_share": h_share, "pos_emb": pos_emb,
            "W_hid": W_hid, "b_hid": b_hid, "ln_g": ln_g, "ln_b": ln_b,
            "W_rel": W_rel, "b_rel": b_rel}

def reference(h_e, h_c, h_share, pos_emb, W_hid, b_hid, ln_g, ln_b, W_rel, b_rel):
    he = h_e + h_share
    hc = h_c + h_share
    # couple_generator: masked-selected pair features (gather form of masked_select)
    couples = jnp.concatenate([he[:, EMO_IDX, :], hc[:, CAU_IDX, :]], axis=-1)  # [B, n, 600]
    rp = jnp.asarray(REL + K, dtype=jnp.int32)
    emb = jnp.take(pos_emb, rp, axis=0)  # [n, P]
    # kernel_generator on shifted rel_pos (row 0 of batch-expanded rel_pos)
    rpf = jnp.asarray((REL + K).astype(np.float32))
    d = rpf[:, None] - rpf[None, :]
    kernel = jnp.exp(-(d * d))  # [n, n]
    emb_k = kernel @ emb  # [n, P]; batched matmul with identical kernel per batch
    emb_b = jnp.broadcast_to(emb_k[None, :, :], (B, N_PAIR, P))
    pair = jnp.concatenate([couples, emb_b], axis=-1)  # [B, n, 650]
    h = pair @ W_hid + b_hid
    mu = jnp.mean(h, axis=-1, keepdims=True)
    var = jnp.mean((h - mu) ** 2, axis=-1, keepdims=True)
    h = (h - mu) / jnp.sqrt(var + 1e-5) * ln_g + ln_b
    h = jax.nn.elu(h)  # dropout is identity at inference
    out = (h @ W_rel + b_rel)[..., 0]  # [B, n]
    emo_cau_pos = jnp.stack([jnp.asarray(EMO_IDX + 1), jnp.asarray(CAU_IDX + 1)], axis=1)
    return out, emo_cau_pos

if __name__ == "__main__":
    import jax
    _d = setup_inputs()
    print(jax.jit(kernel)(*tuple(_d.values())))

</pallas_src>

<mosaic_0001>
#map = affine_map<(d0, d1) -> (0)>
module attributes {stable_mosaic.version = 14 : i64} {
  func.func @_gather_body(%arg0: i32, %arg1: i32, %arg2: memref<65536xf32, #tpu.memory_space<hbm>>, %arg3: memref<49152xi32, #tpu.memory_space<hbm>>, %arg4: memref<49152xf32, #tpu.memory_space<hbm>>, %arg5: memref<1536xi32, #tpu.memory_space<vmem>>, %arg6: memref<1536xf32, #tpu.memory_space<vmem>>, %arg7: memref<!tpu.dma_semaphore, #tpu.memory_space<semaphore_mem>>) attributes {dimension_semantics = [#tpu.dimension_semantics<core_parallel>, #tpu.dimension_semantics<subcore_parallel>], iteration_bounds = array<i64: 2, 16>, scalar_prefetch = 0 : i64, scratch_operands = 3 : i64, tpu.core_type = #tpu.core_type<sc_vector_subcore>, window_params = [{transform_indices = #map}, {transform_indices = #map}, {transform_indices = #map}]} {
    %mul3A = arith.constant 2 : i32
    %mul3A_0 = arith.muli %arg1, %mul3A : i32
    %add3A = arith.addi %mul3A_0, %arg0 : i32
    %mul3A_1 = arith.constant 1536 : i32
    %mul3A_2 = arith.muli %add3A, %mul3A_1 : i32
    "tpu.region"() ({
      %run_scoped3A = tpu.sem_alloc : memref<!tpu.dma_semaphore, #tpu.memory_space<semaphore_mem>>
      %dma_start3A_5 = tpu.memref_slice %arg3[%mul3A_2] : memref<49152xi32, #tpu.memory_space<hbm>> -> memref<1536xi32, #tpu.memory_space<hbm>>
      %dma_start3A_6 = tpu.memref_slice %arg3[%mul3A_2] : memref<49152xi32, #tpu.memory_space<hbm>> -> memref<1536xi32, #tpu.memory_space<hbm>>
      tpu.enqueue_dma source(%dma_start3A_6 : memref<1536xi32, #tpu.memory_space<hbm>>) target(%arg5 : memref<1536xi32, #tpu.memory_space<vmem>>) target_semaphore(%run_scoped3A : memref<!tpu.dma_semaphore, #tpu.memory_space<semaphore_mem>>)
      %dma_wait3A_7 = tpu.memref_slice %arg3[%mul3A_2] : memref<49152xi32, #tpu.memory_space<hbm>> -> memref<1536xi32, #tpu.memory_space<hbm>>
      %dma_wait3A_8 = tpu.memref_slice %arg3[%mul3A_2] : memref<49152xi32, #tpu.memory_space<hbm>> -> memref<1536xi32, #tpu.memory_space<hbm>>
      tpu.wait_dma2 semaphore(%run_scoped3A : memref<!tpu.dma_semaphore, #tpu.memory_space<semaphore_mem>>) src(%dma_wait3A_8 : memref<1536xi32, #tpu.memory_space<hbm>>) dst(%arg5 : memref<1536xi32, #tpu.memory_space<vmem>>)
      tpu.yield
    }) : () -> ()
    %dma_start3A = arith.constant 0 : i32
    %dma_start3A_3 = tpu.memref_slice %arg2[%dma_start3A] : memref<65536xf32, #tpu.memory_space<hbm>> -> memref<65536xf32, #tpu.memory_space<hbm>>
    tpu.enqueue_indirect_dma source(%dma_start3A_3 : memref<65536xf32, #tpu.memory_space<hbm>>) target(%arg6 : memref<1536xf32, #tpu.memory_space<vmem>>) offsets(%arg5 : memref<1536xi32, #tpu.memory_space<vmem>>) semaphore(%arg7 : memref<!tpu.dma_semaphore, #tpu.memory_space<semaphore_mem>>)
    %dma_wait3A = arith.constant 0 : i32
    %dma_wait3A_4 = tpu.memref_slice %arg2[%dma_wait3A] : memref<65536xf32, #tpu.memory_space<hbm>> -> memref<65536xf32, #tpu.memory_space<hbm>>
    tpu.wait_indirect_dma semaphore(%arg7 : memref<!tpu.dma_semaphore, #tpu.memory_space<semaphore_mem>>) src(%dma_wait3A_4 : memref<65536xf32, #tpu.memory_space<hbm>>) dst(%arg6 : memref<1536xf32, #tpu.memory_space<vmem>>)
    "tpu.region"() ({
      %run_scoped3A = tpu.sem_alloc : memref<!tpu.dma_semaphore, #tpu.memory_space<semaphore_mem>>
      %dma_start3A_5 = tpu.memref_slice %arg4[%mul3A_2] : memref<49152xf32, #tpu.memory_space<hbm>> -> memref<1536xf32, #tpu.memory_space<hbm>>
      %dma_start3A_6 = tpu.memref_slice %arg4[%mul3A_2] : memref<49152xf32, #tpu.memory_space<hbm>> -> memref<1536xf32, #tpu.memory_space<hbm>>
      tpu.enqueue_dma source(%arg6 : memref<1536xf32, #tpu.memory_space<vmem>>) target(%dma_start3A_6 : memref<1536xf32, #tpu.memory_space<hbm>>) target_semaphore(%run_scoped3A : memref<!tpu.dma_semaphore, #tpu.memory_space<semaphore_mem>>)
      %dma_wait3A_7 = tpu.memref_slice %arg4[%mul3A_2] : memref<49152xf32, #tpu.memory_space<hbm>> -> memref<1536xf32, #tpu.memory_space<hbm>>
      %dma_wait3A_8 = tpu.memref_slice %arg4[%mul3A_2] : memref<49152xf32, #tpu.memory_space<hbm>> -> memref<1536xf32, #tpu.memory_space<hbm>>
      tpu.wait_dma2 semaphore(%run_scoped3A : memref<!tpu.dma_semaphore, #tpu.memory_space<semaphore_mem>>) src(%arg6 : memref<1536xf32, #tpu.memory_space<vmem>>) dst(%dma_wait3A_8 : memref<1536xf32, #tpu.memory_space<hbm>>)
      tpu.yield
    }) : () -> ()
    return
  }
}

module attributes {stable_mosaic.version = 14 : i64} {
  func.func @_band_body(%arg0: i32, %arg1: memref<25x25xf32, #tpu.memory_space<vmem>>, %arg2: memref<2x128x300xf32, #tpu.memory_space<vmem>>, %arg3: memref<2x128x300xf32, #tpu.memory_space<vmem>>, %arg4: memref<25x50xf32, #tpu.memory_space<vmem>>, %arg5: memref<650x300xf32, #tpu.memory_space<vmem>>, %arg6: memref<1x300xf32, #tpu.memory_space<vmem>>, %arg7: memref<1x300xf32, #tpu.memory_space<vmem>>, %arg8: memref<1x300xf32, #tpu.memory_space<vmem>>, %arg9: memref<300x1xf32, #tpu.memory_space<vmem>>, %arg10: memref<1x1xf32, #tpu.memory_space<vmem>>, %arg11: memref<2x32x128xf32, #tpu.memory_space<vmem>>) attributes {dimension_semantics = [#tpu.dimension_semantics<arbitrary>], iteration_bounds = array<i64: 8>, scalar_prefetch = 0 : i64, scratch_operands = 0 : i64, tpu.core_type = #tpu.core_type<tc>, window_params = [{pipeline_mode = #tpu.pipeline_mode<synchronous>, transform_indices = @transform_0, window_bounds = array<i64: 25, 25>}, {transform_indices = @transform_1, window_bounds = array<i64: 2, 128, 300>}, {transform_indices = @transform_2, window_bounds = array<i64: 2, 128, 300>}, {pipeline_mode = #tpu.pipeline_mode<synchronous>, transform_indices = @transform_3, window_bounds = array<i64: 25, 50>}, {pipeline_mode = #tpu.pipeline_mode<synchronous>, transform_indices = @transform_4, window_bounds = array<i64: 650, 300>}, {pipeline_mode = #tpu.pipeline_mode<synchronous>, transform_indices = @transform_5, window_bounds = array<i64: 1, 300>}, {pipeline_mode = #tpu.pipeline_mode<synchronous>, transform_indices = @transform_6, window_bounds = array<i64: 1, 300>}, {pipeline_mode = #tpu.pipeline_mode<synchronous>, transform_indices = @transform_7, window_bounds = array<i64: 1, 300>}, {pipeline_mode = #tpu.pipeline_mode<synchronous>, transform_indices = @transform_8, window_bounds = array<i64: 300, 1>}, {pipeline_mode = #tpu.pipeline_mode<synchronous>, transform_indices = @transform_9, window_bounds = array<i64: 1, 1>}, {transform_indices = @transform_10, window_bounds = array<i64: 2, 32, 128>}]} {
    %get3A = arith.constant 0 : index
    %get3A_0 = arith.constant 0 : index
    %get3A_1 = vector.load %arg5[%get3A, %get3A_0] : memref<650x300xf32, #tpu.memory_space<vmem>>, vector<650x300xf32>
    %get3A_2 = arith.constant 0 : index
    %get3A_3 = arith.constant 0 : index
    %get3A_4 = vector.load %arg1[%get3A_2, %get3A_3] : memref<25x25xf32, #tpu.memory_space<vmem>>, vector<25x25xf32>
    %get3A_5 = arith.constant 0 : index
    %get3A_6 = arith.constant 0 : index
    %get3A_7 = vector.load %arg4[%get3A_5, %get3A_6] : memref<25x50xf32, #tpu.memory_space<vmem>>, vector<25x50xf32>
    %dot_general3A = arith.constant dense<0.000000e+00> : vector<25x50xf32>
    %dot_general3A_8 = tpu.matmul %get3A_4, %get3A_7, %dot_general3A {dimension_numbers = #tpu.dot_dimension_numbers<[1], [0], [0], [1], [0, 0, 1, 1], [], []>, transpose_lhs_hint = false} : vector<25x25xf32>, vector<25x50xf32>, vector<25x50xf32> -> vector<25x50xf32>
    %slice3A = vector.extract_strided_slice %get3A_1 {offsets = [600, 0], sizes = [50, 300], strides = [1, 1]} : vector<650x300xf32> to vector<50x300xf32>
    %dot_general3A_9 = arith.constant dense<0.000000e+00> : vector<25x300xf32>
    %dot_general3A_10 = tpu.matmul %dot_general3A_8, %slice3A, %dot_general3A_9 {dimension_numbers = #tpu.dot_dimension_numbers<[1], [0], [0], [1], [0, 0, 1, 1], [], []>, transpose_lhs_hint = false} : vector<25x50xf32>, vector<50x300xf32>, vector<25x300xf32> -> vector<25x300xf32>
    %get3A_11 = arith.constant 0 : index
    %get3A_12 = arith.constant 0 : index
    %get3A_13 = vector.load %arg6[%get3A_11, %get3A_12] : memref<1x300xf32, #tpu.memory_space<vmem>>, vector<1x300xf32>
    %add3A = vector.broadcast %get3A_13 : vector<1x300xf32> to vector<25x300xf32>
    %add3A_14 = arith.addf %dot_general3A_10, %add3A : vector<25x300xf32>
    %get3A_15 = arith.constant 0 : index
    %get3A_16 = arith.constant 0 : index
    %get3A_17 = vector.load %arg7[%get3A_15, %get3A_16] : memref<1x300xf32, #tpu.memory_space<vmem>>, vector<1x300xf32>
    %get3A_18 = arith.constant 0 : index
    %get3A_19 = arith.constant 0 : index
    %get3A_20 = vector.load %arg8[%get3A_18, %get3A_19] : memref<1x300xf32, #tpu.memory_space<vmem>>, vector<1x300xf32>
    %get3A_21 = arith.constant 0 : index
    %get3A_22 = arith.constant 0 : index
    %get3A_23 = vector.load %arg9[%get3A_21, %get3A_22] : memref<300x1xf32, #tpu.memory_space<vmem>>, vector<300x1xf32>
    %reshape3A = vector.shape_cast %get3A_23 : vector<300x1xf32> to vector<1x300xf32>
    %get3A_24 = arith.constant 0 : index
    %get3A_25 = arith.constant 0 : index
    %get3A_26 = vector.load %arg10[%get3A_24, %get3A_25] : memref<1x1xf32, #tpu.memory_space<vmem>>, vector<1x1xf32>
    %get3A_27 = vector.extract %get3A_26[0, 0] : f32 from vector<1x1xf32>
    %convert_element_type3A = arith.truncf %get3A_17 : vector<1x300xf32> to vector<1x300xbf16>
    %convert_element_type3A_28 = arith.truncf %get3A_20 : vector<1x300xf32> to vector<1x300xbf16>
    %convert_element_type3A_29 = arith.truncf %reshape3A : vector<1x300xf32> to vector<1x300xbf16>
    %get3A_30 = arith.constant 0 : index
    %get3A_31 = arith.constant 0 : index
    %get3A_32 = arith.constant 0 : index
    %get3A_33 = vector.load %arg2[%get3A_30, %get3A_31, %get3A_32] : memref<2x128x300xf32, #tpu.memory_space<vmem>>, vector<1x128x300xf32>
    %get3A_34 = vector.shape_cast %get3A_33 : vector<1x128x300xf32> to vector<128x300xf32>
    %get3A_35 = arith.constant 0 : index
    %get3A_36 = arith.constant 0 : index
    %get3A_37 = arith.constant 0 : index
    %get3A_38 = vector.load %arg3[%get3A_35, %get3A_36, %get3A_37] : memref<2x128x300xf32, #tpu.memory_space<vmem>>, vector<1x128x300xf32>
    %get3A_39 = vector.shape_cast %get3A_38 : vector<1x128x300xf32> to vector<128x300xf32>
    %slice3A_40 = vector.extract_strided_slice %get3A_1 {offsets = [0, 0], sizes = [300, 300], strides = [1, 1]} : vector<650x300xf32> to vector<300x300xf32>
    %dot_general3A_41 = arith.constant dense<0.000000e+00> : vector<128x300xf32>
    %dot_general3A_42 = tpu.matmul %get3A_34, %slice3A_40, %dot_general3A_41 {dimension_numbers = #tpu.dot_dimension_numbers<[1], [0], [0], [1], [0, 0, 1, 1], [], []>, transpose_lhs_hint = false} : vector<128x300xf32>, vector<300x300xf32>, vector<128x300xf32> -> vector<128x300xf32>
    %slice3A_43 = vector.extract_strided_slice %get3A_1 {offsets = [300, 0], sizes = [300, 300], strides = [1, 1]} : vector<650x300xf32> to vector<300x300xf32>
    %dot_general3A_44 = arith.constant dense<0.000000e+00> : vector<128x300xf32>
    %dot_general3A_45 = tpu.matmul %get3A_39, %slice3A_43, %dot_general3A_44 {dimension_numbers = #tpu.dot_dimension_numbers<[1], [0], [0], [1], [0, 0, 1, 1], [], []>, transpose_lhs_hint = false} : vector<128x300xf32>, vector<300x300xf32>, vector<128x300xf32> -> vector<128x300xf32>
    %slice3A_46 = vector.extract_strided_slice %dot_general3A_45 {offsets = [116, 0], sizes = [12, 300], strides = [1, 1]} : vector<128x300xf32> to vector<12x300xf32>
    %slice3A_47 = vector.extract_strided_slice %dot_general3A_45 {offsets = [0, 0], sizes = [116, 300], strides = [1, 1]} : vector<128x300xf32> to vector<116x300xf32>
    %concatenate3A = tpu.concatenate %slice3A_46, %slice3A_47 in 0 : vector<12x300xf32>, vector<116x300xf32> -> vector<128x300xf32>
    %add3A_48 = arith.addf %dot_general3A_42, %concatenate3A : vector<128x300xf32>
    %slice3A_49 = vector.extract_strided_slice %add3A_14 {offsets = [0, 0], sizes = [1, 300], strides = [1, 1]} : vector<25x300xf32> to vector<1x300xf32>
    %squeeze3A = vector.shape_cast %slice3A_49 : vector<1x300xf32> to vector<300xf32>
    %broadcast_in_dim3A = vector.shape_cast %squeeze3A : vector<300xf32> to vector<1x300xf32>
    %add3A_50 = vector.broadcast %broadcast_in_dim3A : vector<1x300xf32> to vector<128x300xf32>
    %add3A_51 = arith.addf %add3A_48, %add3A_50 : vector<128x300xf32>
    %reduce_sum3A = arith.constant dense<0.000000e+00> : vector<128xf32>
    %reduce_sum3A_52 = vector.multi_reduction <add>, %add3A_51, %reduce_sum3A [1] : vector<128x300xf32> to vector<128xf32>
    %broadcast_in_dim3A_53 = vector.shape_cast %reduce_sum3A_52 : vector<128xf32> to vector<128x1xf32>
    %mul3A = arith.mulf %add3A_51, %add3A_51 : vector<128x300xf32>
    %reduce_sum3A_54 = arith.constant dense<0.000000e+00> : vector<128xf32>
    %reduce_sum3A_55 = vector.multi_reduction <add>, %mul3A, %reduce_sum3A_54 [1] : vector<128x300xf32> to vector<128xf32>
    %broadcast_in_dim3A_56 = vector.shape_cast %reduce_sum3A_55 : vector<128xf32> to vector<128x1xf32>
    %mul3A_57 = arith.constant 0.00333333341 : f32
    %mul3A_58 = vector.broadcast %mul3A_57 : f32 to vector<128x1xf32>
    %mul3A_59 = arith.mulf %broadcast_in_dim3A_53, %mul3A_58 : vector<128x1xf32>
    %mul3A_60 = arith.constant 0.00333333341 : f32
    %mul3A_61 = vector.broadcast %mul3A_60 : f32 to vector<128x1xf32>
    %mul3A_62 = arith.mulf %broadcast_in_dim3A_56, %mul3A_61 : vector<128x1xf32>
    %mul3A_63 = arith.mulf %mul3A_59, %mul3A_59 : vector<128x1xf32>
    %sub3A = arith.subf %mul3A_62, %mul3A_63 : vector<128x1xf32>
    %sub3A_64 = vector.broadcast %mul3A_59 : vector<128x1xf32> to vector<128x300xf32>
    %sub3A_65 = arith.subf %add3A_51, %sub3A_64 : vector<128x300xf32>
    %add3A_66 = arith.constant 9.99999974E-6 : f32
    %add3A_67 = vector.broadcast %add3A_66 : f32 to vector<128x1xf32>
    %add3A_68 = arith.addf %sub3A, %add3A_67 : vector<128x1xf32>
    %rsqrt3A = math.rsqrt %add3A_68 : vector<128x1xf32>
    %mul3A_69 = vector.broadcast %rsqrt3A : vector<128x1xf32> to vector<128x300xf32>
    %mul3A_70 = arith.mulf %sub3A_65, %mul3A_69 : vector<128x300xf32>
    %convert_element_type3A_71 = arith.truncf %mul3A_70 : vector<128x300xf32> to vector<128x300xbf16>
    %mul3A_72 = vector.broadcast %convert_element_type3A : vector<1x300xbf16> to vector<128x300xbf16>
    %mul3A_73 = arith.mulf %convert_element_type3A_71, %mul3A_72 : vector<128x300xbf16>
    %add3A_74 = vector.broadcast %convert_element_type3A_28 : vector<1x300xbf16> to vector<128x300xbf16>
    %add3A_75 = arith.addf %mul3A_73, %add3A_74 : vector<128x300xbf16>
    %gt3A = arith.constant 0.000000e+00 : bf16
    %gt3A_76 = vector.broadcast %gt3A : bf16 to vector<128x300xbf16>
    %gt3A_77 = arith.cmpf ogt, %add3A_75, %gt3A_76 : vector<128x300xbf16>
    %exp3A = math.exp %add3A_75 : vector<128x300xbf16>
    %sub3A_78 = arith.constant 1.000000e+00 : bf16
    %sub3A_79 = vector.broadcast %sub3A_78 : bf16 to vector<128x300xbf16>
    %sub3A_80 = arith.subf %exp3A, %sub3A_79 : vector<128x300xbf16>
    %select_n3A = arith.select %gt3A_77, %add3A_75, %sub3A_80 : vector<128x300xi1>, vector<128x300xbf16>
    %dot_general3A_81 = arith.constant dense<0.000000e+00> : vector<1x128xf32>
    %dot_general3A_82 = tpu.matmul %convert_element_type3A_29, %select_n3A, %dot_general3A_81 {dimension_numbers = #tpu.dot_dimension_numbers<[1], [1], [0], [0], [0, 0, 1, 0], [], []>, transpose_lhs_hint = false} : vector<1x300xbf16>, vector<128x300xbf16>, vector<1x128xf32> -> vector<1x128xf32>
    %squeeze3A_83 = vector.shape_cast %dot_general3A_82 : vector<1x128xf32> to vector<128xf32>
    %add3A_84 = vector.broadcast %get3A_27 : f32 to vector<128xf32>
    %add3A_85 = arith.addf %squeeze3A_83, %add3A_84 : vector<128xf32>
    %swap3A = arith.constant 0 : index
    %swap3A_86 = arith.constant 0 : index
    %swap3A_87 = arith.constant 0 : index
    %swap3A_88 = vector.load %arg11[%swap3A, %swap3A_86, %swap3A_87] : memref<2x32x128xf32, #tpu.memory_space<vmem>>, vector<1x1x128xf32>
    %swap3A_89 = vector.shape_cast %swap3A_88 : vector<1x1x128xf32> to vector<128xf32>
    %swap3A_90 = vector.shape_cast %add3A_85 : vector<128xf32> to vector<1x1x128xf32>
    tpu.vector_store %arg11[%swap3A, %swap3A_86, %swap3A_87], %swap3A_90 {strides = array<i32>} : memref<2x32x128xf32, #tpu.memory_space<vmem>>, vector<1x1x128xf32>,
    %slice3A_91 = vector.extract_strided_slice %dot_general3A_45 {offsets = [117, 0], sizes = [11, 300], strides = [1, 1]} : vector<128x300xf32> to vector<11x300xf32>
    %slice3A_92 = vector.extract_strided_slice %dot_general3A_45 {offsets = [0, 0], sizes = [117, 300], strides = [1, 1]} : vector<128x300xf32> to vector<117x300xf32>
    %concatenate3A_93 = tpu.concatenate %slice3A_91, %slice3A_92 in 0 : vector<11x300xf32>, vector<117x300xf32> -> vector<128x300xf32>
    %add3A_94 = arith.addf %dot_general3A_42, %concatenate3A_93 : vector<128x300xf32>
    %slice3A_95 = vector.extract_strided_slice %add3A_14 {offsets = [1, 0], sizes = [1, 300], strides = [1, 1]} : vector<25x300xf32> to vector<1x300xf32>
    %squeeze3A_96 = vector.shape_cast %slice3A_95 : vector<1x300xf32> to vector<300xf32>
    %broadcast_in_dim3A_97 = vector.shape_cast %squeeze3A_96 : vector<300xf32> to vector<1x300xf32>
    %add3A_98 = vector.broadcast %broadcast_in_dim3A_97 : vector<1x300xf32> to vector<128x300xf32>
    %add3A_99 = arith.addf %add3A_94, %add3A_98 : vector<128x300xf32>
    %reduce_sum3A_100 = arith.constant dense<0.000000e+00> : vector<128xf32>
    %reduce_sum3A_101 = vector.multi_reduction <add>, %add3A_99, %reduce_sum3A_100 [1] : vector<128x300xf32> to vector<128xf32>
    %broadcast_in_dim3A_102 = vector.shape_cast %reduce_sum3A_101 : vector<128xf32> to vector<128x1xf32>
    %mul3A_103 = arith.mulf %add3A_99, %add3A_99 : vector<128x300xf32>
    %reduce_sum3A_104 = arith.constant dense<0.000000e+00> : vector<128xf32>
    %reduce_sum3A_105 = vector.multi_reduction <add>, %mul3A_103, %reduce_sum3A_104 [1] : vector<128x300xf32> to vector<128xf32>
    %broadcast_in_dim3A_106 = vector.shape_cast %reduce_sum3A_105 : vector<128xf32> to vector<128x1xf32>
    %mul3A_107 = arith.constant 0.00333333341 : f32
    %mul3A_108 = vector.broadcast %mul3A_107 : f32 to vector<128x1xf32>
    %mul3A_109 = arith.mulf %broadcast_in_dim3A_102, %mul3A_108 : vector<128x1xf32>
    %mul3A_110 = arith.constant 0.00333333341 : f32
    %mul3A_111 = vector.broadcast %mul3A_110 : f32 to vector<128x1xf32>
    %mul3A_112 = arith.mulf %broadcast_in_dim3A_106, %mul3A_111 : vector<128x1xf32>
    %mul3A_113 = arith.mulf %mul3A_109, %mul3A_109 : vector<128x1xf32>
    %sub3A_114 = arith.subf %mul3A_112, %mul3A_113 : vector<128x1xf32>
    %sub3A_115 = vector.broadcast %mul3A_109 : vector<128x1xf32> to vector<128x300xf32>
    %sub3A_116 = arith.subf %add3A_99, %sub3A_115 : vector<128x300xf32>
    %add3A_117 = arith.constant 9.99999974E-6 : f32
    %add3A_118 = vector.broadcast %add3A_117 : f32 to vector<128x1xf32>
    %add3A_119 = arith.addf %sub3A_114, %add3A_118 : vector<128x1xf32>
    %rsqrt3A_120 = math.rsqrt %add3A_119 : vector<128x1xf32>
    %mul3A_121 = vector.broadcast %rsqrt3A_120 : vector<128x1xf32> to vector<128x300xf32>
    %mul3A_122 = arith.mulf %sub3A_116, %mul3A_121 : vector<128x300xf32>
    %convert_element_type3A_123 = arith.truncf %mul3A_122 : vector<128x300xf32> to vector<128x300xbf16>
    %mul3A_124 = vector.broadcast %convert_element_type3A : vector<1x300xbf16> to vector<128x300xbf16>
    %mul3A_125 = arith.mulf %convert_element_type3A_123, %mul3A_124 : vector<128x300xbf16>
    %add3A_126 = vector.broadcast %convert_element_type3A_28 : vector<1x300xbf16> to vector<128x300xbf16>
    %add3A_127 = arith.addf %mul3A_125, %add3A_126 : vector<128x300xbf16>
    %gt3A_128 = arith.constant 0.000000e+00 : bf16
    %gt3A_129 = vector.broadcast %gt3A_128 : bf16 to vector<128x300xbf16>
    %gt3A_130 = arith.cmpf ogt, %add3A_127, %gt3A_129 : vector<128x300xbf16>
    %exp3A_131 = math.exp %add3A_127 : vector<128x300xbf16>
    %sub3A_132 = arith.constant 1.000000e+00 : bf16
    %sub3A_133 = vector.broadcast %sub3A_132 : bf16 to vector<128x300xbf16>
    %sub3A_134 = arith.subf %exp3A_131, %sub3A_133 : vector<128x300xbf16>
    %select_n3A_135 = arith.select %gt3A_130, %add3A_127, %sub3A_134 : vector<128x300xi1>, vector<128x300xbf16>
    %dot_general3A_136 = arith.constant dense<0.000000e+00> : vector<1x128xf32>
    %dot_general3A_137 = tpu.matmul %convert_element_type3A_29, %select_n3A_135, %dot_general3A_136 {dimension_numbers = #tpu.dot_dimension_numbers<[1], [1], [0], [0], [0, 0, 1, 0], [], []>, transpose_lhs_hint = false} : vector<1x300xbf16>, vector<128x300xbf16>, vector<1x128xf32> -> vector<1x128xf32>
    %squeeze3A_138 = vector.shape_cast %dot_general3A_137 : vector<1x128xf32> to vector<128xf32>
    %add3A_139 = vector.broadcast %get3A_27 : f32 to vector<128xf32>
    %add3A_140 = arith.addf %squeeze3A_138, %add3A_139 : vector<128xf32>
    %swap3A_141 = arith.constant 0 : index
    %swap3A_142 = arith.constant 1 : index
    %swap3A_143 = arith.constant 0 : index
    %swap3A_144 = vector.load %arg11[%swap3A_141, %swap3A_142, %swap3A_143] : memref<2x32x128xf32, #tpu.memory_space<vmem>>, vector<1x1x128xf32>
    %swap3A_145 = vector.shape_cast %swap3A_144 : vector<1x1x128xf32> to vector<128xf32>
    %swap3A_146 = vector.shape_cast %add3A_140 : vector<128xf32> to vector<1x1x128xf32>
    tpu.vector_store %arg11[%swap3A_141, %swap3A_142, %swap3A_143], %swap3A_146 {strides = array<i32>} : memref<2x32x128xf32, #tpu.memory_space<vmem>>, vector<1x1x128xf32>,
    %slice3A_147 = vector.extract_strided_slice %dot_general3A_45 {offsets = [118, 0], sizes = [10, 300], strides = [1, 1]} : vector<128x300xf32> to vector<10x300xf32>
    %slice3A_148 = vector.extract_strided_slice %dot_general3A_45 {offsets = [0, 0], sizes = [118, 300], strides = [1, 1]} : vector<128x300xf32> to vector<118x300xf32>
    %concatenate3A_149 = tpu.concatenate %slice3A_147, %slice3A_148 in 0 : vector<10x300xf32>, vector<118x300xf32> -> vector<128x300xf32>
    %add3A_150 = arith.addf %dot_general3A_42, %concatenate3A_149 : vector<128x300xf32>
    %slice3A_151 = vector.extract_strided_slice %add3A_14 {offsets = [2, 0], sizes = [1, 300], strides = [1, 1]} : vector<25x300xf32> to vector<1x300xf32>
    %squeeze3A_152 = vector.shape_cast %slice3A_151 : vector<1x300xf32> to vector<300xf32>
    %broadcast_in_dim3A_153 = vector.shape_cast %squeeze3A_152 : vector<300xf32> to vector<1x300xf32>
    %add3A_154 = vector.broadcast %broadcast_in_dim3A_153 : vector<1x300xf32> to vector<128x300xf32>
    %add3A_155 = arith.addf %add3A_150, %add3A_154 : vector<128x300xf32>
    %reduce_sum3A_156 = arith.constant dense<0.000000e+00> : vector<128xf32>
    %reduce_sum3A_157 = vector.multi_reduction <add>, %add3A_155, %reduce_sum3A_156 [1] : vector<128x300xf32> to vector<128xf32>
    %broadcast_in_dim3A_158 = vector.shape_cast %reduce_sum3A_157 : vector<128xf32> to vector<128x1xf32>
    %mul3A_159 = arith.mulf %add3A_155, %add3A_155 : vector<128x300xf32>
    %reduce_sum3A_160 = arith.constant dense<0.000000e+00> : vector<128xf32>
    %reduce_sum3A_161 = vector.multi_reduction <add>, %mul3A_159, %reduce_sum3A_160 [1] : vector<128x300xf32> to vector<128xf32>
    %broadcast_in_dim3A_162 = vector.shape_cast %reduce_sum3A_161 : vector<128xf32> to vector<128x1xf32>
    %mul3A_163 = arith.constant 0.00333333341 : f32
    %mul3A_164 = vector.broadcast %mul3A_163 : f32 to vector<128x1xf32>
    %mul3A_165 = arith.mulf %broadcast_in_dim3A_158, %mul3A_164 : vector<128x1xf32>
    %mul3A_166 = arith.constant 0.00333333341 : f32
    %mul3A_167 = vector.broadcast %mul3A_166 : f32 to vector<128x1xf32>
    %mul3A_168 = arith.mulf %broadcast_in_dim3A_162, %mul3A_167 : vector<128x1xf32>
    %mul3A_169 = arith.mulf %mul3A_165, %mul3A_165 : vector<128x1xf32>
    %sub3A_170 = arith.subf %mul3A_168, %mul3A_169 : vector<128x1xf32>
    %sub3A_171 = vector.broadcast %mul3A_165 : vector<128x1xf32> to vector<128x300xf32>
    %sub3A_172 = arith.subf %add3A_155, %sub3A_171 : vector<128x300xf32>
    %add3A_173 = arith.constant 9.99999974E-6 : f32
    %add3A_174 = vector.broadcast %add3A_173 : f32 to vector<128x1xf32>
    %add3A_175 = arith.addf %sub3A_170, %add3A_174 : vector<128x1xf32>
    %rsqrt3A_176 = math.rsqrt %add3A_175 : vector<128x1xf32>
    %mul3A_177 = vector.broadcast %rsqrt3A_176 : vector<128x1xf32> to vector<128x300xf32>
    %mul3A_178 = arith.mulf %sub3A_172, %mul3A_177 : vector<128x300xf32>
    %convert_element_type3A_179 = arith.truncf %mul3A_178 : vector<128x300xf32> to vector<128x300xbf16>
    %mul3A_180 = vector.broadcast %convert_element_type3A : vector<1x300xbf16> to vector<128x300xbf16>
    %mul3A_181 = arith.mulf %convert_element_type3A_179, %mul3A_180 : vector<128x300xbf16>
    %add3A_182 = vector.broadcast %convert_element_type3A_28 : vector<1x300xbf16> to vector<128x300xbf16>
    %add3A_183 = arith.addf %mul3A_181, %add3A_182 : vector<128x300xbf16>
    %gt3A_184 = arith.constant 0.000000e+00 : bf16
    %gt3A_185 = vector.broadcast %gt3A_184 : bf16 to vector<128x300xbf16>
    %gt3A_186 = arith.cmpf ogt, %add3A_183, %gt3A_185 : vector<128x300xbf16>
    %exp3A_187 = math.exp %add3A_183 : vector<128x300xbf16>
    %sub3A_188 = arith.constant 1.000000e+00 : bf16
    %sub3A_189 = vector.broadcast %sub3A_188 : bf16 to vector<128x300xbf16>
    %sub3A_190 = arith.subf %exp3A_187, %sub3A_189 : vector<128x300xbf16>
    %select_n3A_191 = arith.select %gt3A_186, %add3A_183, %sub3A_190 : vector<128x300xi1>, vector<128x300xbf16>
    %dot_general3A_192 = arith.constant dense<0.000000e+00> : vector<1x128xf32>
    %dot_general3A_193 = tpu.matmul %convert_element_type3A_29, %select_n3A_191, %dot_general3A_192 {dimension_numbers = #tpu.dot_dimension_numbers<[1], [1], [0], [0], [0, 0, 1, 0], [], []>, transpose_lhs_hint = false} : vector<1x300xbf16>, vector<128x300xbf16>, vector<1x128xf32> -> vector<1x128xf32>
    %squeeze3A_194 = vector.shape_cast %dot_general3A_193 : vector<1x128xf32> to vector<128xf32>
    %add3A_195 = vector.broadcast %get3A_27 : f32 to vector<128xf32>
    %add3A_196 = arith.addf %squeeze3A_194, %add3A_195 : vector<128xf32>
    %swap3A_197 = arith.constant 0 : index
    %swap3A_198 = arith.constant 2 : index
    %swap3A_199 = arith.constant 0 : index
    %swap3A_200 = vector.load %arg11[%swap3A_197, %swap3A_198, %swap3A_199] : memref<2x32x128xf32, #tpu.memory_space<vmem>>, vector<1x1x128xf32>
    %swap3A_201 = vector.shape_cast %swap3A_200 : vector<1x1x128xf32> to vector<128xf32>
    %swap3A_202 = vector.shape_cast %add3A_196 : vector<128xf32> to vector<1x1x128xf32>
    tpu.vector_store %arg11[%swap3A_197, %swap3A_198, %swap3A_199], %swap3A_202 {strides = array<i32>} : memref<2x32x128xf32, #tpu.memory_space<vmem>>, vector<1x1x128xf32>,
    %slice3A_203 = vector.extract_strided_slice %dot_general3A_45 {offsets = [119, 0], sizes = [9, 300], strides = [1, 1]} : vector<128x300xf32> to vector<9x300xf32>
    %slice3A_204 = vector.extract_strided_slice %dot_general3A_45 {offsets = [0, 0], sizes = [119, 300], strides = [1, 1]} : vector<128x300xf32> to vector<119x300xf32>
    %concatenate3A_205 = tpu.concatenate %slice3A_203, %slice3A_204 in 0 : vector<9x300xf32>, vector<119x300xf32> -> vector<128x300xf32>
    %add3A_206 = arith.addf %dot_general3A_42, %concatenate3A_205 : vector<128x300xf32>
    %slice3A_207 = vector.extract_strided_slice %add3A_14 {offsets = [3, 0], sizes = [1, 300], strides = [1, 1]} : vector<25x300xf32> to vector<1x300xf32>
    %squeeze3A_208 = vector.shape_cast %slice3A_207 : vector<1x300xf32> to vector<300xf32>
    %broadcast_in_dim3A_209 = vector.shape_cast %squeeze3A_208 : vector<300xf32> to vector<1x300xf32>
    %add3A_210 = vector.broadcast %broadcast_in_dim3A_209 : vector<1x300xf32> to vector<128x300xf32>
    %add3A_211 = arith.addf %add3A_206, %add3A_210 : vector<128x300xf32>
    %reduce_sum3A_212 = arith.constant dense<0.000000e+00> : vector<128xf32>
    %reduce_sum3A_213 = vector.multi_reduction <add>, %add3A_211, %reduce_sum3A_212 [1] : vector<128x300xf32> to vector<128xf32>
    %broadcast_in_dim3A_214 = vector.shape_cast %reduce_sum3A_213 : vector<128xf32> to vector<128x1xf32>
    %mul3A_215 = arith.mulf %add3A_211, %add3A_211 : vector<128x300xf32>
    %reduce_sum3A_216 = arith.constant dense<0.000000e+00> : vector<128xf32>
    %reduce_sum3A_217 = vector.multi_reduction <add>, %mul3A_215, %reduce_sum3A_216 [1] : vector<128x300xf32> to vector<128xf32>
    %broadcast_in_dim3A_218 = vector.shape_cast %reduce_sum3A_217 : vector<128xf32> to vector<128x1xf32>
    %mul3A_219 = arith.constant 0.00333333341 : f32
    %mul3A_220 = vector.broadcast %mul3A_219 : f32 to vector<128x1xf32>
    %mul3A_221 = arith.mulf %broadcast_in_dim3A_214, %mul3A_220 : vector<128x1xf32>
    %mul3A_222 = arith.constant 0.00333333341 : f32
    %mul3A_223 = vector.broadcast %mul3A_222 : f32 to vector<128x1xf32>
    %mul3A_224 = arith.mulf %broadcast_in_dim3A_218, %mul3A_223 : vector<128x1xf32>
    %mul3A_225 = arith.mulf %mul3A_221, %mul3A_221 : vector<128x1xf32>
    %sub3A_226 = arith.subf %mul3A_224, %mul3A_225 : vector<128x1xf32>
    %sub3A_227 = vector.broadcast %mul3A_221 : vector<128x1xf32> to vector<128x300xf32>
    %sub3A_228 = arith.subf %add3A_211, %sub3A_227 : vector<128x300xf32>
    %add3A_229 = arith.constant 9.99999974E-6 : f32
    %add3A_230 = vector.broadcast %add3A_229 : f32 to vector<128x1xf32>
    %add3A_231 = arith.addf %sub3A_226, %add3A_230 : vector<128x1xf32>
    %rsqrt3A_232 = math.rsqrt %add3A_231 : vector<128x1xf32>
    %mul3A_233 = vector.broadcast %rsqrt3A_232 : vector<128x1xf32> to vector<128x300xf32>
    %mul3A_234 = arith.mulf %sub3A_228, %mul3A_233 : vector<128x300xf32>
    %convert_element_type3A_235 = arith.truncf %mul3A_234 : vector<128x300xf32> to vector<128x300xbf16>
    %mul3A_236 = vector.broadcast %convert_element_type3A : vector<1x300xbf16> to vector<128x300xbf16>
    %mul3A_237 = arith.mulf %convert_element_type3A_235, %mul3A_236 : vector<128x300xbf16>
    %add3A_238 = vector.broadcast %convert_element_type3A_28 : vector<1x300xbf16> to vector<128x300xbf16>
    %add3A_239 = arith.addf %mul3A_237, %add3A_238 : vector<128x300xbf16>
    %gt3A_240 = arith.constant 0.000000e+00 : bf16
    %gt3A_241 = vector.broadcast %gt3A_240 : bf16 to vector<128x300xbf16>
    %gt3A_242 = arith.cmpf ogt, %add3A_239, %gt3A_241 : vector<128x300xbf16>
    %exp3A_243 = math.exp %add3A_239 : vector<128x300xbf16>
    %sub3A_244 = arith.constant 1.000000e+00 : bf16
    %sub3A_245 = vector.broadcast %sub3A_244 : bf16 to vector<128x300xbf16>
    %sub3A_246 = arith.subf %exp3A_243, %sub3A_245 : vector<128x300xbf16>
    %select_n3A_247 = arith.select %gt3A_242, %add3A_239, %sub3A_246 : vector<128x300xi1>, vector<128x300xbf16>
    %dot_general3A_248 = arith.constant dense<0.000000e+00> : vector<1x128xf32>
    %dot_general3A_249 = tpu.matmul %convert_element_type3A_29, %select_n3A_247, %dot_general3A_248 {dimension_numbers = #tpu.dot_dimension_numbers<[1], [1], [0], [0], [0, 0, 1, 0], [], []>, transpose_lhs_hint = false} : vector<1x300xbf16>, vector<128x300xbf16>, vector<1x128xf32> -> vector<1x128xf32>
    %squeeze3A_250 = vector.shape_cast %dot_general3A_249 : vector<1x128xf32> to vector<128xf32>
    %add3A_251 = vector.broadcast %get3A_27 : f32 to vector<128xf32>
    %add3A_252 = arith.addf %squeeze3A_250, %add3A_251 : vector<128xf32>
    %swap3A_253 = arith.constant 0 : index
    %swap3A_254 = arith.constant 3 : index
    %swap3A_255 = arith.constant 0 : index
    %swap3A_256 = vector.load %arg11[%swap3A_253, %swap3A_254, %swap3A_255] : memref<2x32x128xf32, #tpu.memory_space<vmem>>, vector<1x1x128xf32>
    %swap3A_257 = vector.shape_cast %swap3A_256 : vector<1x1x128xf32> to vector<128xf32>
    %swap3A_258 = vector.shape_cast %add3A_252 : vector<128xf32> to vector<1x1x128xf32>
    tpu.vector_store %arg11[%swap3A_253, %swap3A_254, %swap3A_255], %swap3A_258 {strides = array<i32>} : memref<2x32x128xf32, #tpu.memory_space<vmem>>, vector<1x1x128xf32>,
    %slice3A_259 = vector.extract_strided_slice %dot_general3A_45 {offsets = [120, 0], sizes = [8, 300], strides = [1, 1]} : vector<128x300xf32> to vector<8x300xf32>
    %slice3A_260 = vector.extract_strided_slice %dot_general3A_45 {offsets = [0, 0], sizes = [120, 300], strides = [1, 1]} : vector<128x300xf32> to vector<120x300xf32>
    %concatenate3A_261 = tpu.concatenate %slice3A_259, %slice3A_260 in 0 : vector<8x300xf32>, vector<120x300xf32> -> vector<128x300xf32>
    %add3A_262 = arith.addf %dot_general3A_42, %concatenate3A_261 : vector<128x300xf32>
    %slice3A_263 = vector.extract_strided_slice %add3A_14 {offsets = [4, 0], sizes = [1, 300], strides = [1, 1]} : vector<25x300xf32> to vector<1x300xf32>
    %squeeze3A_264 = vector.shape_cast %slice3A_263 : vector<1x300xf32> to vector<300xf32>
    %broadcast_in_dim3A_265 = vector.shape_cast %squeeze3A_264 : vector<300xf32> to vector<1x300xf32>
    %add3A_266 = vector.broadcast %broadcast_in_dim3A_265 : vector<1x300xf32> to vector<128x300xf32>
    %add3A_267 = arith.addf %add3A_262, %add3A_266 : vector<128x300xf32>
    %reduce_sum3A_268 = arith.constant dense<0.000000e+00> : vector<128xf32>
    %reduce_sum3A_269 = vector.multi_reduction <add>, %add3A_267, %reduce_sum3A_268 [1] : vector<128x300xf32> to vector<128xf32>
    %broadcast_in_dim3A_270 = vector.shape_cast %reduce_sum3A_269 : vector<128xf32> to vector<128x1xf32>
    %mul3A_271 = arith.mulf %add3A_267, %add3A_267 : vector<128x300xf32>
    %reduce_sum3A_272 = arith.constant dense<0.000000e+00> : vector<128xf32>
    %reduce_sum3A_273 = vector.multi_reduction <add>, %mul3A_271, %reduce_sum3A_272 [1] : vector<128x300xf32> to vector<128xf32>
    %broadcast_in_dim3A_274 = vector.shape_cast %reduce_sum3A_273 : vector<128xf32> to vector<128x1xf32>
    %mul3A_275 = arith.constant 0.00333333341 : f32
    %mul3A_276 = vector.broadcast %mul3A_275 : f32 to vector<128x1xf32>
    %mul3A_277 = arith.mulf %broadcast_in_dim3A_270, %mul3A_276 : vector<128x1xf32>
    %mul3A_278 = arith.constant 0.00333333341 : f32
    %mul3A_279 = vector.broadcast %mul3A_278 : f32 to vector<128x1xf32>
    %mul3A_280 = arith.mulf %broadcast_in_dim3A_274, %mul3A_279 : vector<128x1xf32>
    %mul3A_281 = arith.mulf %mul3A_277, %mul3A_277 : vector<128x1xf32>
    %sub3A_282 = arith.subf %mul3A_280, %mul3A_281 : vector<128x1xf32>
    %sub3A_283 = vector.broadcast %mul3A_277 : vector<128x1xf32> to vector<128x300xf32>
    %sub3A_284 = arith.subf %add3A_267, %sub3A_283 : vector<128x300xf32>
    %add3A_285 = arith.constant 9.99999974E-6 : f32
    %add3A_286 = vector.broadcast %add3A_285 : f32 to vector<128x1xf32>
    %add3A_287 = arith.addf %sub3A_282, %add3A_286 : vector<128x1xf32>
    %rsqrt3A_288 = math.rsqrt %add3A_287 : vector<128x1xf32>
    %mul3A_289 = vector.broadcast %rsqrt3A_288 : vector<128x1xf32> to vector<128x300xf32>
    %mul3A_290 = arith.mulf %sub3A_284, %mul3A_289 : vector<128x300xf32>
    %convert_element_type3A_291 = arith.truncf %mul3A_290 : vector<128x300xf32> to vector<128x300xbf16>
    %mul3A_292 = vector.broadcast %convert_element_type3A : vector<1x300xbf16> to vector<128x300xbf16>
    %mul3A_293 = arith.mulf %convert_element_type3A_291, %mul3A_292 : vector<128x300xbf16>
    %add3A_294 = vector.broadcast %convert_element_type3A_28 : vector<1x300xbf16> to vector<128x300xbf16>
    %add3A_295 = arith.addf %mul3A_293, %add3A_294 : vector<128x300xbf16>
    %gt3A_296 = arith.constant 0.000000e+00 : bf16
    %gt3A_297 = vector.broadcast %gt3A_296 : bf16 to vector<128x300xbf16>
    %gt3A_298 = arith.cmpf ogt, %add3A_295, %gt3A_297 : vector<128x300xbf16>
    %exp3A_299 = math.exp %add3A_295 : vector<128x300xbf16>
    %sub3A_300 = arith.constant 1.000000e+00 : bf16
    %sub3A_301 = vector.broadcast %sub3A_300 : bf16 to vector<128x300xbf16>
    %sub3A_302 = arith.subf %exp3A_299, %sub3A_301 : vector<128x300xbf16>
    %select_n3A_303 = arith.select %gt3A_298, %add3A_295, %sub3A_302 : vector<128x300xi1>, vector<128x300xbf16>
    %dot_general3A_304 = arith.constant dense<0.000000e+00> : vector<1x128xf32>
    %dot_general3A_305 = tpu.matmul %convert_element_type3A_29, %select_n3A_303, %dot_general3A_304 {dimension_numbers = #tpu.dot_dimension_numbers<[1], [1], [0], [0], [0, 0, 1, 0], [], []>, transpose_lhs_hint = false} : vector<1x300xbf16>, vector<128x300xbf16>, vector<1x128xf32> -> vector<1x128xf32>
    %squeeze3A_306 = vector.shape_cast %dot_general3A_305 : vector<1x128xf32> to vector<128xf32>
    %add3A_307 = vector.broadcast %get3A_27 : f32 to vector<128xf32>
    %add3A_308 = arith.addf %squeeze3A_306, %add3A_307 : vector<128xf32>
    %swap3A_309 = arith.constant 0 : index
    %swap3A_310 = arith.constant 4 : index
    %swap3A_311 = arith.constant 0 : index
    %swap3A_312 = vector.load %arg11[%swap3A_309, %swap3A_310, %swap3A_311] : memref<2x32x128xf32, #tpu.memory_space<vmem>>, vector<1x1x128xf32>
    %swap3A_313 = vector.shape_cast %swap3A_312 : vector<1x1x128xf32> to vector<128xf32>
    %swap3A_314 = vector.shape_cast %add3A_308 : vector<128xf32> to vector<1x1x128xf32>
    tpu.vector_store %arg11[%swap3A_309, %swap3A_310, %swap3A_311], %swap3A_314 {strides = array<i32>} : memref<2x32x128xf32, #tpu.memory_space<vmem>>, vector<1x1x128xf32>,
    %slice3A_315 = vector.extract_strided_slice %dot_general3A_45 {offsets = [121, 0], sizes = [7, 300], strides = [1, 1]} : vector<128x300xf32> to vector<7x300xf32>
    %slice3A_316 = vector.extract_strided_slice %dot_general3A_45 {offsets = [0, 0], sizes = [121, 300], strides = [1, 1]} : vector<128x300xf32> to vector<121x300xf32>
    %concatenate3A_317 = tpu.concatenate %slice3A_315, %slice3A_316 in 0 : vector<7x300xf32>, vector<121x300xf32> -> vector<128x300xf32>
    %add3A_318 = arith.addf %dot_general3A_42, %concatenate3A_317 : vector<128x300xf32>
    %slice3A_319 = vector.extract_strided_slice %add3A_14 {offsets = [5, 0], sizes = [1, 300], strides = [1, 1]} : vector<25x300xf32> to vector<1x300xf32>
    %squeeze3A_320 = vector.shape_cast %slice3A_319 : vector<1x300xf32> to vector<300xf32>
    %broadcast_in_dim3A_321 = vector.shape_cast %squeeze3A_320 : vector<300xf32> to vector<1x300xf32>
    %add3A_322 = vector.broadcast %broadcast_in_dim3A_321 : vector<1x300xf32> to vector<128x300xf32>
    %add3A_323 = arith.addf %add3A_318, %add3A_322 : vector<128x300xf32>
    %reduce_sum3A_324 = arith.constant dense<0.000000e+00> : vector<128xf32>
    %reduce_sum3A_325 = vector.multi_reduction <add>, %add3A_323, %reduce_sum3A_324 [1] : vector<128x300xf32> to vector<128xf32>
    %broadcast_in_dim3A_326 = vector.shape_cast %reduce_sum3A_325 : vector<128xf32> to vector<128x1xf32>
    %mul3A_327 = arith.mulf %add3A_323, %add3A_323 : vector<128x300xf32>
    %reduce_sum3A_328 = arith.constant dense<0.000000e+00> : vector<128xf32>
    %reduce_sum3A_329 = vector.multi_reduction <add>, %mul3A_327, %reduce_sum3A_328 [1] : vector<128x300xf32> to vector<128xf32>
    %broadcast_in_dim3A_330 = vector.shape_cast %reduce_sum3A_329 : vector<128xf32> to vector<128x1xf32>
    %mul3A_331 = arith.constant 0.00333333341 : f32
    %mul3A_332 = vector.broadcast %mul3A_331 : f32 to vector<128x1xf32>
    %mul3A_333 = arith.mulf %broadcast_in_dim3A_326, %mul3A_332 : vector<128x1xf32>
    %mul3A_334 = arith.constant 0.00333333341 : f32
    %mul3A_335 = vector.broadcast %mul3A_334 : f32 to vector<128x1xf32>
    %mul3A_336 = arith.mulf %broadcast_in_dim3A_330, %mul3A_335 : vector<128x1xf32>
    %mul3A_337 = arith.mulf %mul3A_333, %mul3A_333 : vector<128x1xf32>
    %sub3A_338 = arith.subf %mul3A_336, %mul3A_337 : vector<128x1xf32>
    %sub3A_339 = vector.broadcast %mul3A_333 : vector<128x1xf32> to vector<128x300xf32>
    %sub3A_340 = arith.subf %add3A_323, %sub3A_339 : vector<128x300xf32>
    %add3A_341 = arith.constant 9.99999974E-6 : f32
    %add3A_342 = vector.broadcast %add3A_341 : f32 to vector<128x1xf32>
    %add3A_343 = arith.addf %sub3A_338, %add3A_342 : vector<128x1xf32>
    %rsqrt3A_344 = math.rsqrt %add3A_343 : vector<128x1xf32>
    %mul3A_345 = vector.broadcast %rsqrt3A_344 : vector<128x1xf32> to vector<128x300xf32>
    %mul3A_346 = arith.mulf %sub3A_340, %mul3A_345 : vector<128x300xf32>
    %convert_element_type3A_347 = arith.truncf %mul3A_346 : vector<128x300xf32> to vector<128x300xbf16>
    %mul3A_348 = vector.broadcast %convert_element_type3A : vector<1x300xbf16> to vector<128x300xbf16>
    %mul3A_349 = arith.mulf %convert_element_type3A_347, %mul3A_348 : vector<128x300xbf16>
    %add3A_350 = vector.broadcast %convert_element_type3A_28 : vector<1x300xbf16> to vector<128x300xbf16>
    %add3A_351 = arith.addf %mul3A_349, %add3A_350 : vector<128x300xbf16>
    %gt3A_352 = arith.constant 0.000000e+00 : bf16
    %gt3A_353 = vector.broadcast %gt3A_352 : bf16 to vector<128x300xbf16>
    %gt3A_354 = arith.cmpf ogt, %add3A_351, %gt3A_353 : vector<128x300xbf16>
    %exp3A_355 = math.exp %add3A_351 : vector<128x300xbf16>
    %sub3A_356 = arith.constant 1.000000e+00 : bf16
    %sub3A_357 = vector.broadcast %sub3A_356 : bf16 to vector<128x300xbf16>
    %sub3A_358 = arith.subf %exp3A_355, %sub3A_357 : vector<128x300xbf16>
    %select_n3A_359 = arith.select %gt3A_354, %add3A_351, %sub3A_358 : vector<128x300xi1>, vector<128x300xbf16>
    %dot_general3A_360 = arith.constant dense<0.000000e+00> : vector<1x128xf32>
    %dot_general3A_361 = tpu.matmul %convert_element_type3A_29, %select_n3A_359, %dot_general3A_360 {dimension_numbers = #tpu.dot_dimension_numbers<[1], [1], [0], [0], [0, 0, 1, 0], [], []>, transpose_lhs_hint = false} : vector<1x300xbf16>, vector<128x300xbf16>, vector<1x128xf32> -> vector<1x128xf32>
    %squeeze3A_362 = vector.shape_cast %dot_general3A_361 : vector<1x128xf32> to vector<128xf32>
    %add3A_363 = vector.broadcast %get3A_27 : f32 to vector<128xf32>
    %add3A_364 = arith.addf %squeeze3A_362, %add3A_363 : vector<128xf32>
    %swap3A_365 = arith.constant 0 : index
    %swap3A_366 = arith.constant 5 : index
    %swap3A_367 = arith.constant 0 : index
    %swap3A_368 = vector.load %arg11[%swap3A_365, %swap3A_366, %swap3A_367] : memref<2x32x128xf32, #tpu.memory_space<vmem>>, vector<1x1x128xf32>
    %swap3A_369 = vector.shape_cast %swap3A_368 : vector<1x1x128xf32> to vector<128xf32>
    %swap3A_370 = vector.shape_cast %add3A_364 : vector<128xf32> to vector<1x1x128xf32>
    tpu.vector_store %arg11[%swap3A_365, %swap3A_366, %swap3A_367], %swap3A_370 {strides = array<i32>} : memref<2x32x128xf32, #tpu.memory_space<vmem>>, vector<1x1x128xf32>,
    %slice3A_371 = vector.extract_strided_slice %dot_general3A_45 {offsets = [122, 0], sizes = [6, 300], strides = [1, 1]} : vector<128x300xf32> to vector<6x300xf32>
    %slice3A_372 = vector.extract_strided_slice %dot_general3A_45 {offsets = [0, 0], sizes = [122, 300], strides = [1, 1]} : vector<128x300xf32> to vector<122x300xf32>
    %concatenate3A_373 = tpu.concatenate %slice3A_371, %slice3A_372 in 0 : vector<6x300xf32>, vector<122x300xf32> -> vector<128x300xf32>
    %add3A_374 = arith.addf %dot_general3A_42, %concatenate3A_373 : vector<128x300xf32>
    %slice3A_375 = vector.extract_strided_slice %add3A_14 {offsets = [6, 0], sizes = [1, 300], strides = [1, 1]} : vector<25x300xf32> to vector<1x300xf32>
    %squeeze3A_376 = vector.shape_cast %slice3A_375 : vector<1x300xf32> to vector<300xf32>
    %broadcast_in_dim3A_377 = vector.shape_cast %squeeze3A_376 : vector<300xf32> to vector<1x300xf32>
    %add3A_378 = vector.broadcast %broadcast_in_dim3A_377 : vector<1x300xf32> to vector<128x300xf32>
    %add3A_379 = arith.addf %add3A_374, %add3A_378 : vector<128x300xf32>
    %reduce_sum3A_380 = arith.constant dense<0.000000e+00> : vector<128xf32>
    %reduce_sum3A_381 = vector.multi_reduction <add>, %add3A_379, %reduce_sum3A_380 [1] : vector<128x300xf32> to vector<128xf32>
    %broadcast_in_dim3A_382 = vector.shape_cast %reduce_sum3A_381 : vector<128xf32> to vector<128x1xf32>
    %mul3A_383 = arith.mulf %add3A_379, %add3A_379 : vector<128x300xf32>
    %reduce_sum3A_384 = arith.constant dense<0.000000e+00> : vector<128xf32>
    %reduce_sum3A_385 = vector.multi_reduction <add>, %mul3A_383, %reduce_sum3A_384 [1] : vector<128x300xf32> to vector<128xf32>
    %broadcast_in_dim3A_386 = vector.shape_cast %reduce_sum3A_385 : vector<128xf32> to vector<128x1xf32>
    %mul3A_387 = arith.constant 0.00333333341 : f32
    %mul3A_388 = vector.broadcast %mul3A_387 : f32 to vector<128x1xf32>
    %mul3A_389 = arith.mulf %broadcast_in_dim3A_382, %mul3A_388 : vector<128x1xf32>
    %mul3A_390 = arith.constant 0.00333333341 : f32
    %mul3A_391 = vector.broadcast %mul3A_390 : f32 to vector<128x1xf32>
    %mul3A_392 = arith.mulf %broadcast_in_dim3A_386, %mul3A_391 : vector<128x1xf32>
    %mul3A_393 = arith.mulf %mul3A_389, %mul3A_389 : vector<128x1xf32>
    %sub3A_394 = arith.subf %mul3A_392, %mul3A_393 : vector<128x1xf32>
    %sub3A_395 = vector.broadcast %mul3A_389 : vector<128x1xf32> to vector<128x300xf32>
    %sub3A_396 = arith.subf %add3A_379, %sub3A_395 : vector<128x300xf32>
    %add3A_397 = arith.constant 9.99999974E-6 : f32
    %add3A_398 = vector.broadcast %add3A_397 : f32 to vector<128x1xf32>
    %add3A_399 = arith.addf %sub3A_394, %add3A_398 : vector<128x1xf32>
    %rsqrt3A_400 = math.rsqrt %add3A_399 : vector<128x1xf32>
    %mul3A_401 = vector.broadcast %rsqrt3A_400 : vector<128x1xf32> to vector<128x300xf32>
    %mul3A_402 = arith.mulf %sub3A_396, %mul3A_401 : vector<128x300xf32>
    %convert_element_type3A_403 = arith.truncf %mul3A_402 : vector<128x300xf32> to vector<128x300xbf16>
    %mul3A_404 = vector.broadcast %convert_element_type3A : vector<1x300xbf16> to vector<128x300xbf16>
    %mul3A_405 = arith.mulf %convert_element_type3A_403, %mul3A_404 : vector<128x300xbf16>
    %add3A_406 = vector.broadcast %convert_element_type3A_28 : vector<1x300xbf16> to vector<128x300xbf16>
    %add3A_407 = arith.addf %mul3A_405, %add3A_406 : vector<128x300xbf16>
    %gt3A_408 = arith.constant 0.000000e+00 : bf16
    %gt3A_409 = vector.broadcast %gt3A_408 : bf16 to vector<128x300xbf16>
    %gt3A_410 = arith.cmpf ogt, %add3A_407, %gt3A_409 : vector<128x300xbf16>
    %exp3A_411 = math.exp %add3A_407 : vector<128x300xbf16>
    %sub3A_412 = arith.constant 1.000000e+00 : bf16
    %sub3A_413 = vector.broadcast %sub3A_412 : bf16 to vector<128x300xbf16>
    %sub3A_414 = arith.subf %exp3A_411, %sub3A_413 : vector<128x300xbf16>
    %select_n3A_415 = arith.select %gt3A_410, %add3A_407, %sub3A_414 : vector<128x300xi1>, vector<128x300xbf16>
    %dot_general3A_416 = arith.constant dense<0.000000e+00> : vector<1x128xf32>
    %dot_general3A_417 = tpu.matmul %convert_element_type3A_29, %select_n3A_415, %dot_general3A_416 {dimension_numbers = #tpu.dot_dimension_numbers<[1], [1], [0], [0], [0, 0, 1, 0], [], []>, transpose_lhs_hint = false} : vector<1x300xbf16>, vector<128x300xbf16>, vector<1x128xf32> -> vector<1x128xf32>
    %squeeze3A_418 = vector.shape_cast %dot_general3A_417 : vector<1x128xf32> to vector<128xf32>
    %add3A_419 = vector.broadcast %get3A_27 : f32 to vector<128xf32>
    %add3A_420 = arith.addf %squeeze3A_418, %add3A_419 : vector<128xf32>
    %swap3A_421 = arith.constant 0 : index
    %swap3A_422 = arith.constant 6 : index
    %swap3A_423 = arith.constant 0 : index
    %swap3A_424 = vector.load %arg11[%swap3A_421, %swap3A_422, %swap3A_423] : memref<2x32x128xf32, #tpu.memory_space<vmem>>, vector<1x1x128xf32>
    %swap3A_425 = vector.shape_cast %swap3A_424 : vector<1x1x128xf32> to vector<128xf32>
    %swap3A_426 = vector.shape_cast %add3A_420 : vector<128xf32> to vector<1x1x128xf32>
    tpu.vector_store %arg11[%swap3A_421, %swap3A_422, %swap3A_423], %swap3A_426 {strides = array<i32>} : memref<2x32x128xf32, #tpu.memory_space<vmem>>, vector<1x1x128xf32>,
    %slice3A_427 = vector.extract_strided_slice %dot_general3A_45 {offsets = [123, 0], sizes = [5, 300], strides = [1, 1]} : vector<128x300xf32> to vector<5x300xf32>
    %slice3A_428 = vector.extract_strided_slice %dot_general3A_45 {offsets = [0, 0], sizes = [123, 300], strides = [1, 1]} : vector<128x300xf32> to vector<123x300xf32>
    %concatenate3A_429 = tpu.concatenate %slice3A_427, %slice3A_428 in 0 : vector<5x300xf32>, vector<123x300xf32> -> vector<128x300xf32>
    %add3A_430 = arith.addf %dot_general3A_42, %concatenate3A_429 : vector<128x300xf32>
    %slice3A_431 = vector.extract_strided_slice %add3A_14 {offsets = [7, 0], sizes = [1, 300], strides = [1, 1]} : vector<25x300xf32> to vector<1x300xf32>
    %squeeze3A_432 = vector.shape_cast %slice3A_431 : vector<1x300xf32> to vector<300xf32>
    %broadcast_in_dim3A_433 = vector.shape_cast %squeeze3A_432 : vector<300xf32> to vector<1x300xf32>
    %add3A_434 = vector.broadcast %broadcast_in_dim3A_433 : vector<1x300xf32> to vector<128x300xf32>
    %add3A_435 = arith.addf %add3A_430, %add3A_434 : vector<128x300xf32>
    %reduce_sum3A_436 = arith.constant dense<0.000000e+00> : vector<128xf32>
    %reduce_sum3A_437 = vector.multi_reduction <add>, %add3A_435, %reduce_sum3A_436 [1] : vector<128x300xf32> to vector<128xf32>
    %broadcast_in_dim3A_438 = vector.shape_cast %reduce_sum3A_437 : vector<128xf32> to vector<128x1xf32>
    %mul3A_439 = arith.mulf %add3A_435, %add3A_435 : vector<128x300xf32>
    %reduce_sum3A_440 = arith.constant dense<0.000000e+00> : vector<128xf32>
    %reduce_sum3A_441 = vector.multi_reduction <add>, %mul3A_439, %reduce_sum3A_440 [1] : vector<128x300xf32> to vector<128xf32>
    %broadcast_in_dim3A_442 = vector.shape_cast %reduce_sum3A_441 : vector<128xf32> to vector<128x1xf32>
    %mul3A_443 = arith.constant 0.00333333341 : f32
    %mul3A_444 = vector.broadcast %mul3A_443 : f32 to vector<128x1xf32>
    %mul3A_445 = arith.mulf %broadcast_in_dim3A_438, %mul3A_444 : vector<128x1xf32>
    %mul3A_446 = arith.constant 0.00333333341 : f32
    %mul3A_447 = vector.broadcast %mul3A_446 : f32 to vector<128x1xf32>
    %mul3A_448 = arith.mulf %broadcast_in_dim3A_442, %mul3A_447 : vector<128x1xf32>
    %mul3A_449 = arith.mulf %mul3A_445, %mul3A_445 : vector<128x1xf32>
    %sub3A_450 = arith.subf %mul3A_448, %mul3A_449 : vector<128x1xf32>
    %sub3A_451 = vector.broadcast %mul3A_445 : vector<128x1xf32> to vector<128x300xf32>
    %sub3A_452 = arith.subf %add3A_435, %sub3A_451 : vector<128x300xf32>
    %add3A_453 = arith.constant 9.99999974E-6 : f32
    %add3A_454 = vector.broadcast %add3A_453 : f32 to vector<128x1xf32>
    %add3A_455 = arith.addf %sub3A_450, %add3A_454 : vector<128x1xf32>
    %rsqrt3A_456 = math.rsqrt %add3A_455 : vector<128x1xf32>
    %mul3A_457 = vector.broadcast %rsqrt3A_456 : vector<128x1xf32> to vector<128x300xf32>
    %mul3A_458 = arith.mulf %sub3A_452, %mul3A_457 : vector<128x300xf32>
    %convert_element_type3A_459 = arith.truncf %mul3A_458 : vector<128x300xf32> to vector<128x300xbf16>
    %mul3A_460 = vector.broadcast %convert_element_type3A : vector<1x300xbf16> to vector<128x300xbf16>
    %mul3A_461 = arith.mulf %convert_element_type3A_459, %mul3A_460 : vector<128x300xbf16>
    %add3A_462 = vector.broadcast %convert_element_type3A_28 : vector<1x300xbf16> to vector<128x300xbf16>
    %add3A_463 = arith.addf %mul3A_461, %add3A_462 : vector<128x300xbf16>
    %gt3A_464 = arith.constant 0.000000e+00 : bf16
    %gt3A_465 = vector.broadcast %gt3A_464 : bf16 to vector<128x300xbf16>
    %gt3A_466 = arith.cmpf ogt, %add3A_463, %gt3A_465 : vector<128x300xbf16>
    %exp3A_467 = math.exp %add3A_463 : vector<128x300xbf16>
    %sub3A_468 = arith.constant 1.000000e+00 : bf16
    %sub3A_469 = vector.broadcast %sub3A_468 : bf16 to vector<128x300xbf16>
    %sub3A_470 = arith.subf %exp3A_467, %sub3A_469 : vector<128x300xbf16>
    %select_n3A_471 = arith.select %gt3A_466, %add3A_463, %sub3A_470 : vector<128x300xi1>, vector<128x300xbf16>
    %dot_general3A_472 = arith.constant dense<0.000000e+00> : vector<1x128xf32>
    %dot_general3A_473 = tpu.matmul %convert_element_type3A_29, %select_n3A_471, %dot_general3A_472 {dimension_numbers = #tpu.dot_dimension_numbers<[1], [1], [0], [0], [0, 0, 1, 0], [], []>, transpose_lhs_hint = false} : vector<1x300xbf16>, vector<128x300xbf16>, vector<1x128xf32> -> vector<1x128xf32>
    %squeeze3A_474 = vector.shape_cast %dot_general3A_473 : vector<1x128xf32> to vector<128xf32>
    %add3A_475 = vector.broadcast %get3A_27 : f32 to vector<128xf32>
    %add3A_476 = arith.addf %squeeze3A_474, %add3A_475 : vector<128xf32>
    %swap3A_477 = arith.constant 0 : index
    %swap3A_478 = arith.constant 7 : index
    %swap3A_479 = arith.constant 0 : index
    %swap3A_480 = vector.load %arg11[%swap3A_477, %swap3A_478, %swap3A_479] : memref<2x32x128xf32, #tpu.memory_space<vmem>>, vector<1x1x128xf32>
    %swap3A_481 = vector.shape_cast %swap3A_480 : vector<1x1x128xf32> to vector<128xf32>
    %swap3A_482 = vector.shape_cast %add3A_476 : vector<128xf32> to vector<1x1x128xf32>
    tpu.vector_store %arg11[%swap3A_477, %swap3A_478, %swap3A_479], %swap3A_482 {strides = array<i32>} : memref<2x32x128xf32, #tpu.memory_space<vmem>>, vector<1x1x128xf32>,
    %slice3A_483 = vector.extract_strided_slice %dot_general3A_45 {offsets = [124, 0], sizes = [4, 300], strides = [1, 1]} : vector<128x300xf32> to vector<4x300xf32>
    %slice3A_484 = vector.extract_strided_slice %dot_general3A_45 {offsets = [0, 0], sizes = [124, 300], strides = [1, 1]} : vector<128x300xf32> to vector<124x300xf32>
    %concatenate3A_485 = tpu.concatenate %slice3A_483, %slice3A_484 in 0 : vector<4x300xf32>, vector<124x300xf32> -> vector<128x300xf32>
    %add3A_486 = arith.addf %dot_general3A_42, %concatenate3A_485 : vector<128x300xf32>
    %slice3A_487 = vector.extract_strided_slice %add3A_14 {offsets = [8, 0], sizes = [1, 300], strides = [1, 1]} : vector<25x300xf32> to vector<1x300xf32>
    %squeeze3A_488 = vector.shape_cast %slice3A_487 : vector<1x300xf32> to vector<300xf32>
    %broadcast_in_dim3A_489 = vector.shape_cast %squeeze3A_488 : vector<300xf32> to vector<1x300xf32>
    %add3A_490 = vector.broadcast %broadcast_in_dim3A_489 : vector<1x300xf32> to vector<128x300xf32>
    %add3A_491 = arith.addf %add3A_486, %add3A_490 : vector<128x300xf32>
    %reduce_sum3A_492 = arith.constant dense<0.000000e+00> : vector<128xf32>
    %reduce_sum3A_493 = vector.multi_reduction <add>, %add3A_491, %reduce_sum3A_492 [1] : vector<128x300xf32> to vector<128xf32>
    %broadcast_in_dim3A_494 = vector.shape_cast %reduce_sum3A_493 : vector<128xf32> to vector<128x1xf32>
    %mul3A_495 = arith.mulf %add3A_491, %add3A_491 : vector<128x300xf32>
    %reduce_sum3A_496 = arith.constant dense<0.000000e+00> : vector<128xf32>
    %reduce_sum3A_497 = vector.multi_reduction <add>, %mul3A_495, %reduce_sum3A_496 [1] : vector<128x300xf32> to vector<128xf32>
    %broadcast_in_dim3A_498 = vector.shape_cast %reduce_sum3A_497 : vector<128xf32> to vector<128x1xf32>
    %mul3A_499 = arith.constant 0.00333333341 : f32
    %mul3A_500 = vector.broadcast %mul3A_499 : f32 to vector<128x1xf32>
    %mul3A_501 = arith.mulf %broadcast_in_dim3A_494, %mul3A_500 : vector<128x1xf32>
    %mul3A_502 = arith.constant 0.00333333341 : f32
    %mul3A_503 = vector.broadcast %mul3A_502 : f32 to vector<128x1xf32>
    %mul3A_504 = arith.mulf %broadcast_in_dim3A_498, %mul3A_503 : vector<128x1xf32>
    %mul3A_505 = arith.mulf %mul3A_501, %mul3A_501 : vector<128x1xf32>
    %sub3A_506 = arith.subf %mul3A_504, %mul3A_505 : vector<128x1xf32>
    %sub3A_507 = vector.broadcast %mul3A_501 : vector<128x1xf32> to vector<128x300xf32>
    %sub3A_508 = arith.subf %add3A_491, %sub3A_507 : vector<128x300xf32>
    %add3A_509 = arith.constant 9.99999974E-6 : f32
    %add3A_510 = vector.broadcast %add3A_509 : f32 to vector<128x1xf32>
    %add3A_511 = arith.addf %sub3A_506, %add3A_510 : vector<128x1xf32>
    %rsqrt3A_512 = math.rsqrt %add3A_511 : vector<128x1xf32>
    %mul3A_513 = vector.broadcast %rsqrt3A_512 : vector<128x1xf32> to vector<128x300xf32>
    %mul3A_514 = arith.mulf %sub3A_508, %mul3A_513 : vector<128x300xf32>
    %convert_element_type3A_515 = arith.truncf %mul3A_514 : vector<128x300xf32> to vector<128x300xbf16>
    %mul3A_516 = vector.broadcast %convert_element_type3A : vector<1x300xbf16> to vector<128x300xbf16>
    %mul3A_517 = arith.mulf %convert_element_type3A_515, %mul3A_516 : vector<128x300xbf16>
    %add3A_518 = vector.broadcast %convert_element_type3A_28 : vector<1x300xbf16> to vector<128x300xbf16>
    %add3A_519 = arith.addf %mul3A_517, %add3A_518 : vector<128x300xbf16>
    %gt3A_520 = arith.constant 0.000000e+00 : bf16
    %gt3A_521 = vector.broadcast %gt3A_520 : bf16 to vector<128x300xbf16>
    %gt3A_522 = arith.cmpf ogt, %add3A_519, %gt3A_521 : vector<128x300xbf16>
    %exp3A_523 = math.exp %add3A_519 : vector<128x300xbf16>
    %sub3A_524 = arith.constant 1.000000e+00 : bf16
    %sub3A_525 = vector.broadcast %sub3A_524 : bf16 to vector<128x300xbf16>
    %sub3A_526 = arith.subf %exp3A_523, %sub3A_525 : vector<128x300xbf16>
    %select_n3A_527 = arith.select %gt3A_522, %add3A_519, %sub3A_526 : vector<128x300xi1>, vector<128x300xbf16>
    %dot_general3A_528 = arith.constant dense<0.000000e+00> : vector<1x128xf32>
    %dot_general3A_529 = tpu.matmul %convert_element_type3A_29, %select_n3A_527, %dot_general3A_528 {dimension_numbers = #tpu.dot_dimension_numbers<[1], [1], [0], [0], [0, 0, 1, 0], [], []>, transpose_lhs_hint = false} : vector<1x300xbf16>, vector<128x300xbf16>, vector<1x128xf32> -> vector<1x128xf32>
    %squeeze3A_530 = vector.shape_cast %dot_general3A_529 : vector<1x128xf32> to vector<128xf32>
    %add3A_531 = vector.broadcast %get3A_27 : f32 to vector<128xf32>
    %add3A_532 = arith.addf %squeeze3A_530, %add3A_531 : vector<128xf32>
    %swap3A_533 = arith.constant 0 : index
    %swap3A_534 = arith.constant 8 : index
    %swap3A_535 = arith.constant 0 : index
    %swap3A_536 = vector.load %arg11[%swap3A_533, %swap3A_534, %swap3A_535] : memref<2x32x128xf32, #tpu.memory_space<vmem>>, vector<1x1x128xf32>
    %swap3A_537 = vector.shape_cast %swap3A_536 : vector<1x1x128xf32> to vector<128xf32>
    %swap3A_538 = vector.shape_cast %add3A_532 : vector<128xf32> to vector<1x1x128xf32>
    tpu.vector_store %arg11[%swap3A_533, %swap3A_534, %swap3A_535], %swap3A_538 {strides = array<i32>} : memref<2x32x128xf32, #tpu.memory_space<vmem>>, vector<1x1x128xf32>,
    %slice3A_539 = vector.extract_strided_slice %dot_general3A_45 {offsets = [125, 0], sizes = [3, 300], strides = [1, 1]} : vector<128x300xf32> to vector<3x300xf32>
    %slice3A_540 = vector.extract_strided_slice %dot_general3A_45 {offsets = [0, 0], sizes = [125, 300], strides = [1, 1]} : vector<128x300xf32> to vector<125x300xf32>
    %concatenate3A_541 = tpu.concatenate %slice3A_539, %slice3A_540 in 0 : vector<3x300xf32>, vector<125x300xf32> -> vector<128x300xf32>
    %add3A_542 = arith.addf %dot_general3A_42, %concatenate3A_541 : vector<128x300xf32>
    %slice3A_543 = vector.extract_strided_slice %add3A_14 {offsets = [9, 0], sizes = [1, 300], strides = [1, 1]} : vector<25x300xf32> to vector<1x300xf32>
    %squeeze3A_544 = vector.shape_cast %slice3A_543 : vector<1x300xf32> to vector<300xf32>
    %broadcast_in_dim3A_545 = vector.shape_cast %squeeze3A_544 : vector<300xf32> to vector<1x300xf32>
    %add3A_546 = vector.broadcast %broadcast_in_dim3A_545 : vector<1x300xf32> to vector<128x300xf32>
    %add3A_547 = arith.addf %add3A_542, %add3A_546 : vector<128x300xf32>
    %reduce_sum3A_548 = arith.constant dense<0.000000e+00> : vector<128xf32>
    %reduce_sum3A_549 = vector.multi_reduction <add>, %add3A_547, %reduce_sum3A_548 [1] : vector<128x300xf32> to vector<128xf32>
    %broadcast_in_dim3A_550 = vector.shape_cast %reduce_sum3A_549 : vector<128xf32> to vector<128x1xf32>
    %mul3A_551 = arith.mulf %add3A_547, %add3A_547 : vector<128x300xf32>
    %reduce_sum3A_552 = arith.constant dense<0.000000e+00> : vector<128xf32>
    %reduce_sum3A_553 = vector.multi_reduction <add>, %mul3A_551, %reduce_sum3A_552 [1] : vector<128x300xf32> to vector<128xf32>
    %broadcast_in_dim3A_554 = vector.shape_cast %reduce_sum3A_553 : vector<128xf32> to vector<128x1xf32>
    %mul3A_555 = arith.constant 0.00333333341 : f32
    %mul3A_556 = vector.broadcast %mul3A_555 : f32 to vector<128x1xf32>
    %mul3A_557 = arith.mulf %broadcast_in_dim3A_550, %mul3A_556 : vector<128x1xf32>
    %mul3A_558 = arith.constant 0.00333333341 : f32
    %mul3A_559 = vector.broadcast %mul3A_558 : f32 to vector<128x1xf32>
    %mul3A_560 = arith.mulf %broadcast_in_dim3A_554, %mul3A_559 : vector<128x1xf32>
    %mul3A_561 = arith.mulf %mul3A_557, %mul3A_557 : vector<128x1xf32>
    %sub3A_562 = arith.subf %mul3A_560, %mul3A_561 : vector<128x1xf32>
    %sub3A_563 = vector.broadcast %mul3A_557 : vector<128x1xf32> to vector<128x300xf32>
    %sub3A_564 = arith.subf %add3A_547, %sub3A_563 : vector<128x300xf32>
    %add3A_565 = arith.constant 9.99999974E-6 : f32
    %add3A_566 = vector.broadcast %add3A_565 : f32 to vector<128x1xf32>
    %add3A_567 = arith.addf %sub3A_562, %add3A_566 : vector<128x1xf32>
    %rsqrt3A_568 = math.rsqrt %add3A_567 : vector<128x1xf32>
    %mul3A_569 = vector.broadcast %rsqrt3A_568 : vector<128x1xf32> to vector<128x300xf32>
    %mul3A_570 = arith.mulf %sub3A_564, %mul3A_569 : vector<128x300xf32>
    %convert_element_type3A_571 = arith.truncf %mul3A_570 : vector<128x300xf32> to vector<128x300xbf16>
    %mul3A_572 = vector.broadcast %convert_element_type3A : vector<1x300xbf16> to vector<128x300xbf16>
    %mul3A_573 = arith.mulf %convert_element_type3A_571, %mul3A_572 : vector<128x300xbf16>
    %add3A_574 = vector.broadcast %convert_element_type3A_28 : vector<1x300xbf16> to vector<128x300xbf16>
    %add3A_575 = arith.addf %mul3A_573, %add3A_574 : vector<128x300xbf16>
    %gt3A_576 = arith.constant 0.000000e+00 : bf16
    %gt3A_577 = vector.broadcast %gt3A_576 : bf16 to vector<128x300xbf16>
    %gt3A_578 = arith.cmpf ogt, %add3A_575, %gt3A_577 : vector<128x300xbf16>
    %exp3A_579 = math.exp %add3A_575 : vector<128x300xbf16>
    %sub3A_580 = arith.constant 1.000000e+00 : bf16
    %sub3A_581 = vector.broadcast %sub3A_580 : bf16 to vector<128x300xbf16>
    %sub3A_582 = arith.subf %exp3A_579, %sub3A_581 : vector<128x300xbf16>
    %select_n3A_583 = arith.select %gt3A_578, %add3A_575, %sub3A_582 : vector<128x300xi1>, vector<128x300xbf16>
    %dot_general3A_584 = arith.constant dense<0.000000e+00> : vector<1x128xf32>
    %dot_general3A_585 = tpu.matmul %convert_element_type3A_29, %select_n3A_583, %dot_general3A_584 {dimension_numbers = #tpu.dot_dimension_numbers<[1], [1], [0], [0], [0, 0, 1, 0], [], []>, transpose_lhs_hint = false} : vector<1x300xbf16>, vector<128x300xbf16>, vector<1x128xf32> -> vector<1x128xf32>
    %squeeze3A_586 = vector.shape_cast %dot_general3A_585 : vector<1x128xf32> to vector<128xf32>
    %add3A_587 = vector.broadcast %get3A_27 : f32 to vector<128xf32>
    %add3A_588 = arith.addf %squeeze3A_586, %add3A_587 : vector<128xf32>
    %swap3A_589 = arith.constant 0 : index
    %swap3A_590 = arith.constant 9 : index
    %swap3A_591 = arith.constant 0 : index
    %swap3A_592 = vector.load %arg11[%swap3A_589, %swap3A_590, %swap3A_591] : memref<2x32x128xf32, #tpu.memory_space<vmem>>, vector<1x1x128xf32>
    %swap3A_593 = vector.shape_cast %swap3A_592 : vector<1x1x128xf32> to vector<128xf32>
    %swap3A_594 = vector.shape_cast %add3A_588 : vector<128xf32> to vector<1x1x128xf32>
    tpu.vector_store %arg11[%swap3A_589, %swap3A_590, %swap3A_591], %swap3A_594 {strides = array<i32>} : memref<2x32x128xf32, #tpu.memory_space<vmem>>, vector<1x1x128xf32>,
    %slice3A_595 = vector.extract_strided_slice %dot_general3A_45 {offsets = [126, 0], sizes = [2, 300], strides = [1, 1]} : vector<128x300xf32> to vector<2x300xf32>
    %slice3A_596 = vector.extract_strided_slice %dot_general3A_45 {offsets = [0, 0], sizes = [126, 300], strides = [1, 1]} : vector<128x300xf32> to vector<126x300xf32>
    %concatenate3A_597 = tpu.concatenate %slice3A_595, %slice3A_596 in 0 : vector<2x300xf32>, vector<126x300xf32> -> vector<128x300xf32>
    %add3A_598 = arith.addf %dot_general3A_42, %concatenate3A_597 : vector<128x300xf32>
    %slice3A_599 = vector.extract_strided_slice %add3A_14 {offsets = [10, 0], sizes = [1, 300], strides = [1, 1]} : vector<25x300xf32> to vector<1x300xf32>
    %squeeze3A_600 = vector.shape_cast %slice3A_599 : vector<1x300xf32> to vector<300xf32>
    %broadcast_in_dim3A_601 = vector.shape_cast %squeeze3A_600 : vector<300xf32> to vector<1x300xf32>
    %add3A_602 = vector.broadcast %broadcast_in_dim3A_601 : vector<1x300xf32> to vector<128x300xf32>
    %add3A_603 = arith.addf %add3A_598, %add3A_602 : vector<128x300xf32>
    %reduce_sum3A_604 = arith.constant dense<0.000000e+00> : vector<128xf32>
    %reduce_sum3A_605 = vector.multi_reduction <add>, %add3A_603, %reduce_sum3A_604 [1] : vector<128x300xf32> to vector<128xf32>
    %broadcast_in_dim3A_606 = vector.shape_cast %reduce_sum3A_605 : vector<128xf32> to vector<128x1xf32>
    %mul3A_607 = arith.mulf %add3A_603, %add3A_603 : vector<128x300xf32>
    %reduce_sum3A_608 = arith.constant dense<0.000000e+00> : vector<128xf32>
    %reduce_sum3A_609 = vector.multi_reduction <add>, %mul3A_607, %reduce_sum3A_608 [1] : vector<128x300xf32> to vector<128xf32>
    %broadcast_in_dim3A_610 = vector.shape_cast %reduce_sum3A_609 : vector<128xf32> to vector<128x1xf32>
    %mul3A_611 = arith.constant 0.00333333341 : f32
    %mul3A_612 = vector.broadcast %mul3A_611 : f32 to vector<128x1xf32>
    %mul3A_613 = arith.mulf %broadcast_in_dim3A_606, %mul3A_612 : vector<128x1xf32>
    %mul3A_614 = arith.constant 0.00333333341 : f32
    %mul3A_615 = vector.broadcast %mul3A_614 : f32 to vector<128x1xf32>
    %mul3A_616 = arith.mulf %broadcast_in_dim3A_610, %mul3A_615 : vector<128x1xf32>
    %mul3A_617 = arith.mulf %mul3A_613, %mul3A_613 : vector<128x1xf32>
    %sub3A_618 = arith.subf %mul3A_616, %mul3A_617 : vector<128x1xf32>
    %sub3A_619 = vector.broadcast %mul3A_613 : vector<128x1xf32> to vector<128x300xf32>
    %sub3A_620 = arith.subf %add3A_603, %sub3A_619 : vector<128x300xf32>
    %add3A_621 = arith.constant 9.99999974E-6 : f32
    %add3A_622 = vector.broadcast %add3A_621 : f32 to vector<128x1xf32>
    %add3A_623 = arith.addf %sub3A_618, %add3A_622 : vector<128x1xf32>
    %rsqrt3A_624 = math.rsqrt %add3A_623 : vector<128x1xf32>
    %mul3A_625 = vector.broadcast %rsqrt3A_624 : vector<128x1xf32> to vector<128x300xf32>
    %mul3A_626 = arith.mulf %sub3A_620, %mul3A_625 : vector<128x300xf32>
    %convert_element_type3A_627 = arith.truncf %mul3A_626 : vector<128x300xf32> to vector<128x300xbf16>
    %mul3A_628 = vector.broadcast %convert_element_type3A : vector<1x300xbf16> to vector<128x300xbf16>
    %mul3A_629 = arith.mulf %convert_element_type3A_627, %mul3A_628 : vector<128x300xbf16>
    %add3A_630 = vector.broadcast %convert_element_type3A_28 : vector<1x300xbf16> to vector<128x300xbf16>
    %add3A_631 = arith.addf %mul3A_629, %add3A_630 : vector<128x300xbf16>
    %gt3A_632 = arith.constant 0.000000e+00 : bf16
    %gt3A_633 = vector.broadcast %gt3A_632 : bf16 to vector<128x300xbf16>
    %gt3A_634 = arith.cmpf ogt, %add3A_631, %gt3A_633 : vector<128x300xbf16>
    %exp3A_635 = math.exp %add3A_631 : vector<128x300xbf16>
    %sub3A_636 = arith.constant 1.000000e+00 : bf16
    %sub3A_637 = vector.broadcast %sub3A_636 : bf16 to vector<128x300xbf16>
    %sub3A_638 = arith.subf %exp3A_635, %sub3A_637 : vector<128x300xbf16>
    %select_n3A_639 = arith.select %gt3A_634, %add3A_631, %sub3A_638 : vector<128x300xi1>, vector<128x300xbf16>
    %dot_general3A_640 = arith.constant dense<0.000000e+00> : vector<1x128xf32>
    %dot_general3A_641 = tpu.matmul %convert_element_type3A_29, %select_n3A_639, %dot_general3A_640 {dimension_numbers = #tpu.dot_dimension_numbers<[1], [1], [0], [0], [0, 0, 1, 0], [], []>, transpose_lhs_hint = false} : vector<1x300xbf16>, vector<128x300xbf16>, vector<1x128xf32> -> vector<1x128xf32>
    %squeeze3A_642 = vector.shape_cast %dot_general3A_641 : vector<1x128xf32> to vector<128xf32>
    %add3A_643 = vector.broadcast %get3A_27 : f32 to vector<128xf32>
    %add3A_644 = arith.addf %squeeze3A_642, %add3A_643 : vector<128xf32>
    %swap3A_645 = arith.constant 0 : index
    %swap3A_646 = arith.constant 10 : index
    %swap3A_647 = arith.constant 0 : index
    %swap3A_648 = vector.load %arg11[%swap3A_645, %swap3A_646, %swap3A_647] : memref<2x32x128xf32, #tpu.memory_space<vmem>>, vector<1x1x128xf32>
    %swap3A_649 = vector.shape_cast %swap3A_648 : vector<1x1x128xf32> to vector<128xf32>
    %swap3A_650 = vector.shape_cast %add3A_644 : vector<128xf32> to vector<1x1x128xf32>
    tpu.vector_store %arg11[%swap3A_645, %swap3A_646, %swap3A_647], %swap3A_650 {strides = array<i32>} : memref<2x32x128xf32, #tpu.memory_space<vmem>>, vector<1x1x128xf32>,
    %slice3A_651 = vector.extract_strided_slice %dot_general3A_45 {offsets = [127, 0], sizes = [1, 300], strides = [1, 1]} : vector<128x300xf32> to vector<1x300xf32>
    %slice3A_652 = vector.extract_strided_slice %dot_general3A_45 {offsets = [0, 0], sizes = [127, 300], strides = [1, 1]} : vector<128x300xf32> to vector<127x300xf32>
    %concatenate3A_653 = tpu.concatenate %slice3A_651, %slice3A_652 in 0 : vector<1x300xf32>, vector<127x300xf32> -> vector<128x300xf32>
    %add3A_654 = arith.addf %dot_general3A_42, %concatenate3A_653 : vector<128x300xf32>
    %slice3A_655 = vector.extract_strided_slice %add3A_14 {offsets = [11, 0], sizes = [1, 300], strides = [1, 1]} : vector<25x300xf32> to vector<1x300xf32>
    %squeeze3A_656 = vector.shape_cast %slice3A_655 : vector<1x300xf32> to vector<300xf32>
    %broadcast_in_dim3A_657 = vector.shape_cast %squeeze3A_656 : vector<300xf32> to vector<1x300xf32>
    %add3A_658 = vector.broadcast %broadcast_in_dim3A_657 : vector<1x300xf32> to vector<128x300xf32>
    %add3A_659 = arith.addf %add3A_654, %add3A_658 : vector<128x300xf32>
    %reduce_sum3A_660 = arith.constant dense<0.000000e+00> : vector<128xf32>
    %reduce_sum3A_661 = vector.multi_reduction <add>, %add3A_659, %reduce_sum3A_660 [1] : vector<128x300xf32> to vector<128xf32>
    %broadcast_in_dim3A_662 = vector.shape_cast %reduce_sum3A_661 : vector<128xf32> to vector<128x1xf32>
    %mul3A_663 = arith.mulf %add3A_659, %add3A_659 : vector<128x300xf32>
    %reduce_sum3A_664 = arith.constant dense<0.000000e+00> : vector<128xf32>
    %reduce_sum3A_665 = vector.multi_reduction <add>, %mul3A_663, %reduce_sum3A_664 [1] : vector<128x300xf32> to vector<128xf32>
    %broadcast_in_dim3A_666 = vector.shape_cast %reduce_sum3A_665 : vector<128xf32> to vector<128x1xf32>
    %mul3A_667 = arith.constant 0.00333333341 : f32
    %mul3A_668 = vector.broadcast %mul3A_667 : f32 to vector<128x1xf32>
    %mul3A_669 = arith.mulf %broadcast_in_dim3A_662, %mul3A_668 : vector<128x1xf32>
    %mul3A_670 = arith.constant 0.00333333341 : f32
    %mul3A_671 = vector.broadcast %mul3A_670 : f32 to vector<128x1xf32>
    %mul3A_672 = arith.mulf %broadcast_in_dim3A_666, %mul3A_671 : vector<128x1xf32>
    %mul3A_673 = arith.mulf %mul3A_669, %mul3A_669 : vector<128x1xf32>
    %sub3A_674 = arith.subf %mul3A_672, %mul3A_673 : vector<128x1xf32>
    %sub3A_675 = vector.broadcast %mul3A_669 : vector<128x1xf32> to vector<128x300xf32>
    %sub3A_676 = arith.subf %add3A_659, %sub3A_675 : vector<128x300xf32>
    %add3A_677 = arith.constant 9.99999974E-6 : f32
    %add3A_678 = vector.broadcast %add3A_677 : f32 to vector<128x1xf32>
    %add3A_679 = arith.addf %sub3A_674, %add3A_678 : vector<128x1xf32>
    %rsqrt3A_680 = math.rsqrt %add3A_679 : vector<128x1xf32>
    %mul3A_681 = vector.broadcast %rsqrt3A_680 : vector<128x1xf32> to vector<128x300xf32>
    %mul3A_682 = arith.mulf %sub3A_676, %mul3A_681 : vector<128x300xf32>
    %convert_element_type3A_683 = arith.truncf %mul3A_682 : vector<128x300xf32> to vector<128x300xbf16>
    %mul3A_684 = vector.broadcast %convert_element_type3A : vector<1x300xbf16> to vector<128x300xbf16>
    %mul3A_685 = arith.mulf %convert_element_type3A_683, %mul3A_684 : vector<128x300xbf16>
    %add3A_686 = vector.broadcast %convert_element_type3A_28 : vector<1x300xbf16> to vector<128x300xbf16>
    %add3A_687 = arith.addf %mul3A_685, %add3A_686 : vector<128x300xbf16>
    %gt3A_688 = arith.constant 0.000000e+00 : bf16
    %gt3A_689 = vector.broadcast %gt3A_688 : bf16 to vector<128x300xbf16>
    %gt3A_690 = arith.cmpf ogt, %add3A_687, %gt3A_689 : vector<128x300xbf16>
    %exp3A_691 = math.exp %add3A_687 : vector<128x300xbf16>
    %sub3A_692 = arith.constant 1.000000e+00 : bf16
    %sub3A_693 = vector.broadcast %sub3A_692 : bf16 to vector<128x300xbf16>
    %sub3A_694 = arith.subf %exp3A_691, %sub3A_693 : vector<128x300xbf16>
    %select_n3A_695 = arith.select %gt3A_690, %add3A_687, %sub3A_694 : vector<128x300xi1>, vector<128x300xbf16>
    %dot_general3A_696 = arith.constant dense<0.000000e+00> : vector<1x128xf32>
    %dot_general3A_697 = tpu.matmul %convert_element_type3A_29, %select_n3A_695, %dot_general3A_696 {dimension_numbers = #tpu.dot_dimension_numbers<[1], [1], [0], [0], [0, 0, 1, 0], [], []>, transpose_lhs_hint = false} : vector<1x300xbf16>, vector<128x300xbf16>, vector<1x128xf32> -> vector<1x128xf32>
    %squeeze3A_698 = vector.shape_cast %dot_general3A_697 : vector<1x128xf32> to vector<128xf32>
    %add3A_699 = vector.broadcast %get3A_27 : f32 to vector<128xf32>
    %add3A_700 = arith.addf %squeeze3A_698, %add3A_699 : vector<128xf32>
    %swap3A_701 = arith.constant 0 : index
    %swap3A_702 = arith.constant 11 : index
    %swap3A_703 = arith.constant 0 : index
    %swap3A_704 = vector.load %arg11[%swap3A_701, %swap3A_702, %swap3A_703] : memref<2x32x128xf32, #tpu.memory_space<vmem>>, vector<1x1x128xf32>
    %swap3A_705 = vector.shape_cast %swap3A_704 : vector<1x1x128xf32> to vector<128xf32>
    %swap3A_706 = vector.shape_cast %add3A_700 : vector<128xf32> to vector<1x1x128xf32>
    tpu.vector_store %arg11[%swap3A_701, %swap3A_702, %swap3A_703], %swap3A_706 {strides = array<i32>} : memref<2x32x128xf32, #tpu.memory_space<vmem>>, vector<1x1x128xf32>,
    %add3A_707 = arith.addf %dot_general3A_42, %dot_general3A_45 : vector<128x300xf32>
    %slice3A_708 = vector.extract_strided_slice %add3A_14 {offsets = [12, 0], sizes = [1, 300], strides = [1, 1]} : vector<25x300xf32> to vector<1x300xf32>
    %squeeze3A_709 = vector.shape_cast %slice3A_708 : vector<1x300xf32> to vector<300xf32>
    %broadcast_in_dim3A_710 = vector.shape_cast %squeeze3A_709 : vector<300xf32> to vector<1x300xf32>
    %add3A_711 = vector.broadcast %broadcast_in_dim3A_710 : vector<1x300xf32> to vector<128x300xf32>
    %add3A_712 = arith.addf %add3A_707, %add3A_711 : vector<128x300xf32>
    %reduce_sum3A_713 = arith.constant dense<0.000000e+00> : vector<128xf32>
    %reduce_sum3A_714 = vector.multi_reduction <add>, %add3A_712, %reduce_sum3A_713 [1] : vector<128x300xf32> to vector<128xf32>
    %broadcast_in_dim3A_715 = vector.shape_cast %reduce_sum3A_714 : vector<128xf32> to vector<128x1xf32>
    %mul3A_716 = arith.mulf %add3A_712, %add3A_712 : vector<128x300xf32>
    %reduce_sum3A_717 = arith.constant dense<0.000000e+00> : vector<128xf32>
    %reduce_sum3A_718 = vector.multi_reduction <add>, %mul3A_716, %reduce_sum3A_717 [1] : vector<128x300xf32> to vector<128xf32>
    %broadcast_in_dim3A_719 = vector.shape_cast %reduce_sum3A_718 : vector<128xf32> to vector<128x1xf32>
    %mul3A_720 = arith.constant 0.00333333341 : f32
    %mul3A_721 = vector.broadcast %mul3A_720 : f32 to vector<128x1xf32>
    %mul3A_722 = arith.mulf %broadcast_in_dim3A_715, %mul3A_721 : vector<128x1xf32>
    %mul3A_723 = arith.constant 0.00333333341 : f32
    %mul3A_724 = vector.broadcast %mul3A_723 : f32 to vector<128x1xf32>
    %mul3A_725 = arith.mulf %broadcast_in_dim3A_719, %mul3A_724 : vector<128x1xf32>
    %mul3A_726 = arith.mulf %mul3A_722, %mul3A_722 : vector<128x1xf32>
    %sub3A_727 = arith.subf %mul3A_725, %mul3A_726 : vector<128x1xf32>
    %sub3A_728 = vector.broadcast %mul3A_722 : vector<128x1xf32> to vector<128x300xf32>
    %sub3A_729 = arith.subf %add3A_712, %sub3A_728 : vector<128x300xf32>
    %add3A_730 = arith.constant 9.99999974E-6 : f32
    %add3A_731 = vector.broadcast %add3A_730 : f32 to vector<128x1xf32>
    %add3A_732 = arith.addf %sub3A_727, %add3A_731 : vector<128x1xf32>
    %rsqrt3A_733 = math.rsqrt %add3A_732 : vector<128x1xf32>
    %mul3A_734 = vector.broadcast %rsqrt3A_733 : vector<128x1xf32> to vector<128x300xf32>
    %mul3A_735 = arith.mulf %sub3A_729, %mul3A_734 : vector<128x300xf32>
    %convert_element_type3A_736 = arith.truncf %mul3A_735 : vector<128x300xf32> to vector<128x300xbf16>
    %mul3A_737 = vector.broadcast %convert_element_type3A : vector<1x300xbf16> to vector<128x300xbf16>
    %mul3A_738 = arith.mulf %convert_element_type3A_736, %mul3A_737 : vector<128x300xbf16>
    %add3A_739 = vector.broadcast %convert_element_type3A_28 : vector<1x300xbf16> to vector<128x300xbf16>
    %add3A_740 = arith.addf %mul3A_738, %add3A_739 : vector<128x300xbf16>
    %gt3A_741 = arith.constant 0.000000e+00 : bf16
    %gt3A_742 = vector.broadcast %gt3A_741 : bf16 to vector<128x300xbf16>
    %gt3A_743 = arith.cmpf ogt, %add3A_740, %gt3A_742 : vector<128x300xbf16>
    %exp3A_744 = math.exp %add3A_740 : vector<128x300xbf16>
    %sub3A_745 = arith.constant 1.000000e+00 : bf16
    %sub3A_746 = vector.broadcast %sub3A_745 : bf16 to vector<128x300xbf16>
    %sub3A_747 = arith.subf %exp3A_744, %sub3A_746 : vector<128x300xbf16>
    %select_n3A_748 = arith.select %gt3A_743, %add3A_740, %sub3A_747 : vector<128x300xi1>, vector<128x300xbf16>
    %dot_general3A_749 = arith.constant dense<0.000000e+00> : vector<1x128xf32>
    %dot_general3A_750 = tpu.matmul %convert_element_type3A_29, %select_n3A_748, %dot_general3A_749 {dimension_numbers = #tpu.dot_dimension_numbers<[1], [1], [0], [0], [0, 0, 1, 0], [], []>, transpose_lhs_hint = false} : vector<1x300xbf16>, vector<128x300xbf16>, vector<1x128xf32> -> vector<1x128xf32>
    %squeeze3A_751 = vector.shape_cast %dot_general3A_750 : vector<1x128xf32> to vector<128xf32>
    %add3A_752 = vector.broadcast %get3A_27 : f32 to vector<128xf32>
    %add3A_753 = arith.addf %squeeze3A_751, %add3A_752 : vector<128xf32>
    %swap3A_754 = arith.constant 0 : index
    %swap3A_755 = arith.constant 12 : index
    %swap3A_756 = arith.constant 0 : index
    %swap3A_757 = vector.load %arg11[%swap3A_754, %swap3A_755, %swap3A_756] : memref<2x32x128xf32, #tpu.memory_space<vmem>>, vector<1x1x128xf32>
    %swap3A_758 = vector.shape_cast %swap3A_757 : vector<1x1x128xf32> to vector<128xf32>
    %swap3A_759 = vector.shape_cast %add3A_753 : vector<128xf32> to vector<1x1x128xf32>
    tpu.vector_store %arg11[%swap3A_754, %swap3A_755, %swap3A_756], %swap3A_759 {strides = array<i32>} : memref<2x32x128xf32, #tpu.memory_space<vmem>>, vector<1x1x128xf32>,
    %slice3A_760 = vector.extract_strided_slice %dot_general3A_45 {offsets = [1, 0], sizes = [127, 300], strides = [1, 1]} : vector<128x300xf32> to vector<127x300xf32>
    %slice3A_761 = vector.extract_strided_slice %dot_general3A_45 {offsets = [0, 0], sizes = [1, 300], strides = [1, 1]} : vector<128x300xf32> to vector<1x300xf32>
    %concatenate3A_762 = tpu.concatenate %slice3A_760, %slice3A_761 in 0 : vector<127x300xf32>, vector<1x300xf32> -> vector<128x300xf32>
    %add3A_763 = arith.addf %dot_general3A_42, %concatenate3A_762 : vector<128x300xf32>
    %slice3A_764 = vector.extract_strided_slice %add3A_14 {offsets = [13, 0], sizes = [1, 300], strides = [1, 1]} : vector<25x300xf32> to vector<1x300xf32>
    %squeeze3A_765 = vector.shape_cast %slice3A_764 : vector<1x300xf32> to vector<300xf32>
    %broadcast_in_dim3A_766 = vector.shape_cast %squeeze3A_765 : vector<300xf32> to vector<1x300xf32>
    %add3A_767 = vector.broadcast %broadcast_in_dim3A_766 : vector<1x300xf32> to vector<128x300xf32>
    %add3A_768 = arith.addf %add3A_763, %add3A_767 : vector<128x300xf32>
    %reduce_sum3A_769 = arith.constant dense<0.000000e+00> : vector<128xf32>
    %reduce_sum3A_770 = vector.multi_reduction <add>, %add3A_768, %reduce_sum3A_769 [1] : vector<128x300xf32> to vector<128xf32>
    %broadcast_in_dim3A_771 = vector.shape_cast %reduce_sum3A_770 : vector<128xf32> to vector<128x1xf32>
    %mul3A_772 = arith.mulf %add3A_768, %add3A_768 : vector<128x300xf32>
    %reduce_sum3A_773 = arith.constant dense<0.000000e+00> : vector<128xf32>
    %reduce_sum3A_774 = vector.multi_reduction <add>, %mul3A_772, %reduce_sum3A_773 [1] : vector<128x300xf32> to vector<128xf32>
    %broadcast_in_dim3A_775 = vector.shape_cast %reduce_sum3A_774 : vector<128xf32> to vector<128x1xf32>
    %mul3A_776 = arith.constant 0.00333333341 : f32
    %mul3A_777 = vector.broadcast %mul3A_776 : f32 to vector<128x1xf32>
    %mul3A_778 = arith.mulf %broadcast_in_dim3A_771, %mul3A_777 : vector<128x1xf32>
    %mul3A_779 = arith.constant 0.00333333341 : f32
    %mul3A_780 = vector.broadcast %mul3A_779 : f32 to vector<128x1xf32>
    %mul3A_781 = arith.mulf %broadcast_in_dim3A_775, %mul3A_780 : vector<128x1xf32>
    %mul3A_782 = arith.mulf %mul3A_778, %mul3A_778 : vector<128x1xf32>
    %sub3A_783 = arith.subf %mul3A_781, %mul3A_782 : vector<128x1xf32>
    %sub3A_784 = vector.broadcast %mul3A_778 : vector<128x1xf32> to vector<128x300xf32>
    %sub3A_785 = arith.subf %add3A_768, %sub3A_784 : vector<128x300xf32>
    %add3A_786 = arith.constant 9.99999974E-6 : f32
    %add3A_787 = vector.broadcast %add3A_786 : f32 to vector<128x1xf32>
    %add3A_788 = arith.addf %sub3A_783, %add3A_787 : vector<128x1xf32>
    %rsqrt3A_789 = math.rsqrt %add3A_788 : vector<128x1xf32>
    %mul3A_790 = vector.broadcast %rsqrt3A_789 : vector<128x1xf32> to vector<128x300xf32>
    %mul3A_791 = arith.mulf %sub3A_785, %mul3A_790 : vector<128x300xf32>
    %convert_element_type3A_792 = arith.truncf %mul3A_791 : vector<128x300xf32> to vector<128x300xbf16>
    %mul3A_793 = vector.broadcast %convert_element_type3A : vector<1x300xbf16> to vector<128x300xbf16>
    %mul3A_794 = arith.mulf %convert_element_type3A_792, %mul3A_793 : vector<128x300xbf16>
    %add3A_795 = vector.broadcast %convert_element_type3A_28 : vector<1x300xbf16> to vector<128x300xbf16>
    %add3A_796 = arith.addf %mul3A_794, %add3A_795 : vector<128x300xbf16>
    %gt3A_797 = arith.constant 0.000000e+00 : bf16
    %gt3A_798 = vector.broadcast %gt3A_797 : bf16 to vector<128x300xbf16>
    %gt3A_799 = arith.cmpf ogt, %add3A_796, %gt3A_798 : vector<128x300xbf16>
    %exp3A_800 = math.exp %add3A_796 : vector<128x300xbf16>
    %sub3A_801 = arith.constant 1.000000e+00 : bf16
    %sub3A_802 = vector.broadcast %sub3A_801 : bf16 to vector<128x300xbf16>
    %sub3A_803 = arith.subf %exp3A_800, %sub3A_802 : vector<128x300xbf16>
    %select_n3A_804 = arith.select %gt3A_799, %add3A_796, %sub3A_803 : vector<128x300xi1>, vector<128x300xbf16>
    %dot_general3A_805 = arith.constant dense<0.000000e+00> : vector<1x128xf32>
    %dot_general3A_806 = tpu.matmul %convert_element_type3A_29, %select_n3A_804, %dot_general3A_805 {dimension_numbers = #tpu.dot_dimension_numbers<[1], [1], [0], [0], [0, 0, 1, 0], [], []>, transpose_lhs_hint = false} : vector<1x300xbf16>, vector<128x300xbf16>, vector<1x128xf32> -> vector<1x128xf32>
    %squeeze3A_807 = vector.shape_cast %dot_general3A_806 : vector<1x128xf32> to vector<128xf32>
    %add3A_808 = vector.broadcast %get3A_27 : f32 to vector<128xf32>
    %add3A_809 = arith.addf %squeeze3A_807, %add3A_808 : vector<128xf32>
    %swap3A_810 = arith.constant 0 : index
    %swap3A_811 = arith.constant 13 : index
    %swap3A_812 = arith.constant 0 : index
    %swap3A_813 = vector.load %arg11[%swap3A_810, %swap3A_811, %swap3A_812] : memref<2x32x128xf32, #tpu.memory_space<vmem>>, vector<1x1x128xf32>
    %swap3A_814 = vector.shape_cast %swap3A_813 : vector<1x1x128xf32> to vector<128xf32>
    %swap3A_815 = vector.shape_cast %add3A_809 : vector<128xf32> to vector<1x1x128xf32>
    tpu.vector_store %arg11[%swap3A_810, %swap3A_811, %swap3A_812], %swap3A_815 {strides = array<i32>} : memref<2x32x128xf32, #tpu.memory_space<vmem>>, vector<1x1x128xf32>,
    %slice3A_816 = vector.extract_strided_slice %dot_general3A_45 {offsets = [2, 0], sizes = [126, 300], strides = [1, 1]} : vector<128x300xf32> to vector<126x300xf32>
    %slice3A_817 = vector.extract_strided_slice %dot_general3A_45 {offsets = [0, 0], sizes = [2, 300], strides = [1, 1]} : vector<128x300xf32> to vector<2x300xf32>
    %concatenate3A_818 = tpu.concatenate %slice3A_816, %slice3A_817 in 0 : vector<126x300xf32>, vector<2x300xf32> -> vector<128x300xf32>
    %add3A_819 = arith.addf %dot_general3A_42, %concatenate3A_818 : vector<128x300xf32>
    %slice3A_820 = vector.extract_strided_slice %add3A_14 {offsets = [14, 0], sizes = [1, 300], strides = [1, 1]} : vector<25x300xf32> to vector<1x300xf32>
    %squeeze3A_821 = vector.shape_cast %slice3A_820 : vector<1x300xf32> to vector<300xf32>
    %broadcast_in_dim3A_822 = vector.shape_cast %squeeze3A_821 : vector<300xf32> to vector<1x300xf32>
    %add3A_823 = vector.broadcast %broadcast_in_dim3A_822 : vector<1x300xf32> to vector<128x300xf32>
    %add3A_824 = arith.addf %add3A_819, %add3A_823 : vector<128x300xf32>
    %reduce_sum3A_825 = arith.constant dense<0.000000e+00> : vector<128xf32>
    %reduce_sum3A_826 = vector.multi_reduction <add>, %add3A_824, %reduce_sum3A_825 [1] : vector<128x300xf32> to vector<128xf32>
    %broadcast_in_dim3A_827 = vector.shape_cast %reduce_sum3A_826 : vector<128xf32> to vector<128x1xf32>
    %mul3A_828 = arith.mulf %add3A_824, %add3A_824 : vector<128x300xf32>
    %reduce_sum3A_829 = arith.constant dense<0.000000e+00> : vector<128xf32>
    %reduce_sum3A_830 = vector.multi_reduction <add>, %mul3A_828, %reduce_sum3A_829 [1] : vector<128x300xf32> to vector<128xf32>
    %broadcast_in_dim3A_831 = vector.shape_cast %reduce_sum3A_830 : vector<128xf32> to vector<128x1xf32>
    %mul3A_832 = arith.constant 0.00333333341 : f32
    %mul3A_833 = vector.broadcast %mul3A_832 : f32 to vector<128x1xf32>
    %mul3A_834 = arith.mulf %broadcast_in_dim3A_827, %mul3A_833 : vector<128x1xf32>
    %mul3A_835 = arith.constant 0.00333333341 : f32
    %mul3A_836 = vector.broadcast %mul3A_835 : f32 to vector<128x1xf32>
    %mul3A_837 = arith.mulf %broadcast_in_dim3A_831, %mul3A_836 : vector<128x1xf32>
    %mul3A_838 = arith.mulf %mul3A_834, %mul3A_834 : vector<128x1xf32>
    %sub3A_839 = arith.subf %mul3A_837, %mul3A_838 : vector<128x1xf32>
    %sub3A_840 = vector.broadcast %mul3A_834 : vector<128x1xf32> to vector<128x300xf32>
    %sub3A_841 = arith.subf %add3A_824, %sub3A_840 : vector<128x300xf32>
    %add3A_842 = arith.constant 9.99999974E-6 : f32
    %add3A_843 = vector.broadcast %add3A_842 : f32 to vector<128x1xf32>
    %add3A_844 = arith.addf %sub3A_839, %add3A_843 : vector<128x1xf32>
    %rsqrt3A_845 = math.rsqrt %add3A_844 : vector<128x1xf32>
    %mul3A_846 = vector.broadcast %rsqrt3A_845 : vector<128x1xf32> to vector<128x300xf32>
    %mul3A_847 = arith.mulf %sub3A_841, %mul3A_846 : vector<128x300xf32>
    %convert_element_type3A_848 = arith.truncf %mul3A_847 : vector<128x300xf32> to vector<128x300xbf16>
    %mul3A_849 = vector.broadcast %convert_element_type3A : vector<1x300xbf16> to vector<128x300xbf16>
    %mul3A_850 = arith.mulf %convert_element_type3A_848, %mul3A_849 : vector<128x300xbf16>
    %add3A_851 = vector.broadcast %convert_element_type3A_28 : vector<1x300xbf16> to vector<128x300xbf16>
    %add3A_852 = arith.addf %mul3A_850, %add3A_851 : vector<128x300xbf16>
    %gt3A_853 = arith.constant 0.000000e+00 : bf16
    %gt3A_854 = vector.broadcast %gt3A_853 : bf16 to vector<128x300xbf16>
    %gt3A_855 = arith.cmpf ogt, %add3A_852, %gt3A_854 : vector<128x300xbf16>
    %exp3A_856 = math.exp %add3A_852 : vector<128x300xbf16>
    %sub3A_857 = arith.constant 1.000000e+00 : bf16
    %sub3A_858 = vector.broadcast %sub3A_857 : bf16 to vector<128x300xbf16>
    %sub3A_859 = arith.subf %exp3A_856, %sub3A_858 : vector<128x300xbf16>
    %select_n3A_860 = arith.select %gt3A_855, %add3A_852, %sub3A_859 : vector<128x300xi1>, vector<128x300xbf16>
    %dot_general3A_861 = arith.constant dense<0.000000e+00> : vector<1x128xf32>
    %dot_general3A_862 = tpu.matmul %convert_element_type3A_29, %select_n3A_860, %dot_general3A_861 {dimension_numbers = #tpu.dot_dimension_numbers<[1], [1], [0], [0], [0, 0, 1, 0], [], []>, transpose_lhs_hint = false} : vector<1x300xbf16>, vector<128x300xbf16>, vector<1x128xf32> -> vector<1x128xf32>
    %squeeze3A_863 = vector.shape_cast %dot_general3A_862 : vector<1x128xf32> to vector<128xf32>
    %add3A_864 = vector.broadcast %get3A_27 : f32 to vector<128xf32>
    %add3A_865 = arith.addf %squeeze3A_863, %add3A_864 : vector<128xf32>
    %swap3A_866 = arith.constant 0 : index
    %swap3A_867 = arith.constant 14 : index
    %swap3A_868 = arith.constant 0 : index
    %swap3A_869 = vector.load %arg11[%swap3A_866, %swap3A_867, %swap3A_868] : memref<2x32x128xf32, #tpu.memory_space<vmem>>, vector<1x1x128xf32>
    %swap3A_870 = vector.shape_cast %swap3A_869 : vector<1x1x128xf32> to vector<128xf32>
    %swap3A_871 = vector.shape_cast %add3A_865 : vector<128xf32> to vector<1x1x128xf32>
    tpu.vector_store %arg11[%swap3A_866, %swap3A_867, %swap3A_868], %swap3A_871 {strides = array<i32>} : memref<2x32x128xf32, #tpu.memory_space<vmem>>, vector<1x1x128xf32>,
    %slice3A_872 = vector.extract_strided_slice %dot_general3A_45 {offsets = [3, 0], sizes = [125, 300], strides = [1, 1]} : vector<128x300xf32> to vector<125x300xf32>
    %slice3A_873 = vector.extract_strided_slice %dot_general3A_45 {offsets = [0, 0], sizes = [3, 300], strides = [1, 1]} : vector<128x300xf32> to vector<3x300xf32>
    %concatenate3A_874 = tpu.concatenate %slice3A_872, %slice3A_873 in 0 : vector<125x300xf32>, vector<3x300xf32> -> vector<128x300xf32>
    %add3A_875 = arith.addf %dot_general3A_42, %concatenate3A_874 : vector<128x300xf32>
    %slice3A_876 = vector.extract_strided_slice %add3A_14 {offsets = [15, 0], sizes = [1, 300], strides = [1, 1]} : vector<25x300xf32> to vector<1x300xf32>
    %squeeze3A_877 = vector.shape_cast %slice3A_876 : vector<1x300xf32> to vector<300xf32>
    %broadcast_in_dim3A_878 = vector.shape_cast %squeeze3A_877 : vector<300xf32> to vector<1x300xf32>
    %add3A_879 = vector.broadcast %broadcast_in_dim3A_878 : vector<1x300xf32> to vector<128x300xf32>
    %add3A_880 = arith.addf %add3A_875, %add3A_879 : vector<128x300xf32>
    %reduce_sum3A_881 = arith.constant dense<0.000000e+00> : vector<128xf32>
    %reduce_sum3A_882 = vector.multi_reduction <add>, %add3A_880, %reduce_sum3A_881 [1] : vector<128x300xf32> to vector<128xf32>
    %broadcast_in_dim3A_883 = vector.shape_cast %reduce_sum3A_882 : vector<128xf32> to vector<128x1xf32>
    %mul3A_884 = arith.mulf %add3A_880, %add3A_880 : vector<128x300xf32>
    %reduce_sum3A_885 = arith.constant dense<0.000000e+00> : vector<128xf32>
    %reduce_sum3A_886 = vector.multi_reduction <add>, %mul3A_884, %reduce_sum3A_885 [1] : vector<128x300xf32> to vector<128xf32>
    %broadcast_in_dim3A_887 = vector.shape_cast %reduce_sum3A_886 : vector<128xf32> to vector<128x1xf32>
    %mul3A_888 = arith.constant 0.00333333341 : f32
    %mul3A_889 = vector.broadcast %mul3A_888 : f32 to vector<128x1xf32>
    %mul3A_890 = arith.mulf %broadcast_in_dim3A_883, %mul3A_889 : vector<128x1xf32>
    %mul3A_891 = arith.constant 0.00333333341 : f32
    %mul3A_892 = vector.broadcast %mul3A_891 : f32 to vector<128x1xf32>
    %mul3A_893 = arith.mulf %broadcast_in_dim3A_887, %mul3A_892 : vector<128x1xf32>
    %mul3A_894 = arith.mulf %mul3A_890, %mul3A_890 : vector<128x1xf32>
    %sub3A_895 = arith.subf %mul3A_893, %mul3A_894 : vector<128x1xf32>
    %sub3A_896 = vector.broadcast %mul3A_890 : vector<128x1xf32> to vector<128x300xf32>
    %sub3A_897 = arith.subf %add3A_880, %sub3A_896 : vector<128x300xf32>
    %add3A_898 = arith.constant 9.99999974E-6 : f32
    %add3A_899 = vector.broadcast %add3A_898 : f32 to vector<128x1xf32>
    %add3A_900 = arith.addf %sub3A_895, %add3A_899 : vector<128x1xf32>
    %rsqrt3A_901 = math.rsqrt %add3A_900 : vector<128x1xf32>
    %mul3A_902 = vector.broadcast %rsqrt3A_901 : vector<128x1xf32> to vector<128x300xf32>
    %mul3A_903 = arith.mulf %sub3A_897, %mul3A_902 : vector<128x300xf32>
    %convert_element_type3A_904 = arith.truncf %mul3A_903 : vector<128x300xf32> to vector<128x300xbf16>
    %mul3A_905 = vector.broadcast %convert_element_type3A : vector<1x300xbf16> to vector<128x300xbf16>
    %mul3A_906 = arith.mulf %convert_element_type3A_904, %mul3A_905 : vector<128x300xbf16>
    %add3A_907 = vector.broadcast %convert_element_type3A_28 : vector<1x300xbf16> to vector<128x300xbf16>
    %add3A_908 = arith.addf %mul3A_906, %add3A_907 : vector<128x300xbf16>
    %gt3A_909 = arith.constant 0.000000e+00 : bf16
    %gt3A_910 = vector.broadcast %gt3A_909 : bf16 to vector<128x300xbf16>
    %gt3A_911 = arith.cmpf ogt, %add3A_908, %gt3A_910 : vector<128x300xbf16>
    %exp3A_912 = math.exp %add3A_908 : vector<128x300xbf16>
    %sub3A_913 = arith.constant 1.000000e+00 : bf16
    %sub3A_914 = vector.broadcast %sub3A_913 : bf16 to vector<128x300xbf16>
    %sub3A_915 = arith.subf %exp3A_912, %sub3A_914 : vector<128x300xbf16>
    %select_n3A_916 = arith.select %gt3A_911, %add3A_908, %sub3A_915 : vector<128x300xi1>, vector<128x300xbf16>
    %dot_general3A_917 = arith.constant dense<0.000000e+00> : vector<1x128xf32>
    %dot_general3A_918 = tpu.matmul %convert_element_type3A_29, %select_n3A_916, %dot_general3A_917 {dimension_numbers = #tpu.dot_dimension_numbers<[1], [1], [0], [0], [0, 0, 1, 0], [], []>, transpose_lhs_hint = false} : vector<1x300xbf16>, vector<128x300xbf16>, vector<1x128xf32> -> vector<1x128xf32>
    %squeeze3A_919 = vector.shape_cast %dot_general3A_918 : vector<1x128xf32> to vector<128xf32>
    %add3A_920 = vector.broadcast %get3A_27 : f32 to vector<128xf32>
    %add3A_921 = arith.addf %squeeze3A_919, %add3A_920 : vector<128xf32>
    %swap3A_922 = arith.constant 0 : index
    %swap3A_923 = arith.constant 15 : index
    %swap3A_924 = arith.constant 0 : index
    %swap3A_925 = vector.load %arg11[%swap3A_922, %swap3A_923, %swap3A_924] : memref<2x32x128xf32, #tpu.memory_space<vmem>>, vector<1x1x128xf32>
    %swap3A_926 = vector.shape_cast %swap3A_925 : vector<1x1x128xf32> to vector<128xf32>
    %swap3A_927 = vector.shape_cast %add3A_921 : vector<128xf32> to vector<1x1x128xf32>
    tpu.vector_store %arg11[%swap3A_922, %swap3A_923, %swap3A_924], %swap3A_927 {strides = array<i32>} : memref<2x32x128xf32, #tpu.memory_space<vmem>>, vector<1x1x128xf32>,
    %slice3A_928 = vector.extract_strided_slice %dot_general3A_45 {offsets = [4, 0], sizes = [124, 300], strides = [1, 1]} : vector<128x300xf32> to vector<124x300xf32>
    %slice3A_929 = vector.extract_strided_slice %dot_general3A_45 {offsets = [0, 0], sizes = [4, 300], strides = [1, 1]} : vector<128x300xf32> to vector<4x300xf32>
    %concatenate3A_930 = tpu.concatenate %slice3A_928, %slice3A_929 in 0 : vector<124x300xf32>, vector<4x300xf32> -> vector<128x300xf32>
    %add3A_931 = arith.addf %dot_general3A_42, %concatenate3A_930 : vector<128x300xf32>
    %slice3A_932 = vector.extract_strided_slice %add3A_14 {offsets = [16, 0], sizes = [1, 300], strides = [1, 1]} : vector<25x300xf32> to vector<1x300xf32>
    %squeeze3A_933 = vector.shape_cast %slice3A_932 : vector<1x300xf32> to vector<300xf32>
    %broadcast_in_dim3A_934 = vector.shape_cast %squeeze3A_933 : vector<300xf32> to vector<1x300xf32>
    %add3A_935 = vector.broadcast %broadcast_in_dim3A_934 : vector<1x300xf32> to vector<128x300xf32>
    %add3A_936 = arith.addf %add3A_931, %add3A_935 : vector<128x300xf32>
    %reduce_sum3A_937 = arith.constant dense<0.000000e+00> : vector<128xf32>
    %reduce_sum3A_938 = vector.multi_reduction <add>, %add3A_936, %reduce_sum3A_937 [1] : vector<128x300xf32> to vector<128xf32>
    %broadcast_in_dim3A_939 = vector.shape_cast %reduce_sum3A_938 : vector<128xf32> to vector<128x1xf32>
    %mul3A_940 = arith.mulf %add3A_936, %add3A_936 : vector<128x300xf32>
    %reduce_sum3A_941 = arith.constant dense<0.000000e+00> : vector<128xf32>
    %reduce_sum3A_942 = vector.multi_reduction <add>, %mul3A_940, %reduce_sum3A_941 [1] : vector<128x300xf32> to vector<128xf32>
    %broadcast_in_dim3A_943 = vector.shape_cast %reduce_sum3A_942 : vector<128xf32> to vector<128x1xf32>
    %mul3A_944 = arith.constant 0.00333333341 : f32
    %mul3A_945 = vector.broadcast %mul3A_944 : f32 to vector<128x1xf32>
    %mul3A_946 = arith.mulf %broadcast_in_dim3A_939, %mul3A_945 : vector<128x1xf32>
    %mul3A_947 = arith.constant 0.00333333341 : f32
    %mul3A_948 = vector.broadcast %mul3A_947 : f32 to vector<128x1xf32>
    %mul3A_949 = arith.mulf %broadcast_in_dim3A_943, %mul3A_948 : vector<128x1xf32>
    %mul3A_950 = arith.mulf %mul3A_946, %mul3A_946 : vector<128x1xf32>
    %sub3A_951 = arith.subf %mul3A_949, %mul3A_950 : vector<128x1xf32>
    %sub3A_952 = vector.broadcast %mul3A_946 : vector<128x1xf32> to vector<128x300xf32>
    %sub3A_953 = arith.subf %add3A_936, %sub3A_952 : vector<128x300xf32>
    %add3A_954 = arith.constant 9.99999974E-6 : f32
    %add3A_955 = vector.broadcast %add3A_954 : f32 to vector<128x1xf32>
    %add3A_956 = arith.addf %sub3A_951, %add3A_955 : vector<128x1xf32>
    %rsqrt3A_957 = math.rsqrt %add3A_956 : vector<128x1xf32>
    %mul3A_958 = vector.broadcast %rsqrt3A_957 : vector<128x1xf32> to vector<128x300xf32>
    %mul3A_959 = arith.mulf %sub3A_953, %mul3A_958 : vector<128x300xf32>
    %convert_element_type3A_960 = arith.truncf %mul3A_959 : vector<128x300xf32> to vector<128x300xbf16>
    %mul3A_961 = vector.broadcast %convert_element_type3A : vector<1x300xbf16> to vector<128x300xbf16>
    %mul3A_962 = arith.mulf %convert_element_type3A_960, %mul3A_961 : vector<128x300xbf16>
    %add3A_963 = vector.broadcast %convert_element_type3A_28 : vector<1x300xbf16> to vector<128x300xbf16>
    %add3A_964 = arith.addf %mul3A_962, %add3A_963 : vector<128x300xbf16>
    %gt3A_965 = arith.constant 0.000000e+00 : bf16
    %gt3A_966 = vector.broadcast %gt3A_965 : bf16 to vector<128x300xbf16>
    %gt3A_967 = arith.cmpf ogt, %add3A_964, %gt3A_966 : vector<128x300xbf16>
    %exp3A_968 = math.exp %add3A_964 : vector<128x300xbf16>
    %sub3A_969 = arith.constant 1.000000e+00 : bf16
    %sub3A_970 = vector.broadcast %sub3A_969 : bf16 to vector<128x300xbf16>
    %sub3A_971 = arith.subf %exp3A_968, %sub3A_970 : vector<128x300xbf16>
    %select_n3A_972 = arith.select %gt3A_967, %add3A_964, %sub3A_971 : vector<128x300xi1>, vector<128x300xbf16>
    %dot_general3A_973 = arith.constant dense<0.000000e+00> : vector<1x128xf32>
    %dot_general3A_974 = tpu.matmul %convert_element_type3A_29, %select_n3A_972, %dot_general3A_973 {dimension_numbers = #tpu.dot_dimension_numbers<[1], [1], [0], [0], [0, 0, 1, 0], [], []>, transpose_lhs_hint = false} : vector<1x300xbf16>, vector<128x300xbf16>, vector<1x128xf32> -> vector<1x128xf32>
    %squeeze3A_975 = vector.shape_cast %dot_general3A_974 : vector<1x128xf32> to vector<128xf32>
    %add3A_976 = vector.broadcast %get3A_27 : f32 to vector<128xf32>
    %add3A_977 = arith.addf %squeeze3A_975, %add3A_976 : vector<128xf32>
    %swap3A_978 = arith.constant 0 : index
    %swap3A_979 = arith.constant 16 : index
    %swap3A_980 = arith.constant 0 : index
    %swap3A_981 = vector.load %arg11[%swap3A_978, %swap3A_979, %swap3A_980] : memref<2x32x128xf32, #tpu.memory_space<vmem>>, vector<1x1x128xf32>
    %swap3A_982 = vector.shape_cast %swap3A_981 : vector<1x1x128xf32> to vector<128xf32>
    %swap3A_983 = vector.shape_cast %add3A_977 : vector<128xf32> to vector<1x1x128xf32>
    tpu.vector_store %arg11[%swap3A_978, %swap3A_979, %swap3A_980], %swap3A_983 {strides = array<i32>} : memref<2x32x128xf32, #tpu.memory_space<vmem>>, vector<1x1x128xf32>,
    %slice3A_984 = vector.extract_strided_slice %dot_general3A_45 {offsets = [5, 0], sizes = [123, 300], strides = [1, 1]} : vector<128x300xf32> to vector<123x300xf32>
    %slice3A_985 = vector.extract_strided_slice %dot_general3A_45 {offsets = [0, 0], sizes = [5, 300], strides = [1, 1]} : vector<128x300xf32> to vector<5x300xf32>
    %concatenate3A_986 = tpu.concatenate %slice3A_984, %slice3A_985 in 0 : vector<123x300xf32>, vector<5x300xf32> -> vector<128x300xf32>
    %add3A_987 = arith.addf %dot_general3A_42, %concatenate3A_986 : vector<128x300xf32>
    %slice3A_988 = vector.extract_strided_slice %add3A_14 {offsets = [17, 0], sizes = [1, 300], strides = [1, 1]} : vector<25x300xf32> to vector<1x300xf32>
    %squeeze3A_989 = vector.shape_cast %slice3A_988 : vector<1x300xf32> to vector<300xf32>
    %broadcast_in_dim3A_990 = vector.shape_cast %squeeze3A_989 : vector<300xf32> to vector<1x300xf32>
    %add3A_991 = vector.broadcast %broadcast_in_dim3A_990 : vector<1x300xf32> to vector<128x300xf32>
    %add3A_992 = arith.addf %add3A_987, %add3A_991 : vector<128x300xf32>
    %reduce_sum3A_993 = arith.constant dense<0.000000e+00> : vector<128xf32>
    %reduce_sum3A_994 = vector.multi_reduction <add>, %add3A_992, %reduce_sum3A_993 [1] : vector<128x300xf32> to vector<128xf32>
    %broadcast_in_dim3A_995 = vector.shape_cast %reduce_sum3A_994 : vector<128xf32> to vector<128x1xf32>
    %mul3A_996 = arith.mulf %add3A_992, %add3A_992 : vector<128x300xf32>
    %reduce_sum3A_997 = arith.constant dense<0.000000e+00> : vector<128xf32>
    %reduce_sum3A_998 = vector.multi_reduction <add>, %mul3A_996, %reduce_sum3A_997 [1] : vector<128x300xf32> to vector<128xf32>
    %broadcast_in_dim3A_999 = vector.shape_cast %reduce_sum3A_998 : vector<128xf32> to vector<128x1xf32>
    %mul3A_1000 = arith.constant 0.00333333341 : f32
    %mul3A_1001 = vector.broadcast %mul3A_1000 : f32 to vector<128x1xf32>
    %mul3A_1002 = arith.mulf %broadcast_in_dim3A_995, %mul3A_1001 : vector<128x1xf32>
    %mul3A_1003 = arith.constant 0.00333333341 : f32
    %mul3A_1004 = vector.broadcast %mul3A_1003 : f32 to vector<128x1xf32>
    %mul3A_1005 = arith.mulf %broadcast_in_dim3A_999, %mul3A_1004 : vector<128x1xf32>
    %mul3A_1006 = arith.mulf %mul3A_1002, %mul3A_1002 : vector<128x1xf32>
    %sub3A_1007 = arith.subf %mul3A_1005, %mul3A_1006 : vector<128x1xf32>
    %sub3A_1008 = vector.broadcast %mul3A_1002 : vector<128x1xf32> to vector<128x300xf32>
    %sub3A_1009 = arith.subf %add3A_992, %sub3A_1008 : vector<128x300xf32>
    %add3A_1010 = arith.constant 9.99999974E-6 : f32
    %add3A_1011 = vector.broadcast %add3A_1010 : f32 to vector<128x1xf32>
    %add3A_1012 = arith.addf %sub3A_1007, %add3A_1011 : vector<128x1xf32>
    %rsqrt3A_1013 = math.rsqrt %add3A_1012 : vector<128x1xf32>
    %mul3A_1014 = vector.broadcast %rsqrt3A_1013 : vector<128x1xf32> to vector<128x300xf32>
    %mul3A_1015 = arith.mulf %sub3A_1009, %mul3A_1014 : vector<128x300xf32>
    %convert_element_type3A_1016 = arith.truncf %mul3A_1015 : vector<128x300xf32> to vector<128x300xbf16>
    %mul3A_1017 = vector.broadcast %convert_element_type3A : vector<1x300xbf16> to vector<128x300xbf16>
    %mul3A_1018 = arith.mulf %convert_element_type3A_1016, %mul3A_1017 : vector<128x300xbf16>
    %add3A_1019 = vector.broadcast %convert_element_type3A_28 : vector<1x300xbf16> to vector<128x300xbf16>
    %add3A_1020 = arith.addf %mul3A_1018, %add3A_1019 : vector<128x300xbf16>
    %gt3A_1021 = arith.constant 0.000000e+00 : bf16
    %gt3A_1022 = vector.broadcast %gt3A_1021 : bf16 to vector<128x300xbf16>
    %gt3A_1023 = arith.cmpf ogt, %add3A_1020, %gt3A_1022 : vector<128x300xbf16>
    %exp3A_1024 = math.exp %add3A_1020 : vector<128x300xbf16>
    %sub3A_1025 = arith.constant 1.000000e+00 : bf16
    %sub3A_1026 = vector.broadcast %sub3A_1025 : bf16 to vector<128x300xbf16>
    %sub3A_1027 = arith.subf %exp3A_1024, %sub3A_1026 : vector<128x300xbf16>
    %select_n3A_1028 = arith.select %gt3A_1023, %add3A_1020, %sub3A_1027 : vector<128x300xi1>, vector<128x300xbf16>
    %dot_general3A_1029 = arith.constant dense<0.000000e+00> : vector<1x128xf32>
    %dot_general3A_1030 = tpu.matmul %convert_element_type3A_29, %select_n3A_1028, %dot_general3A_1029 {dimension_numbers = #tpu.dot_dimension_numbers<[1], [1], [0], [0], [0, 0, 1, 0], [], []>, transpose_lhs_hint = false} : vector<1x300xbf16>, vector<128x300xbf16>, vector<1x128xf32> -> vector<1x128xf32>
    %squeeze3A_1031 = vector.shape_cast %dot_general3A_1030 : vector<1x128xf32> to vector<128xf32>
    %add3A_1032 = vector.broadcast %get3A_27 : f32 to vector<128xf32>
    %add3A_1033 = arith.addf %squeeze3A_1031, %add3A_1032 : vector<128xf32>
    %swap3A_1034 = arith.constant 0 : index
    %swap3A_1035 = arith.constant 17 : index
    %swap3A_1036 = arith.constant 0 : index
    %swap3A_1037 = vector.load %arg11[%swap3A_1034, %swap3A_1035, %swap3A_1036] : memref<2x32x128xf32, #tpu.memory_space<vmem>>, vector<1x1x128xf32>
    %swap3A_1038 = vector.shape_cast %swap3A_1037 : vector<1x1x128xf32> to vector<128xf32>
    %swap3A_1039 = vector.shape_cast %add3A_1033 : vector<128xf32> to vector<1x1x128xf32>
    tpu.vector_store %arg11[%swap3A_1034, %swap3A_1035, %swap3A_1036], %swap3A_1039 {strides = array<i32>} : memref<2x32x128xf32, #tpu.memory_space<vmem>>, vector<1x1x128xf32>,
    %slice3A_1040 = vector.extract_strided_slice %dot_general3A_45 {offsets = [6, 0], sizes = [122, 300], strides = [1, 1]} : vector<128x300xf32> to vector<122x300xf32>
    %slice3A_1041 = vector.extract_strided_slice %dot_general3A_45 {offsets = [0, 0], sizes = [6, 300], strides = [1, 1]} : vector<128x300xf32> to vector<6x300xf32>
    %concatenate3A_1042 = tpu.concatenate %slice3A_1040, %slice3A_1041 in 0 : vector<122x300xf32>, vector<6x300xf32> -> vector<128x300xf32>
    %add3A_1043 = arith.addf %dot_general3A_42, %concatenate3A_1042 : vector<128x300xf32>
    %slice3A_1044 = vector.extract_strided_slice %add3A_14 {offsets = [18, 0], sizes = [1, 300], strides = [1, 1]} : vector<25x300xf32> to vector<1x300xf32>
    %squeeze3A_1045 = vector.shape_cast %slice3A_1044 : vector<1x300xf32> to vector<300xf32>
    %broadcast_in_dim3A_1046 = vector.shape_cast %squeeze3A_1045 : vector<300xf32> to vector<1x300xf32>
    %add3A_1047 = vector.broadcast %broadcast_in_dim3A_1046 : vector<1x300xf32> to vector<128x300xf32>
    %add3A_1048 = arith.addf %add3A_1043, %add3A_1047 : vector<128x300xf32>
    %reduce_sum3A_1049 = arith.constant dense<0.000000e+00> : vector<128xf32>
    %reduce_sum3A_1050 = vector.multi_reduction <add>, %add3A_1048, %reduce_sum3A_1049 [1] : vector<128x300xf32> to vector<128xf32>
    %broadcast_in_dim3A_1051 = vector.shape_cast %reduce_sum3A_1050 : vector<128xf32> to vector<128x1xf32>
    %mul3A_1052 = arith.mulf %add3A_1048, %add3A_1048 : vector<128x300xf32>
    %reduce_sum3A_1053 = arith.constant dense<0.000000e+00> : vector<128xf32>
    %reduce_sum3A_1054 = vector.multi_reduction <add>, %mul3A_1052, %reduce_sum3A_1053 [1] : vector<128x300xf32> to vector<128xf32>
    %broadcast_in_dim3A_1055 = vector.shape_cast %reduce_sum3A_1054 : vector<128xf32> to vector<128x1xf32>
    %mul3A_1056 = arith.constant 0.00333333341 : f32
    %mul3A_1057 = vector.broadcast %mul3A_1056 : f32 to vector<128x1xf32>
    %mul3A_1058 = arith.mulf %broadcast_in_dim3A_1051, %mul3A_1057 : vector<128x1xf32>
    %mul3A_1059 = arith.constant 0.00333333341 : f32
    %mul3A_1060 = vector.broadcast %mul3A_1059 : f32 to vector<128x1xf32>
    %mul3A_1061 = arith.mulf %broadcast_in_dim3A_1055, %mul3A_1060 : vector<128x1xf32>
    %mul3A_1062 = arith.mulf %mul3A_1058, %mul3A_1058 : vector<128x1xf32>
    %sub3A_1063 = arith.subf %mul3A_1061, %mul3A_1062 : vector<128x1xf32>
    %sub3A_1064 = vector.broadcast %mul3A_1058 : vector<128x1xf32> to vector<128x300xf32>
    %sub3A_1065 = arith.subf %add3A_1048, %sub3A_1064 : vector<128x300xf32>
    %add3A_1066 = arith.constant 9.99999974E-6 : f32
    %add3A_1067 = vector.broadcast %add3A_1066 : f32 to vector<128x1xf32>
    %add3A_1068 = arith.addf %sub3A_1063, %add3A_1067 : vector<128x1xf32>
    %rsqrt3A_1069 = math.rsqrt %add3A_1068 : vector<128x1xf32>
    %mul3A_1070 = vector.broadcast %rsqrt3A_1069 : vector<128x1xf32> to vector<128x300xf32>
    %mul3A_1071 = arith.mulf %sub3A_1065, %mul3A_1070 : vector<128x300xf32>
    %convert_element_type3A_1072 = arith.truncf %mul3A_1071 : vector<128x300xf32> to vector<128x300xbf16>
    %mul3A_1073 = vector.broadcast %convert_element_type3A : vector<1x300xbf16> to vector<128x300xbf16>
    %mul3A_1074 = arith.mulf %convert_element_type3A_1072, %mul3A_1073 : vector<128x300xbf16>
    %add3A_1075 = vector.broadcast %convert_element_type3A_28 : vector<1x300xbf16> to vector<128x300xbf16>
    %add3A_1076 = arith.addf %mul3A_1074, %add3A_1075 : vector<128x300xbf16>
    %gt3A_1077 = arith.constant 0.000000e+00 : bf16
    %gt3A_1078 = vector.broadcast %gt3A_1077 : bf16 to vector<128x300xbf16>
    %gt3A_1079 = arith.cmpf ogt, %add3A_1076, %gt3A_1078 : vector<128x300xbf16>
    %exp3A_1080 = math.exp %add3A_1076 : vector<128x300xbf16>
    %sub3A_1081 = arith.constant 1.000000e+00 : bf16
    %sub3A_1082 = vector.broadcast %sub3A_1081 : bf16 to vector<128x300xbf16>
    %sub3A_1083 = arith.subf %exp3A_1080, %sub3A_1082 : vector<128x300xbf16>
    %select_n3A_1084 = arith.select %gt3A_1079, %add3A_1076, %sub3A_1083 : vector<128x300xi1>, vector<128x300xbf16>
    %dot_general3A_1085 = arith.constant dense<0.000000e+00> : vector<1x128xf32>
    %dot_general3A_1086 = tpu.matmul %convert_element_type3A_29, %select_n3A_1084, %dot_general3A_1085 {dimension_numbers = #tpu.dot_dimension_numbers<[1], [1], [0], [0], [0, 0, 1, 0], [], []>, transpose_lhs_hint = false} : vector<1x300xbf16>, vector<128x300xbf16>, vector<1x128xf32> -> vector<1x128xf32>
    %squeeze3A_1087 = vector.shape_cast %dot_general3A_1086 : vector<1x128xf32> to vector<128xf32>
    %add3A_1088 = vector.broadcast %get3A_27 : f32 to vector<128xf32>
    %add3A_1089 = arith.addf %squeeze3A_1087, %add3A_1088 : vector<128xf32>
    %swap3A_1090 = arith.constant 0 : index
    %swap3A_1091 = arith.constant 18 : index
    %swap3A_1092 = arith.constant 0 : index
    %swap3A_1093 = vector.load %arg11[%swap3A_1090, %swap3A_1091, %swap3A_1092] : memref<2x32x128xf32, #tpu.memory_space<vmem>>, vector<1x1x128xf32>
    %swap3A_1094 = vector.shape_cast %swap3A_1093 : vector<1x1x128xf32> to vector<128xf32>
    %swap3A_1095 = vector.shape_cast %add3A_1089 : vector<128xf32> to vector<1x1x128xf32>
    tpu.vector_store %arg11[%swap3A_1090, %swap3A_1091, %swap3A_1092], %swap3A_1095 {strides = array<i32>} : memref<2x32x128xf32, #tpu.memory_space<vmem>>, vector<1x1x128xf32>,
    %slice3A_1096 = vector.extract_strided_slice %dot_general3A_45 {offsets = [7, 0], sizes = [121, 300], strides = [1, 1]} : vector<128x300xf32> to vector<121x300xf32>
    %slice3A_1097 = vector.extract_strided_slice %dot_general3A_45 {offsets = [0, 0], sizes = [7, 300], strides = [1, 1]} : vector<128x300xf32> to vector<7x300xf32>
    %concatenate3A_1098 = tpu.concatenate %slice3A_1096, %slice3A_1097 in 0 : vector<121x300xf32>, vector<7x300xf32> -> vector<128x300xf32>
    %add3A_1099 = arith.addf %dot_general3A_42, %concatenate3A_1098 : vector<128x300xf32>
    %slice3A_1100 = vector.extract_strided_slice %add3A_14 {offsets = [19, 0], sizes = [1, 300], strides = [1, 1]} : vector<25x300xf32> to vector<1x300xf32>
    %squeeze3A_1101 = vector.shape_cast %slice3A_1100 : vector<1x300xf32> to vector<300xf32>
    %broadcast_in_dim3A_1102 = vector.shape_cast %squeeze3A_1101 : vector<300xf32> to vector<1x300xf32>
    %add3A_1103 = vector.broadcast %broadcast_in_dim3A_1102 : vector<1x300xf32> to vector<128x300xf32>
    %add3A_1104 = arith.addf %add3A_1099, %add3A_1103 : vector<128x300xf32>
    %reduce_sum3A_1105 = arith.constant dense<0.000000e+00> : vector<128xf32>
    %reduce_sum3A_1106 = vector.multi_reduction <add>, %add3A_1104, %reduce_sum3A_1105 [1] : vector<128x300xf32> to vector<128xf32>
    %broadcast_in_dim3A_1107 = vector.shape_cast %reduce_sum3A_1106 : vector<128xf32> to vector<128x1xf32>
    %mul3A_1108 = arith.mulf %add3A_1104, %add3A_1104 : vector<128x300xf32>
    %reduce_sum3A_1109 = arith.constant dense<0.000000e+00> : vector<128xf32>
    %reduce_sum3A_1110 = vector.multi_reduction <add>, %mul3A_1108, %reduce_sum3A_1109 [1] : vector<128x300xf32> to vector<128xf32>
    %broadcast_in_dim3A_1111 = vector.shape_cast %reduce_sum3A_1110 : vector<128xf32> to vector<128x1xf32>
    %mul3A_1112 = arith.constant 0.00333333341 : f32
    %mul3A_1113 = vector.broadcast %mul3A_1112 : f32 to vector<128x1xf32>
    %mul3A_1114 = arith.mulf %broadcast_in_dim3A_1107, %mul3A_1113 : vector<128x1xf32>
    %mul3A_1115 = arith.constant 0.00333333341 : f32
    %mul3A_1116 = vector.broadcast %mul3A_1115 : f32 to vector<128x1xf32>
    %mul3A_1117 = arith.mulf %broadcast_in_dim3A_1111, %mul3A_1116 : vector<128x1xf32>
    %mul3A_1118 = arith.mulf %mul3A_1114, %mul3A_1114 : vector<128x1xf32>
    %sub3A_1119 = arith.subf %mul3A_1117, %mul3A_1118 : vector<128x1xf32>
    %sub3A_1120 = vector.broadcast %mul3A_1114 : vector<128x1xf32> to vector<128x300xf32>
    %sub3A_1121 = arith.subf %add3A_1104, %sub3A_1120 : vector<128x300xf32>
    %add3A_1122 = arith.constant 9.99999974E-6 : f32
    %add3A_1123 = vector.broadcast %add3A_1122 : f32 to vector<128x1xf32>
    %add3A_1124 = arith.addf %sub3A_1119, %add3A_1123 : vector<128x1xf32>
    %rsqrt3A_1125 = math.rsqrt %add3A_1124 : vector<128x1xf32>
    %mul3A_1126 = vector.broadcast %rsqrt3A_1125 : vector<128x1xf32> to vector<128x300xf32>
    %mul3A_1127 = arith.mulf %sub3A_1121, %mul3A_1126 : vector<128x300xf32>
    %convert_element_type3A_1128 = arith.truncf %mul3A_1127 : vector<128x300xf32> to vector<128x300xbf16>
    %mul3A_1129 = vector.broadcast %convert_element_type3A : vector<1x300xbf16> to vector<128x300xbf16>
    %mul3A_1130 = arith.mulf %convert_element_type3A_1128, %mul3A_1129 : vector<128x300xbf16>
    %add3A_1131 = vector.broadcast %convert_element_type3A_28 : vector<1x300xbf16> to vector<128x300xbf16>
    %add3A_1132 = arith.addf %mul3A_1130, %add3A_1131 : vector<128x300xbf16>
    %gt3A_1133 = arith.constant 0.000000e+00 : bf16
    %gt3A_1134 = vector.broadcast %gt3A_1133 : bf16 to vector<128x300xbf16>
    %gt3A_1135 = arith.cmpf ogt, %add3A_1132, %gt3A_1134 : vector<128x300xbf16>
    %exp3A_1136 = math.exp %add3A_1132 : vector<128x300xbf16>
    %sub3A_1137 = arith.constant 1.000000e+00 : bf16
    %sub3A_1138 = vector.broadcast %sub3A_1137 : bf16 to vector<128x300xbf16>
    %sub3A_1139 = arith.subf %exp3A_1136, %sub3A_1138 : vector<128x300xbf16>
    %select_n3A_1140 = arith.select %gt3A_1135, %add3A_1132, %sub3A_1139 : vector<128x300xi1>, vector<128x300xbf16>
    %dot_general3A_1141 = arith.constant dense<0.000000e+00> : vector<1x128xf32>
    %dot_general3A_1142 = tpu.matmul %convert_element_type3A_29, %select_n3A_1140, %dot_general3A_1141 {dimension_numbers = #tpu.dot_dimension_numbers<[1], [1], [0], [0], [0, 0, 1, 0], [], []>, transpose_lhs_hint = false} : vector<1x300xbf16>, vector<128x300xbf16>, vector<1x128xf32> -> vector<1x128xf32>
    %squeeze3A_1143 = vector.shape_cast %dot_general3A_1142 : vector<1x128xf32> to vector<128xf32>
    %add3A_1144 = vector.broadcast %get3A_27 : f32 to vector<128xf32>
    %add3A_1145 = arith.addf %squeeze3A_1143, %add3A_1144 : vector<128xf32>
    %swap3A_1146 = arith.constant 0 : index
    %swap3A_1147 = arith.constant 19 : index
    %swap3A_1148 = arith.constant 0 : index
    %swap3A_1149 = vector.load %arg11[%swap3A_1146, %swap3A_1147, %swap3A_1148] : memref<2x32x128xf32, #tpu.memory_space<vmem>>, vector<1x1x128xf32>
    %swap3A_1150 = vector.shape_cast %swap3A_1149 : vector<1x1x128xf32> to vector<128xf32>
    %swap3A_1151 = vector.shape_cast %add3A_1145 : vector<128xf32> to vector<1x1x128xf32>
    tpu.vector_store %arg11[%swap3A_1146, %swap3A_1147, %swap3A_1148], %swap3A_1151 {strides = array<i32>} : memref<2x32x128xf32, #tpu.memory_space<vmem>>, vector<1x1x128xf32>,
    %slice3A_1152 = vector.extract_strided_slice %dot_general3A_45 {offsets = [8, 0], sizes = [120, 300], strides = [1, 1]} : vector<128x300xf32> to vector<120x300xf32>
    %slice3A_1153 = vector.extract_strided_slice %dot_general3A_45 {offsets = [0, 0], sizes = [8, 300], strides = [1, 1]} : vector<128x300xf32> to vector<8x300xf32>
    %concatenate3A_1154 = tpu.concatenate %slice3A_1152, %slice3A_1153 in 0 : vector<120x300xf32>, vector<8x300xf32> -> vector<128x300xf32>
    %add3A_1155 = arith.addf %dot_general3A_42, %concatenate3A_1154 : vector<128x300xf32>
    %slice3A_1156 = vector.extract_strided_slice %add3A_14 {offsets = [20, 0], sizes = [1, 300], strides = [1, 1]} : vector<25x300xf32> to vector<1x300xf32>
    %squeeze3A_1157 = vector.shape_cast %slice3A_1156 : vector<1x300xf32> to vector<300xf32>
    %broadcast_in_dim3A_1158 = vector.shape_cast %squeeze3A_1157 : vector<300xf32> to vector<1x300xf32>
    %add3A_1159 = vector.broadcast %broadcast_in_dim3A_1158 : vector<1x300xf32> to vector<128x300xf32>
    %add3A_1160 = arith.addf %add3A_1155, %add3A_1159 : vector<128x300xf32>
    %reduce_sum3A_1161 = arith.constant dense<0.000000e+00> : vector<128xf32>
    %reduce_sum3A_1162 = vector.multi_reduction <add>, %add3A_1160, %reduce_sum3A_1161 [1] : vector<128x300xf32> to vector<128xf32>
    %broadcast_in_dim3A_1163 = vector.shape_cast %reduce_sum3A_1162 : vector<128xf32> to vector<128x1xf32>
    %mul3A_1164 = arith.mulf %add3A_1160, %add3A_1160 : vector<128x300xf32>
    %reduce_sum3A_1165 = arith.constant dense<0.000000e+00> : vector<128xf32>
    %reduce_sum3A_1166 = vector.multi_reduction <add>, %mul3A_1164, %reduce_sum3A_1165 [1] : vector<128x300xf32> to vector<128xf32>
    %broadcast_in_dim3A_1167 = vector.shape_cast %reduce_sum3A_1166 : vector<128xf32> to vector<128x1xf32>
    %mul3A_1168 = arith.constant 0.00333333341 : f32
    %mul3A_1169 = vector.broadcast %mul3A_1168 : f32 to vector<128x1xf32>
    %mul3A_1170 = arith.mulf %broadcast_in_dim3A_1163, %mul3A_1169 : vector<128x1xf32>
    %mul3A_1171 = arith.constant 0.00333333341 : f32
    %mul3A_1172 = vector.broadcast %mul3A_1171 : f32 to vector<128x1xf32>
    %mul3A_1173 = arith.mulf %broadcast_in_dim3A_1167, %mul3A_1172 : vector<128x1xf32>
    %mul3A_1174 = arith.mulf %mul3A_1170, %mul3A_1170 : vector<128x1xf32>
    %sub3A_1175 = arith.subf %mul3A_1173, %mul3A_1174 : vector<128x1xf32>
    %sub3A_1176 = vector.broadcast %mul3A_1170 : vector<128x1xf32> to vector<128x300xf32>
    %sub3A_1177 = arith.subf %add3A_1160, %sub3A_1176 : vector<128x300xf32>
    %add3A_1178 = arith.constant 9.99999974E-6 : f32
    %add3A_1179 = vector.broadcast %add3A_1178 : f32 to vector<128x1xf32>
    %add3A_1180 = arith.addf %sub3A_1175, %add3A_1179 : vector<128x1xf32>
    %rsqrt3A_1181 = math.rsqrt %add3A_1180 : vector<128x1xf32>
    %mul3A_1182 = vector.broadcast %rsqrt3A_1181 : vector<128x1xf32> to vector<128x300xf32>
    %mul3A_1183 = arith.mulf %sub3A_1177, %mul3A_1182 : vector<128x300xf32>
    %convert_element_type3A_1184 = arith.truncf %mul3A_1183 : vector<128x300xf32> to vector<128x300xbf16>
    %mul3A_1185 = vector.broadcast %convert_element_type3A : vector<1x300xbf16> to vector<128x300xbf16>
    %mul3A_1186 = arith.mulf %convert_element_type3A_1184, %mul3A_1185 : vector<128x300xbf16>
    %add3A_1187 = vector.broadcast %convert_element_type3A_28 : vector<1x300xbf16> to vector<128x300xbf16>
    %add3A_1188 = arith.addf %mul3A_1186, %add3A_1187 : vector<128x300xbf16>
    %gt3A_1189 = arith.constant 0.000000e+00 : bf16
    %gt3A_1190 = vector.broadcast %gt3A_1189 : bf16 to vector<128x300xbf16>
    %gt3A_1191 = arith.cmpf ogt, %add3A_1188, %gt3A_1190 : vector<128x300xbf16>
    %exp3A_1192 = math.exp %add3A_1188 : vector<128x300xbf16>
    %sub3A_1193 = arith.constant 1.000000e+00 : bf16
    %sub3A_1194 = vector.broadcast %sub3A_1193 : bf16 to vector<128x300xbf16>
    %sub3A_1195 = arith.subf %exp3A_1192, %sub3A_1194 : vector<128x300xbf16>
    %select_n3A_1196 = arith.select %gt3A_1191, %add3A_1188, %sub3A_1195 : vector<128x300xi1>, vector<128x300xbf16>
    %dot_general3A_1197 = arith.constant dense<0.000000e+00> : vector<1x128xf32>
    %dot_general3A_1198 = tpu.matmul %convert_element_type3A_29, %select_n3A_1196, %dot_general3A_1197 {dimension_numbers = #tpu.dot_dimension_numbers<[1], [1], [0], [0], [0, 0, 1, 0], [], []>, transpose_lhs_hint = false} : vector<1x300xbf16>, vector<128x300xbf16>, vector<1x128xf32> -> vector<1x128xf32>
    %squeeze3A_1199 = vector.shape_cast %dot_general3A_1198 : vector<1x128xf32> to vector<128xf32>
    %add3A_1200 = vector.broadcast %get3A_27 : f32 to vector<128xf32>
    %add3A_1201 = arith.addf %squeeze3A_1199, %add3A_1200 : vector<128xf32>
    %swap3A_1202 = arith.constant 0 : index
    %swap3A_1203 = arith.constant 20 : index
    %swap3A_1204 = arith.constant 0 : index
    %swap3A_1205 = vector.load %arg11[%swap3A_1202, %swap3A_1203, %swap3A_1204] : memref<2x32x128xf32, #tpu.memory_space<vmem>>, vector<1x1x128xf32>
    %swap3A_1206 = vector.shape_cast %swap3A_1205 : vector<1x1x128xf32> to vector<128xf32>
    %swap3A_1207 = vector.shape_cast %add3A_1201 : vector<128xf32> to vector<1x1x128xf32>
    tpu.vector_store %arg11[%swap3A_1202, %swap3A_1203, %swap3A_1204], %swap3A_1207 {strides = array<i32>} : memref<2x32x128xf32, #tpu.memory_space<vmem>>, vector<1x1x128xf32>,
    %slice3A_1208 = vector.extract_strided_slice %dot_general3A_45 {offsets = [9, 0], sizes = [119, 300], strides = [1, 1]} : vector<128x300xf32> to vector<119x300xf32>
    %slice3A_1209 = vector.extract_strided_slice %dot_general3A_45 {offsets = [0, 0], sizes = [9, 300], strides = [1, 1]} : vector<128x300xf32> to vector<9x300xf32>
    %concatenate3A_1210 = tpu.concatenate %slice3A_1208, %slice3A_1209 in 0 : vector<119x300xf32>, vector<9x300xf32> -> vector<128x300xf32>
    %add3A_1211 = arith.addf %dot_general3A_42, %concatenate3A_1210 : vector<128x300xf32>
    %slice3A_1212 = vector.extract_strided_slice %add3A_14 {offsets = [21, 0], sizes = [1, 300], strides = [1, 1]} : vector<25x300xf32> to vector<1x300xf32>
    %squeeze3A_1213 = vector.shape_cast %slice3A_1212 : vector<1x300xf32> to vector<300xf32>
    %broadcast_in_dim3A_1214 = vector.shape_cast %squeeze3A_1213 : vector<300xf32> to vector<1x300xf32>
    %add3A_1215 = vector.broadcast %broadcast_in_dim3A_1214 : vector<1x300xf32> to vector<128x300xf32>
    %add3A_1216 = arith.addf %add3A_1211, %add3A_1215 : vector<128x300xf32>
    %reduce_sum3A_1217 = arith.constant dense<0.000000e+00> : vector<128xf32>
    %reduce_sum3A_1218 = vector.multi_reduction <add>, %add3A_1216, %reduce_sum3A_1217 [1] : vector<128x300xf32> to vector<128xf32>
    %broadcast_in_dim3A_1219 = vector.shape_cast %reduce_sum3A_1218 : vector<128xf32> to vector<128x1xf32>
    %mul3A_1220 = arith.mulf %add3A_1216, %add3A_1216 : vector<128x300xf32>
    %reduce_sum3A_1221 = arith.constant dense<0.000000e+00> : vector<128xf32>
    %reduce_sum3A_1222 = vector.multi_reduction <add>, %mul3A_1220, %reduce_sum3A_1221 [1] : vector<128x300xf32> to vector<128xf32>
    %broadcast_in_dim3A_1223 = vector.shape_cast %reduce_sum3A_1222 : vector<128xf32> to vector<128x1xf32>
    %mul3A_1224 = arith.constant 0.00333333341 : f32
    %mul3A_1225 = vector.broadcast %mul3A_1224 : f32 to vector<128x1xf32>
    %mul3A_1226 = arith.mulf %broadcast_in_dim3A_1219, %mul3A_1225 : vector<128x1xf32>
    %mul3A_1227 = arith.constant 0.00333333341 : f32
    %mul3A_1228 = vector.broadcast %mul3A_1227 : f32 to vector<128x1xf32>
    %mul3A_1229 = arith.mulf %broadcast_in_dim3A_1223, %mul3A_1228 : vector<128x1xf32>
    %mul3A_1230 = arith.mulf %mul3A_1226, %mul3A_1226 : vector<128x1xf32>
    %sub3A_1231 = arith.subf %mul3A_1229, %mul3A_1230 : vector<128x1xf32>
    %sub3A_1232 = vector.broadcast %mul3A_1226 : vector<128x1xf32> to vector<128x300xf32>
    %sub3A_1233 = arith.subf %add3A_1216, %sub3A_1232 : vector<128x300xf32>
    %add3A_1234 = arith.constant 9.99999974E-6 : f32
    %add3A_1235 = vector.broadcast %add3A_1234 : f32 to vector<128x1xf32>
    %add3A_1236 = arith.addf %sub3A_1231, %add3A_1235 : vector<128x1xf32>
    %rsqrt3A_1237 = math.rsqrt %add3A_1236 : vector<128x1xf32>
    %mul3A_1238 = vector.broadcast %rsqrt3A_1237 : vector<128x1xf32> to vector<128x300xf32>
    %mul3A_1239 = arith.mulf %sub3A_1233, %mul3A_1238 : vector<128x300xf32>
    %convert_element_type3A_1240 = arith.truncf %mul3A_1239 : vector<128x300xf32> to vector<128x300xbf16>
    %mul3A_1241 = vector.broadcast %convert_element_type3A : vector<1x300xbf16> to vector<128x300xbf16>
    %mul3A_1242 = arith.mulf %convert_element_type3A_1240, %mul3A_1241 : vector<128x300xbf16>
    %add3A_1243 = vector.broadcast %convert_element_type3A_28 : vector<1x300xbf16> to vector<128x300xbf16>
    %add3A_1244 = arith.addf %mul3A_1242, %add3A_1243 : vector<128x300xbf16>
    %gt3A_1245 = arith.constant 0.000000e+00 : bf16
    %gt3A_1246 = vector.broadcast %gt3A_1245 : bf16 to vector<128x300xbf16>
    %gt3A_1247 = arith.cmpf ogt, %add3A_1244, %gt3A_1246 : vector<128x300xbf16>
    %exp3A_1248 = math.exp %add3A_1244 : vector<128x300xbf16>
    %sub3A_1249 = arith.constant 1.000000e+00 : bf16
    %sub3A_1250 = vector.broadcast %sub3A_1249 : bf16 to vector<128x300xbf16>
    %sub3A_1251 = arith.subf %exp3A_1248, %sub3A_1250 : vector<128x300xbf16>
    %select_n3A_1252 = arith.select %gt3A_1247, %add3A_1244, %sub3A_1251 : vector<128x300xi1>, vector<128x300xbf16>
    %dot_general3A_1253 = arith.constant dense<0.000000e+00> : vector<1x128xf32>
    %dot_general3A_1254 = tpu.matmul %convert_element_type3A_29, %select_n3A_1252, %dot_general3A_1253 {dimension_numbers = #tpu.dot_dimension_numbers<[1], [1], [0], [0], [0, 0, 1, 0], [], []>, transpose_lhs_hint = false} : vector<1x300xbf16>, vector<128x300xbf16>, vector<1x128xf32> -> vector<1x128xf32>
    %squeeze3A_1255 = vector.shape_cast %dot_general3A_1254 : vector<1x128xf32> to vector<128xf32>
    %add3A_1256 = vector.broadcast %get3A_27 : f32 to vector<128xf32>
    %add3A_1257 = arith.addf %squeeze3A_1255, %add3A_1256 : vector<128xf32>
    %swap3A_1258 = arith.constant 0 : index
    %swap3A_1259 = arith.constant 21 : index
    %swap3A_1260 = arith.constant 0 : index
    %swap3A_1261 = vector.load %arg11[%swap3A_1258, %swap3A_1259, %swap3A_1260] : memref<2x32x128xf32, #tpu.memory_space<vmem>>, vector<1x1x128xf32>
    %swap3A_1262 = vector.shape_cast %swap3A_1261 : vector<1x1x128xf32> to vector<128xf32>
    %swap3A_1263 = vector.shape_cast %add3A_1257 : vector<128xf32> to vector<1x1x128xf32>
    tpu.vector_store %arg11[%swap3A_1258, %swap3A_1259, %swap3A_1260], %swap3A_1263 {strides = array<i32>} : memref<2x32x128xf32, #tpu.memory_space<vmem>>, vector<1x1x128xf32>,
    %slice3A_1264 = vector.extract_strided_slice %dot_general3A_45 {offsets = [10, 0], sizes = [118, 300], strides = [1, 1]} : vector<128x300xf32> to vector<118x300xf32>
    %slice3A_1265 = vector.extract_strided_slice %dot_general3A_45 {offsets = [0, 0], sizes = [10, 300], strides = [1, 1]} : vector<128x300xf32> to vector<10x300xf32>
    %concatenate3A_1266 = tpu.concatenate %slice3A_1264, %slice3A_1265 in 0 : vector<118x300xf32>, vector<10x300xf32> -> vector<128x300xf32>
    %add3A_1267 = arith.addf %dot_general3A_42, %concatenate3A_1266 : vector<128x300xf32>
    %slice3A_1268 = vector.extract_strided_slice %add3A_14 {offsets = [22, 0], sizes = [1, 300], strides = [1, 1]} : vector<25x300xf32> to vector<1x300xf32>
    %squeeze3A_1269 = vector.shape_cast %slice3A_1268 : vector<1x300xf32> to vector<300xf32>
    %broadcast_in_dim3A_1270 = vector.shape_cast %squeeze3A_1269 : vector<300xf32> to vector<1x300xf32>
    %add3A_1271 = vector.broadcast %broadcast_in_dim3A_1270 : vector<1x300xf32> to vector<128x300xf32>
    %add3A_1272 = arith.addf %add3A_1267, %add3A_1271 : vector<128x300xf32>
    %reduce_sum3A_1273 = arith.constant dense<0.000000e+00> : vector<128xf32>
    %reduce_sum3A_1274 = vector.multi_reduction <add>, %add3A_1272, %reduce_sum3A_1273 [1] : vector<128x300xf32> to vector<128xf32>
    %broadcast_in_dim3A_1275 = vector.shape_cast %reduce_sum3A_1274 : vector<128xf32> to vector<128x1xf32>
    %mul3A_1276 = arith.mulf %add3A_1272, %add3A_1272 : vector<128x300xf32>
    %reduce_sum3A_1277 = arith.constant dense<0.000000e+00> : vector<128xf32>
    %reduce_sum3A_1278 = vector.multi_reduction <add>, %mul3A_1276, %reduce_sum3A_1277 [1] : vector<128x300xf32> to vector<128xf32>
    %broadcast_in_dim3A_1279 = vector.shape_cast %reduce_sum3A_1278 : vector<128xf32> to vector<128x1xf32>
    %mul3A_1280 = arith.constant 0.00333333341 : f32
    %mul3A_1281 = vector.broadcast %mul3A_1280 : f32 to vector<128x1xf32>
    %mul3A_1282 = arith.mulf %broadcast_in_dim3A_1275, %mul3A_1281 : vector<128x1xf32>
    %mul3A_1283 = arith.constant 0.00333333341 : f32
    %mul3A_1284 = vector.broadcast %mul3A_1283 : f32 to vector<128x1xf32>
    %mul3A_1285 = arith.mulf %broadcast_in_dim3A_1279, %mul3A_1284 : vector<128x1xf32>
    %mul3A_1286 = arith.mulf %mul3A_1282, %mul3A_1282 : vector<128x1xf32>
    %sub3A_1287 = arith.subf %mul3A_1285, %mul3A_1286 : vector<128x1xf32>
    %sub3A_1288 = vector.broadcast %mul3A_1282 : vector<128x1xf32> to vector<128x300xf32>
    %sub3A_1289 = arith.subf %add3A_1272, %sub3A_1288 : vector<128x300xf32>
    %add3A_1290 = arith.constant 9.99999974E-6 : f32
    %add3A_1291 = vector.broadcast %add3A_1290 : f32 to vector<128x1xf32>
    %add3A_1292 = arith.addf %sub3A_1287, %add3A_1291 : vector<128x1xf32>
    %rsqrt3A_1293 = math.rsqrt %add3A_1292 : vector<128x1xf32>
    %mul3A_1294 = vector.broadcast %rsqrt3A_1293 : vector<128x1xf32> to vector<128x300xf32>
    %mul3A_1295 = arith.mulf %sub3A_1289, %mul3A_1294 : vector<128x300xf32>
    %convert_element_type3A_1296 = arith.truncf %mul3A_1295 : vector<128x300xf32> to vector<128x300xbf16>
    %mul3A_1297 = vector.broadcast %convert_element_type3A : vector<1x300xbf16> to vector<128x300xbf16>
    %mul3A_1298 = arith.mulf %convert_element_type3A_1296, %mul3A_1297 : vector<128x300xbf16>
    %add3A_1299 = vector.broadcast %convert_element_type3A_28 : vector<1x300xbf16> to vector<128x300xbf16>
    %add3A_1300 = arith.addf %mul3A_1298, %add3A_1299 : vector<128x300xbf16>
    %gt3A_1301 = arith.constant 0.000000e+00 : bf16
    %gt3A_1302 = vector.broadcast %gt3A_1301 : bf16 to vector<128x300xbf16>
    %gt3A_1303 = arith.cmpf ogt, %add3A_1300, %gt3A_1302 : vector<128x300xbf16>
    %exp3A_1304 = math.exp %add3A_1300 : vector<128x300xbf16>
    %sub3A_1305 = arith.constant 1.000000e+00 : bf16
    %sub3A_1306 = vector.broadcast %sub3A_1305 : bf16 to vector<128x300xbf16>
    %sub3A_1307 = arith.subf %exp3A_1304, %sub3A_1306 : vector<128x300xbf16>
    %select_n3A_1308 = arith.select %gt3A_1303, %add3A_1300, %sub3A_1307 : vector<128x300xi1>, vector<128x300xbf16>
    %dot_general3A_1309 = arith.constant dense<0.000000e+00> : vector<1x128xf32>
    %dot_general3A_1310 = tpu.matmul %convert_element_type3A_29, %select_n3A_1308, %dot_general3A_1309 {dimension_numbers = #tpu.dot_dimension_numbers<[1], [1], [0], [0], [0, 0, 1, 0], [], []>, transpose_lhs_hint = false} : vector<1x300xbf16>, vector<128x300xbf16>, vector<1x128xf32> -> vector<1x128xf32>
    %squeeze3A_1311 = vector.shape_cast %dot_general3A_1310 : vector<1x128xf32> to vector<128xf32>
    %add3A_1312 = vector.broadcast %get3A_27 : f32 to vector<128xf32>
    %add3A_1313 = arith.addf %squeeze3A_1311, %add3A_1312 : vector<128xf32>
    %swap3A_1314 = arith.constant 0 : index
    %swap3A_1315 = arith.constant 22 : index
    %swap3A_1316 = arith.constant 0 : index
    %swap3A_1317 = vector.load %arg11[%swap3A_1314, %swap3A_1315, %swap3A_1316] : memref<2x32x128xf32, #tpu.memory_space<vmem>>, vector<1x1x128xf32>
    %swap3A_1318 = vector.shape_cast %swap3A_1317 : vector<1x1x128xf32> to vector<128xf32>
    %swap3A_1319 = vector.shape_cast %add3A_1313 : vector<128xf32> to vector<1x1x128xf32>
    tpu.vector_store %arg11[%swap3A_1314, %swap3A_1315, %swap3A_1316], %swap3A_1319 {strides = array<i32>} : memref<2x32x128xf32, #tpu.memory_space<vmem>>, vector<1x1x128xf32>,
    %slice3A_1320 = vector.extract_strided_slice %dot_general3A_45 {offsets = [11, 0], sizes = [117, 300], strides = [1, 1]} : vector<128x300xf32> to vector<117x300xf32>
    %slice3A_1321 = vector.extract_strided_slice %dot_general3A_45 {offsets = [0, 0], sizes = [11, 300], strides = [1, 1]} : vector<128x300xf32> to vector<11x300xf32>
    %concatenate3A_1322 = tpu.concatenate %slice3A_1320, %slice3A_1321 in 0 : vector<117x300xf32>, vector<11x300xf32> -> vector<128x300xf32>
    %add3A_1323 = arith.addf %dot_general3A_42, %concatenate3A_1322 : vector<128x300xf32>
    %slice3A_1324 = vector.extract_strided_slice %add3A_14 {offsets = [23, 0], sizes = [1, 300], strides = [1, 1]} : vector<25x300xf32> to vector<1x300xf32>
    %squeeze3A_1325 = vector.shape_cast %slice3A_1324 : vector<1x300xf32> to vector<300xf32>
    %broadcast_in_dim3A_1326 = vector.shape_cast %squeeze3A_1325 : vector<300xf32> to vector<1x300xf32>
    %add3A_1327 = vector.broadcast %broadcast_in_dim3A_1326 : vector<1x300xf32> to vector<128x300xf32>
    %add3A_1328 = arith.addf %add3A_1323, %add3A_1327 : vector<128x300xf32>
    %reduce_sum3A_1329 = arith.constant dense<0.000000e+00> : vector<128xf32>
    %reduce_sum3A_1330 = vector.multi_reduction <add>, %add3A_1328, %reduce_sum3A_1329 [1] : vector<128x300xf32> to vector<128xf32>
    %broadcast_in_dim3A_1331 = vector.shape_cast %reduce_sum3A_1330 : vector<128xf32> to vector<128x1xf32>
    %mul3A_1332 = arith.mulf %add3A_1328, %add3A_1328 : vector<128x300xf32>
    %reduce_sum3A_1333 = arith.constant dense<0.000000e+00> : vector<128xf32>
    %reduce_sum3A_1334 = vector.multi_reduction <add>, %mul3A_1332, %reduce_sum3A_1333 [1] : vector<128x300xf32> to vector<128xf32>
    %broadcast_in_dim3A_1335 = vector.shape_cast %reduce_sum3A_1334 : vector<128xf32> to vector<128x1xf32>
    %mul3A_1336 = arith.constant 0.00333333341 : f32
    %mul3A_1337 = vector.broadcast %mul3A_1336 : f32 to vector<128x1xf32>
    %mul3A_1338 = arith.mulf %broadcast_in_dim3A_1331, %mul3A_1337 : vector<128x1xf32>
    %mul3A_1339 = arith.constant 0.00333333341 : f32
    %mul3A_1340 = vector.broadcast %mul3A_1339 : f32 to vector<128x1xf32>
    %mul3A_1341 = arith.mulf %broadcast_in_dim3A_1335, %mul3A_1340 : vector<128x1xf32>
    %mul3A_1342 = arith.mulf %mul3A_1338, %mul3A_1338 : vector<128x1xf32>
    %sub3A_1343 = arith.subf %mul3A_1341, %mul3A_1342 : vector<128x1xf32>
    %sub3A_1344 = vector.broadcast %mul3A_1338 : vector<128x1xf32> to vector<128x300xf32>
    %sub3A_1345 = arith.subf %add3A_1328, %sub3A_1344 : vector<128x300xf32>
    %add3A_1346 = arith.constant 9.99999974E-6 : f32
    %add3A_1347 = vector.broadcast %add3A_1346 : f32 to vector<128x1xf32>
    %add3A_1348 = arith.addf %sub3A_1343, %add3A_1347 : vector<128x1xf32>
    %rsqrt3A_1349 = math.rsqrt %add3A_1348 : vector<128x1xf32>
    %mul3A_1350 = vector.broadcast %rsqrt3A_1349 : vector<128x1xf32> to vector<128x300xf32>
    %mul3A_1351 = arith.mulf %sub3A_1345, %mul3A_1350 : vector<128x300xf32>
    %convert_element_type3A_1352 = arith.truncf %mul3A_1351 : vector<128x300xf32> to vector<128x300xbf16>
    %mul3A_1353 = vector.broadcast %convert_element_type3A : vector<1x300xbf16> to vector<128x300xbf16>
    %mul3A_1354 = arith.mulf %convert_element_type3A_1352, %mul3A_1353 : vector<128x300xbf16>
    %add3A_1355 = vector.broadcast %convert_element_type3A_28 : vector<1x300xbf16> to vector<128x300xbf16>
    %add3A_1356 = arith.addf %mul3A_1354, %add3A_1355 : vector<128x300xbf16>
    %gt3A_1357 = arith.constant 0.000000e+00 : bf16
    %gt3A_1358 = vector.broadcast %gt3A_1357 : bf16 to vector<128x300xbf16>
    %gt3A_1359 = arith.cmpf ogt, %add3A_1356, %gt3A_1358 : vector<128x300xbf16>
    %exp3A_1360 = math.exp %add3A_1356 : vector<128x300xbf16>
    %sub3A_1361 = arith.constant 1.000000e+00 : bf16
    %sub3A_1362 = vector.broadcast %sub3A_1361 : bf16 to vector<128x300xbf16>
    %sub3A_1363 = arith.subf %exp3A_1360, %sub3A_1362 : vector<128x300xbf16>
    %select_n3A_1364 = arith.select %gt3A_1359, %add3A_1356, %sub3A_1363 : vector<128x300xi1>, vector<128x300xbf16>
    %dot_general3A_1365 = arith.constant dense<0.000000e+00> : vector<1x128xf32>
    %dot_general3A_1366 = tpu.matmul %convert_element_type3A_29, %select_n3A_1364, %dot_general3A_1365 {dimension_numbers = #tpu.dot_dimension_numbers<[1], [1], [0], [0], [0, 0, 1, 0], [], []>, transpose_lhs_hint = false} : vector<1x300xbf16>, vector<128x300xbf16>, vector<1x128xf32> -> vector<1x128xf32>
    %squeeze3A_1367 = vector.shape_cast %dot_general3A_1366 : vector<1x128xf32> to vector<128xf32>
    %add3A_1368 = vector.broadcast %get3A_27 : f32 to vector<128xf32>
    %add3A_1369 = arith.addf %squeeze3A_1367, %add3A_1368 : vector<128xf32>
    %swap3A_1370 = arith.constant 0 : index
    %swap3A_1371 = arith.constant 23 : index
    %swap3A_1372 = arith.constant 0 : index
    %swap3A_1373 = vector.load %arg11[%swap3A_1370, %swap3A_1371, %swap3A_1372] : memref<2x32x128xf32, #tpu.memory_space<vmem>>, vector<1x1x128xf32>
    %swap3A_1374 = vector.shape_cast %swap3A_1373 : vector<1x1x128xf32> to vector<128xf32>
    %swap3A_1375 = vector.shape_cast %add3A_1369 : vector<128xf32> to vector<1x1x128xf32>
    tpu.vector_store %arg11[%swap3A_1370, %swap3A_1371, %swap3A_1372], %swap3A_1375 {strides = array<i32>} : memref<2x32x128xf32, #tpu.memory_space<vmem>>, vector<1x1x128xf32>,
    %slice3A_1376 = vector.extract_strided_slice %dot_general3A_45 {offsets = [12, 0], sizes = [116, 300], strides = [1, 1]} : vector<128x300xf32> to vector<116x300xf32>
    %slice3A_1377 = vector.extract_strided_slice %dot_general3A_45 {offsets = [0, 0], sizes = [12, 300], strides = [1, 1]} : vector<128x300xf32> to vector<12x300xf32>
    %concatenate3A_1378 = tpu.concatenate %slice3A_1376, %slice3A_1377 in 0 : vector<116x300xf32>, vector<12x300xf32> -> vector<128x300xf32>
    %add3A_1379 = arith.addf %dot_general3A_42, %concatenate3A_1378 : vector<128x300xf32>
    %slice3A_1380 = vector.extract_strided_slice %add3A_14 {offsets = [24, 0], sizes = [1, 300], strides = [1, 1]} : vector<25x300xf32> to vector<1x300xf32>
    %squeeze3A_1381 = vector.shape_cast %slice3A_1380 : vector<1x300xf32> to vector<300xf32>
    %broadcast_in_dim3A_1382 = vector.shape_cast %squeeze3A_1381 : vector<300xf32> to vector<1x300xf32>
    %add3A_1383 = vector.broadcast %broadcast_in_dim3A_1382 : vector<1x300xf32> to vector<128x300xf32>
    %add3A_1384 = arith.addf %add3A_1379, %add3A_1383 : vector<128x300xf32>
    %reduce_sum3A_1385 = arith.constant dense<0.000000e+00> : vector<128xf32>
    %reduce_sum3A_1386 = vector.multi_reduction <add>, %add3A_1384, %reduce_sum3A_1385 [1] : vector<128x300xf32> to vector<128xf32>
    %broadcast_in_dim3A_1387 = vector.shape_cast %reduce_sum3A_1386 : vector<128xf32> to vector<128x1xf32>
    %mul3A_1388 = arith.mulf %add3A_1384, %add3A_1384 : vector<128x300xf32>
    %reduce_sum3A_1389 = arith.constant dense<0.000000e+00> : vector<128xf32>
    %reduce_sum3A_1390 = vector.multi_reduction <add>, %mul3A_1388, %reduce_sum3A_1389 [1] : vector<128x300xf32> to vector<128xf32>
    %broadcast_in_dim3A_1391 = vector.shape_cast %reduce_sum3A_1390 : vector<128xf32> to vector<128x1xf32>
    %mul3A_1392 = arith.constant 0.00333333341 : f32
    %mul3A_1393 = vector.broadcast %mul3A_1392 : f32 to vector<128x1xf32>
    %mul3A_1394 = arith.mulf %broadcast_in_dim3A_1387, %mul3A_1393 : vector<128x1xf32>
    %mul3A_1395 = arith.constant 0.00333333341 : f32
    %mul3A_1396 = vector.broadcast %mul3A_1395 : f32 to vector<128x1xf32>
    %mul3A_1397 = arith.mulf %broadcast_in_dim3A_1391, %mul3A_1396 : vector<128x1xf32>
    %mul3A_1398 = arith.mulf %mul3A_1394, %mul3A_1394 : vector<128x1xf32>
    %sub3A_1399 = arith.subf %mul3A_1397, %mul3A_1398 : vector<128x1xf32>
    %sub3A_1400 = vector.broadcast %mul3A_1394 : vector<128x1xf32> to vector<128x300xf32>
    %sub3A_1401 = arith.subf %add3A_1384, %sub3A_1400 : vector<128x300xf32>
    %add3A_1402 = arith.constant 9.99999974E-6 : f32
    %add3A_1403 = vector.broadcast %add3A_1402 : f32 to vector<128x1xf32>
    %add3A_1404 = arith.addf %sub3A_1399, %add3A_1403 : vector<128x1xf32>
    %rsqrt3A_1405 = math.rsqrt %add3A_1404 : vector<128x1xf32>
    %mul3A_1406 = vector.broadcast %rsqrt3A_1405 : vector<128x1xf32> to vector<128x300xf32>
    %mul3A_1407 = arith.mulf %sub3A_1401, %mul3A_1406 : vector<128x300xf32>
    %convert_element_type3A_1408 = arith.truncf %mul3A_1407 : vector<128x300xf32> to vector<128x300xbf16>
    %mul3A_1409 = vector.broadcast %convert_element_type3A : vector<1x300xbf16> to vector<128x300xbf16>
    %mul3A_1410 = arith.mulf %convert_element_type3A_1408, %mul3A_1409 : vector<128x300xbf16>
    %add3A_1411 = vector.broadcast %convert_element_type3A_28 : vector<1x300xbf16> to vector<128x300xbf16>
    %add3A_1412 = arith.addf %mul3A_1410, %add3A_1411 : vector<128x300xbf16>
    %gt3A_1413 = arith.constant 0.000000e+00 : bf16
    %gt3A_1414 = vector.broadcast %gt3A_1413 : bf16 to vector<128x300xbf16>
    %gt3A_1415 = arith.cmpf ogt, %add3A_1412, %gt3A_1414 : vector<128x300xbf16>
    %exp3A_1416 = math.exp %add3A_1412 : vector<128x300xbf16>
    %sub3A_1417 = arith.constant 1.000000e+00 : bf16
    %sub3A_1418 = vector.broadcast %sub3A_1417 : bf16 to vector<128x300xbf16>
    %sub3A_1419 = arith.subf %exp3A_1416, %sub3A_1418 : vector<128x300xbf16>
    %select_n3A_1420 = arith.select %gt3A_1415, %add3A_1412, %sub3A_1419 : vector<128x300xi1>, vector<128x300xbf16>
    %dot_general3A_1421 = arith.constant dense<0.000000e+00> : vector<1x128xf32>
    %dot_general3A_1422 = tpu.matmul %convert_element_type3A_29, %select_n3A_1420, %dot_general3A_1421 {dimension_numbers = #tpu.dot_dimension_numbers<[1], [1], [0], [0], [0, 0, 1, 0], [], []>, transpose_lhs_hint = false} : vector<1x300xbf16>, vector<128x300xbf16>, vector<1x128xf32> -> vector<1x128xf32>
    %squeeze3A_1423 = vector.shape_cast %dot_general3A_1422 : vector<1x128xf32> to vector<128xf32>
    %add3A_1424 = vector.broadcast %get3A_27 : f32 to vector<128xf32>
    %add3A_1425 = arith.addf %squeeze3A_1423, %add3A_1424 : vector<128xf32>
    %swap3A_1426 = arith.constant 0 : index
    %swap3A_1427 = arith.constant 24 : index
    %swap3A_1428 = arith.constant 0 : index
    %swap3A_1429 = vector.load %arg11[%swap3A_1426, %swap3A_1427, %swap3A_1428] : memref<2x32x128xf32, #tpu.memory_space<vmem>>, vector<1x1x128xf32>
    %swap3A_1430 = vector.shape_cast %swap3A_1429 : vector<1x1x128xf32> to vector<128xf32>
    %swap3A_1431 = vector.shape_cast %add3A_1425 : vector<128xf32> to vector<1x1x128xf32>
    tpu.vector_store %arg11[%swap3A_1426, %swap3A_1427, %swap3A_1428], %swap3A_1431 {strides = array<i32>} : memref<2x32x128xf32, #tpu.memory_space<vmem>>, vector<1x1x128xf32>,
    %get3A_1432 = arith.constant 1 : index
    %get3A_1433 = arith.constant 0 : index
    %get3A_1434 = arith.constant 0 : index
    %get3A_1435 = vector.load %arg2[%get3A_1432, %get3A_1433, %get3A_1434] : memref<2x128x300xf32, #tpu.memory_space<vmem>>, vector<1x128x300xf32>
    %get3A_1436 = vector.shape_cast %get3A_1435 : vector<1x128x300xf32> to vector<128x300xf32>
    %get3A_1437 = arith.constant 1 : index
    %get3A_1438 = arith.constant 0 : index
    %get3A_1439 = arith.constant 0 : index
    %get3A_1440 = vector.load %arg3[%get3A_1437, %get3A_1438, %get3A_1439] : memref<2x128x300xf32, #tpu.memory_space<vmem>>, vector<1x128x300xf32>
    %get3A_1441 = vector.shape_cast %get3A_1440 : vector<1x128x300xf32> to vector<128x300xf32>
    %slice3A_1442 = vector.extract_strided_slice %get3A_1 {offsets = [0, 0], sizes = [300, 300], strides = [1, 1]} : vector<650x300xf32> to vector<300x300xf32>
    %dot_general3A_1443 = arith.constant dense<0.000000e+00> : vector<128x300xf32>
    %dot_general3A_1444 = tpu.matmul %get3A_1436, %slice3A_1442, %dot_general3A_1443 {dimension_numbers = #tpu.dot_dimension_numbers<[1], [0], [0], [1], [0, 0, 1, 1], [], []>, transpose_lhs_hint = false} : vector<128x300xf32>, vector<300x300xf32>, vector<128x300xf32> -> vector<128x300xf32>
    %slice3A_1445 = vector.extract_strided_slice %get3A_1 {offsets = [300, 0], sizes = [300, 300], strides = [1, 1]} : vector<650x300xf32> to vector<300x300xf32>
    %dot_general3A_1446 = arith.constant dense<0.000000e+00> : vector<128x300xf32>
    %dot_general3A_1447 = tpu.matmul %get3A_1441, %slice3A_1445, %dot_general3A_1446 {dimension_numbers = #tpu.dot_dimension_numbers<[1], [0], [0], [1], [0, 0, 1, 1], [], []>, transpose_lhs_hint = false} : vector<128x300xf32>, vector<300x300xf32>, vector<128x300xf32> -> vector<128x300xf32>
    %slice3A_1448 = vector.extract_strided_slice %dot_general3A_1447 {offsets = [116, 0], sizes = [12, 300], strides = [1, 1]} : vector<128x300xf32> to vector<12x300xf32>
    %slice3A_1449 = vector.extract_strided_slice %dot_general3A_1447 {offsets = [0, 0], sizes = [116, 300], strides = [1, 1]} : vector<128x300xf32> to vector<116x300xf32>
    %concatenate3A_1450 = tpu.concatenate %slice3A_1448, %slice3A_1449 in 0 : vector<12x300xf32>, vector<116x300xf32> -> vector<128x300xf32>
    %add3A_1451 = arith.addf %dot_general3A_1444, %concatenate3A_1450 : vector<128x300xf32>
    %slice3A_1452 = vector.extract_strided_slice %add3A_14 {offsets = [0, 0], sizes = [1, 300], strides = [1, 1]} : vector<25x300xf32> to vector<1x300xf32>
    %squeeze3A_1453 = vector.shape_cast %slice3A_1452 : vector<1x300xf32> to vector<300xf32>
    %broadcast_in_dim3A_1454 = vector.shape_cast %squeeze3A_1453 : vector<300xf32> to vector<1x300xf32>
    %add3A_1455 = vector.broadcast %broadcast_in_dim3A_1454 : vector<1x300xf32> to vector<128x300xf32>
    %add3A_1456 = arith.addf %add3A_1451, %add3A_1455 : vector<128x300xf32>
    %reduce_sum3A_1457 = arith.constant dense<0.000000e+00> : vector<128xf32>
    %reduce_sum3A_1458 = vector.multi_reduction <add>, %add3A_1456, %reduce_sum3A_1457 [1] : vector<128x300xf32> to vector<128xf32>
    %broadcast_in_dim3A_1459 = vector.shape_cast %reduce_sum3A_1458 : vector<128xf32> to vector<128x1xf32>
    %mul3A_1460 = arith.mulf %add3A_1456, %add3A_1456 : vector<128x300xf32>
    %reduce_sum3A_1461 = arith.constant dense<0.000000e+00> : vector<128xf32>
    %reduce_sum3A_1462 = vector.multi_reduction <add>, %mul3A_1460, %reduce_sum3A_1461 [1] : vector<128x300xf32> to vector<128xf32>
    %broadcast_in_dim3A_1463 = vector.shape_cast %reduce_sum3A_1462 : vector<128xf32> to vector<128x1xf32>
    %mul3A_1464 = arith.constant 0.00333333341 : f32
    %mul3A_1465 = vector.broadcast %mul3A_1464 : f32 to vector<128x1xf32>
    %mul3A_1466 = arith.mulf %broadcast_in_dim3A_1459, %mul3A_1465 : vector<128x1xf32>
    %mul3A_1467 = arith.constant 0.00333333341 : f32
    %mul3A_1468 = vector.broadcast %mul3A_1467 : f32 to vector<128x1xf32>
    %mul3A_1469 = arith.mulf %broadcast_in_dim3A_1463, %mul3A_1468 : vector<128x1xf32>
    %mul3A_1470 = arith.mulf %mul3A_1466, %mul3A_1466 : vector<128x1xf32>
    %sub3A_1471 = arith.subf %mul3A_1469, %mul3A_1470 : vector<128x1xf32>
    %sub3A_1472 = vector.broadcast %mul3A_1466 : vector<128x1xf32> to vector<128x300xf32>
    %sub3A_1473 = arith.subf %add3A_1456, %sub3A_1472 : vector<128x300xf32>
    %add3A_1474 = arith.constant 9.99999974E-6 : f32
    %add3A_1475 = vector.broadcast %add3A_1474 : f32 to vector<128x1xf32>
    %add3A_1476 = arith.addf %sub3A_1471, %add3A_1475 : vector<128x1xf32>
    %rsqrt3A_1477 = math.rsqrt %add3A_1476 : vector<128x1xf32>
    %mul3A_1478 = vector.broadcast %rsqrt3A_1477 : vector<128x1xf32> to vector<128x300xf32>
    %mul3A_1479 = arith.mulf %sub3A_1473, %mul3A_1478 : vector<128x300xf32>
    %convert_element_type3A_1480 = arith.truncf %mul3A_1479 : vector<128x300xf32> to vector<128x300xbf16>
    %mul3A_1481 = vector.broadcast %convert_element_type3A : vector<1x300xbf16> to vector<128x300xbf16>
    %mul3A_1482 = arith.mulf %convert_element_type3A_1480, %mul3A_1481 : vector<128x300xbf16>
    %add3A_1483 = vector.broadcast %convert_element_type3A_28 : vector<1x300xbf16> to vector<128x300xbf16>
    %add3A_1484 = arith.addf %mul3A_1482, %add3A_1483 : vector<128x300xbf16>
    %gt3A_1485 = arith.constant 0.000000e+00 : bf16
    %gt3A_1486 = vector.broadcast %gt3A_1485 : bf16 to vector<128x300xbf16>
    %gt3A_1487 = arith.cmpf ogt, %add3A_1484, %gt3A_1486 : vector<128x300xbf16>
    %exp3A_1488 = math.exp %add3A_1484 : vector<128x300xbf16>
    %sub3A_1489 = arith.constant 1.000000e+00 : bf16
    %sub3A_1490 = vector.broadcast %sub3A_1489 : bf16 to vector<128x300xbf16>
    %sub3A_1491 = arith.subf %exp3A_1488, %sub3A_1490 : vector<128x300xbf16>
    %select_n3A_1492 = arith.select %gt3A_1487, %add3A_1484, %sub3A_1491 : vector<128x300xi1>, vector<128x300xbf16>
    %dot_general3A_1493 = arith.constant dense<0.000000e+00> : vector<1x128xf32>
    %dot_general3A_1494 = tpu.matmul %convert_element_type3A_29, %select_n3A_1492, %dot_general3A_1493 {dimension_numbers = #tpu.dot_dimension_numbers<[1], [1], [0], [0], [0, 0, 1, 0], [], []>, transpose_lhs_hint = false} : vector<1x300xbf16>, vector<128x300xbf16>, vector<1x128xf32> -> vector<1x128xf32>
    %squeeze3A_1495 = vector.shape_cast %dot_general3A_1494 : vector<1x128xf32> to vector<128xf32>
    %add3A_1496 = vector.broadcast %get3A_27 : f32 to vector<128xf32>
    %add3A_1497 = arith.addf %squeeze3A_1495, %add3A_1496 : vector<128xf32>
    %swap3A_1498 = arith.constant 1 : index
    %swap3A_1499 = arith.constant 0 : index
    %swap3A_1500 = arith.constant 0 : index
    %swap3A_1501 = vector.load %arg11[%swap3A_1498, %swap3A_1499, %swap3A_1500] : memref<2x32x128xf32, #tpu.memory_space<vmem>>, vector<1x1x128xf32>
    %swap3A_1502 = vector.shape_cast %swap3A_1501 : vector<1x1x128xf32> to vector<128xf32>
    %swap3A_1503 = vector.shape_cast %add3A_1497 : vector<128xf32> to vector<1x1x128xf32>
    tpu.vector_store %arg11[%swap3A_1498, %swap3A_1499, %swap3A_1500], %swap3A_1503 {strides = array<i32>} : memref<2x32x128xf32, #tpu.memory_space<vmem>>, vector<1x1x128xf32>,
    %slice3A_1504 = vector.extract_strided_slice %dot_general3A_1447 {offsets = [117, 0], sizes = [11, 300], strides = [1, 1]} : vector<128x300xf32> to vector<11x300xf32>
    %slice3A_1505 = vector.extract_strided_slice %dot_general3A_1447 {offsets = [0, 0], sizes = [117, 300], strides = [1, 1]} : vector<128x300xf32> to vector<117x300xf32>
    %concatenate3A_1506 = tpu.concatenate %slice3A_1504, %slice3A_1505 in 0 : vector<11x300xf32>, vector<117x300xf32> -> vector<128x300xf32>
    %add3A_1507 = arith.addf %dot_general3A_1444, %concatenate3A_1506 : vector<128x300xf32>
    %slice3A_1508 = vector.extract_strided_slice %add3A_14 {offsets = [1, 0], sizes = [1, 300], strides = [1, 1]} : vector<25x300xf32> to vector<1x300xf32>
    %squeeze3A_1509 = vector.shape_cast %slice3A_1508 : vector<1x300xf32> to vector<300xf32>
    %broadcast_in_dim3A_1510 = vector.shape_cast %squeeze3A_1509 : vector<300xf32> to vector<1x300xf32>
    %add3A_1511 = vector.broadcast %broadcast_in_dim3A_1510 : vector<1x300xf32> to vector<128x300xf32>
    %add3A_1512 = arith.addf %add3A_1507, %add3A_1511 : vector<128x300xf32>
    %reduce_sum3A_1513 = arith.constant dense<0.000000e+00> : vector<128xf32>
    %reduce_sum3A_1514 = vector.multi_reduction <add>, %add3A_1512, %reduce_sum3A_1513 [1] : vector<128x300xf32> to vector<128xf32>
    %broadcast_in_dim3A_1515 = vector.shape_cast %reduce_sum3A_1514 : vector<128xf32> to vector<128x1xf32>
    %mul3A_1516 = arith.mulf %add3A_1512, %add3A_1512 : vector<128x300xf32>
    %reduce_sum3A_1517 = arith.constant dense<0.000000e+00> : vector<128xf32>
    %reduce_sum3A_1518 = vector.multi_reduction <add>, %mul3A_1516, %reduce_sum3A_1517 [1] : vector<128x300xf32> to vector<128xf32>
    %broadcast_in_dim3A_1519 = vector.shape_cast %reduce_sum3A_1518 : vector<128xf32> to vector<128x1xf32>
    %mul3A_1520 = arith.constant 0.00333333341 : f32
    %mul3A_1521 = vector.broadcast %mul3A_1520 : f32 to vector<128x1xf32>
    %mul3A_1522 = arith.mulf %broadcast_in_dim3A_1515, %mul3A_1521 : vector<128x1xf32>
    %mul3A_1523 = arith.constant 0.00333333341 : f32
    %mul3A_1524 = vector.broadcast %mul3A_1523 : f32 to vector<128x1xf32>
    %mul3A_1525 = arith.mulf %broadcast_in_dim3A_1519, %mul3A_1524 : vector<128x1xf32>
    %mul3A_1526 = arith.mulf %mul3A_1522, %mul3A_1522 : vector<128x1xf32>
    %sub3A_1527 = arith.subf %mul3A_1525, %mul3A_1526 : vector<128x1xf32>
    %sub3A_1528 = vector.broadcast %mul3A_1522 : vector<128x1xf32> to vector<128x300xf32>
    %sub3A_1529 = arith.subf %add3A_1512, %sub3A_1528 : vector<128x300xf32>
    %add3A_1530 = arith.constant 9.99999974E-6 : f32
    %add3A_1531 = vector.broadcast %add3A_1530 : f32 to vector<128x1xf32>
    %add3A_1532 = arith.addf %sub3A_1527, %add3A_1531 : vector<128x1xf32>
    %rsqrt3A_1533 = math.rsqrt %add3A_1532 : vector<128x1xf32>
    %mul3A_1534 = vector.broadcast %rsqrt3A_1533 : vector<128x1xf32> to vector<128x300xf32>
    %mul3A_1535 = arith.mulf %sub3A_1529, %mul3A_1534 : vector<128x300xf32>
    %convert_element_type3A_1536 = arith.truncf %mul3A_1535 : vector<128x300xf32> to vector<128x300xbf16>
    %mul3A_1537 = vector.broadcast %convert_element_type3A : vector<1x300xbf16> to vector<128x300xbf16>
    %mul3A_1538 = arith.mulf %convert_element_type3A_1536, %mul3A_1537 : vector<128x300xbf16>
    %add3A_1539 = vector.broadcast %convert_element_type3A_28 : vector<1x300xbf16> to vector<128x300xbf16>
    %add3A_1540 = arith.addf %mul3A_1538, %add3A_1539 : vector<128x300xbf16>
    %gt3A_1541 = arith.constant 0.000000e+00 : bf16
    %gt3A_1542 = vector.broadcast %gt3A_1541 : bf16 to vector<128x300xbf16>
    %gt3A_1543 = arith.cmpf ogt, %add3A_1540, %gt3A_1542 : vector<128x300xbf16>
    %exp3A_1544 = math.exp %add3A_1540 : vector<128x300xbf16>
    %sub3A_1545 = arith.constant 1.000000e+00 : bf16
    %sub3A_1546 = vector.broadcast %sub3A_1545 : bf16 to vector<128x300xbf16>
    %sub3A_1547 = arith.subf %exp3A_1544, %sub3A_1546 : vector<128x300xbf16>
    %select_n3A_1548 = arith.select %gt3A_1543, %add3A_1540, %sub3A_1547 : vector<128x300xi1>, vector<128x300xbf16>
    %dot_general3A_1549 = arith.constant dense<0.000000e+00> : vector<1x128xf32>
    %dot_general3A_1550 = tpu.matmul %convert_element_type3A_29, %select_n3A_1548, %dot_general3A_1549 {dimension_numbers = #tpu.dot_dimension_numbers<[1], [1], [0], [0], [0, 0, 1, 0], [], []>, transpose_lhs_hint = false} : vector<1x300xbf16>, vector<128x300xbf16>, vector<1x128xf32> -> vector<1x128xf32>
    %squeeze3A_1551 = vector.shape_cast %dot_general3A_1550 : vector<1x128xf32> to vector<128xf32>
    %add3A_1552 = vector.broadcast %get3A_27 : f32 to vector<128xf32>
    %add3A_1553 = arith.addf %squeeze3A_1551, %add3A_1552 : vector<128xf32>
    %swap3A_1554 = arith.constant 1 : index
    %swap3A_1555 = arith.constant 1 : index
    %swap3A_1556 = arith.constant 0 : index
    %swap3A_1557 = vector.load %arg11[%swap3A_1554, %swap3A_1555, %swap3A_1556] : memref<2x32x128xf32, #tpu.memory_space<vmem>>, vector<1x1x128xf32>
    %swap3A_1558 = vector.shape_cast %swap3A_1557 : vector<1x1x128xf32> to vector<128xf32>
    %swap3A_1559 = vector.shape_cast %add3A_1553 : vector<128xf32> to vector<1x1x128xf32>
    tpu.vector_store %arg11[%swap3A_1554, %swap3A_1555, %swap3A_1556], %swap3A_1559 {strides = array<i32>} : memref<2x32x128xf32, #tpu.memory_space<vmem>>, vector<1x1x128xf32>,
    %slice3A_1560 = vector.extract_strided_slice %dot_general3A_1447 {offsets = [118, 0], sizes = [10, 300], strides = [1, 1]} : vector<128x300xf32> to vector<10x300xf32>
    %slice3A_1561 = vector.extract_strided_slice %dot_general3A_1447 {offsets = [0, 0], sizes = [118, 300], strides = [1, 1]} : vector<128x300xf32> to vector<118x300xf32>
    %concatenate3A_1562 = tpu.concatenate %slice3A_1560, %slice3A_1561 in 0 : vector<10x300xf32>, vector<118x300xf32> -> vector<128x300xf32>
    %add3A_1563 = arith.addf %dot_general3A_1444, %concatenate3A_1562 : vector<128x300xf32>
    %slice3A_1564 = vector.extract_strided_slice %add3A_14 {offsets = [2, 0], sizes = [1, 300], strides = [1, 1]} : vector<25x300xf32> to vector<1x300xf32>
    %squeeze3A_1565 = vector.shape_cast %slice3A_1564 : vector<1x300xf32> to vector<300xf32>
    %broadcast_in_dim3A_1566 = vector.shape_cast %squeeze3A_1565 : vector<300xf32> to vector<1x300xf32>
    %add3A_1567 = vector.broadcast %broadcast_in_dim3A_1566 : vector<1x300xf32> to vector<128x300xf32>
    %add3A_1568 = arith.addf %add3A_1563, %add3A_1567 : vector<128x300xf32>
    %reduce_sum3A_1569 = arith.constant dense<0.000000e+00> : vector<128xf32>
    %reduce_sum3A_1570 = vector.multi_reduction <add>, %add3A_1568, %reduce_sum3A_1569 [1] : vector<128x300xf32> to vector<128xf32>
    %broadcast_in_dim3A_1571 = vector.shape_cast %reduce_sum3A_1570 : vector<128xf32> to vector<128x1xf32>
    %mul3A_1572 = arith.mulf %add3A_1568, %add3A_1568 : vector<128x300xf32>
    %reduce_sum3A_1573 = arith.constant dense<0.000000e+00> : vector<128xf32>
    %reduce_sum3A_1574 = vector.multi_reduction <add>, %mul3A_1572, %reduce_sum3A_1573 [1] : vector<128x300xf32> to vector<128xf32>
    %broadcast_in_dim3A_1575 = vector.shape_cast %reduce_sum3A_1574 : vector<128xf32> to vector<128x1xf32>
    %mul3A_1576 = arith.constant 0.00333333341 : f32
    %mul3A_1577 = vector.broadcast %mul3A_1576 : f32 to vector<128x1xf32>
    %mul3A_1578 = arith.mulf %broadcast_in_dim3A_1571, %mul3A_1577 : vector<128x1xf32>
    %mul3A_1579 = arith.constant 0.00333333341 : f32
    %mul3A_1580 = vector.broadcast %mul3A_1579 : f32 to vector<128x1xf32>
    %mul3A_1581 = arith.mulf %broadcast_in_dim3A_1575, %mul3A_1580 : vector<128x1xf32>
    %mul3A_1582 = arith.mulf %mul3A_1578, %mul3A_1578 : vector<128x1xf32>
    %sub3A_1583 = arith.subf %mul3A_1581, %mul3A_1582 : vector<128x1xf32>
    %sub3A_1584 = vector.broadcast %mul3A_1578 : vector<128x1xf32> to vector<128x300xf32>
    %sub3A_1585 = arith.subf %add3A_1568, %sub3A_1584 : vector<128x300xf32>
    %add3A_1586 = arith.constant 9.99999974E-6 : f32
    %add3A_1587 = vector.broadcast %add3A_1586 : f32 to vector<128x1xf32>
    %add3A_1588 = arith.addf %sub3A_1583, %add3A_1587 : vector<128x1xf32>
    %rsqrt3A_1589 = math.rsqrt %add3A_1588 : vector<128x1xf32>
    %mul3A_1590 = vector.broadcast %rsqrt3A_1589 : vector<128x1xf32> to vector<128x300xf32>
    %mul3A_1591 = arith.mulf %sub3A_1585, %mul3A_1590 : vector<128x300xf32>
    %convert_element_type3A_1592 = arith.truncf %mul3A_1591 : vector<128x300xf32> to vector<128x300xbf16>
    %mul3A_1593 = vector.broadcast %convert_element_type3A : vector<1x300xbf16> to vector<128x300xbf16>
    %mul3A_1594 = arith.mulf %convert_element_type3A_1592, %mul3A_1593 : vector<128x300xbf16>
    %add3A_1595 = vector.broadcast %convert_element_type3A_28 : vector<1x300xbf16> to vector<128x300xbf16>
    %add3A_1596 = arith.addf %mul3A_1594, %add3A_1595 : vector<128x300xbf16>
    %gt3A_1597 = arith.constant 0.000000e+00 : bf16
    %gt3A_1598 = vector.broadcast %gt3A_1597 : bf16 to vector<128x300xbf16>
    %gt3A_1599 = arith.cmpf ogt, %add3A_1596, %gt3A_1598 : vector<128x300xbf16>
    %exp3A_1600 = math.exp %add3A_1596 : vector<128x300xbf16>
    %sub3A_1601 = arith.constant 1.000000e+00 : bf16
    %sub3A_1602 = vector.broadcast %sub3A_1601 : bf16 to vector<128x300xbf16>
    %sub3A_1603 = arith.subf %exp3A_1600, %sub3A_1602 : vector<128x300xbf16>
    %select_n3A_1604 = arith.select %gt3A_1599, %add3A_1596, %sub3A_1603 : vector<128x300xi1>, vector<128x300xbf16>
    %dot_general3A_1605 = arith.constant dense<0.000000e+00> : vector<1x128xf32>
    %dot_general3A_1606 = tpu.matmul %convert_element_type3A_29, %select_n3A_1604, %dot_general3A_1605 {dimension_numbers = #tpu.dot_dimension_numbers<[1], [1], [0], [0], [0, 0, 1, 0], [], []>, transpose_lhs_hint = false} : vector<1x300xbf16>, vector<128x300xbf16>, vector<1x128xf32> -> vector<1x128xf32>
    %squeeze3A_1607 = vector.shape_cast %dot_general3A_1606 : vector<1x128xf32> to vector<128xf32>
    %add3A_1608 = vector.broadcast %get3A_27 : f32 to vector<128xf32>
    %add3A_1609 = arith.addf %squeeze3A_1607, %add3A_1608 : vector<128xf32>
    %swap3A_1610 = arith.constant 1 : index
    %swap3A_1611 = arith.constant 2 : index
    %swap3A_1612 = arith.constant 0 : index
    %swap3A_1613 = vector.load %arg11[%swap3A_1610, %swap3A_1611, %swap3A_1612] : memref<2x32x128xf32, #tpu.memory_space<vmem>>, vector<1x1x128xf32>
    %swap3A_1614 = vector.shape_cast %swap3A_1613 : vector<1x1x128xf32> to vector<128xf32>
    %swap3A_1615 = vector.shape_cast %add3A_1609 : vector<128xf32> to vector<1x1x128xf32>
    tpu.vector_store %arg11[%swap3A_1610, %swap3A_1611, %swap3A_1612], %swap3A_1615 {strides = array<i32>} : memref<2x32x128xf32, #tpu.memory_space<vmem>>, vector<1x1x128xf32>,
    %slice3A_1616 = vector.extract_strided_slice %dot_general3A_1447 {offsets = [119, 0], sizes = [9, 300], strides = [1, 1]} : vector<128x300xf32> to vector<9x300xf32>
    %slice3A_1617 = vector.extract_strided_slice %dot_general3A_1447 {offsets = [0, 0], sizes = [119, 300], strides = [1, 1]} : vector<128x300xf32> to vector<119x300xf32>
    %concatenate3A_1618 = tpu.concatenate %slice3A_1616, %slice3A_1617 in 0 : vector<9x300xf32>, vector<119x300xf32> -> vector<128x300xf32>
    %add3A_1619 = arith.addf %dot_general3A_1444, %concatenate3A_1618 : vector<128x300xf32>
    %slice3A_1620 = vector.extract_strided_slice %add3A_14 {offsets = [3, 0], sizes = [1, 300], strides = [1, 1]} : vector<25x300xf32> to vector<1x300xf32>
    %squeeze3A_1621 = vector.shape_cast %slice3A_1620 : vector<1x300xf32> to vector<300xf32>
    %broadcast_in_dim3A_1622 = vector.shape_cast %squeeze3A_1621 : vector<300xf32> to vector<1x300xf32>
    %add3A_1623 = vector.broadcast %broadcast_in_dim3A_1622 : vector<1x300xf32> to vector<128x300xf32>
    %add3A_1624 = arith.addf %add3A_1619, %add3A_1623 : vector<128x300xf32>
    %reduce_sum3A_1625 = arith.constant dense<0.000000e+00> : vector<128xf32>
    %reduce_sum3A_1626 = vector.multi_reduction <add>, %add3A_1624, %reduce_sum3A_1625 [1] : vector<128x300xf32> to vector<128xf32>
    %broadcast_in_dim3A_1627 = vector.shape_cast %reduce_sum3A_1626 : vector<128xf32> to vector<128x1xf32>
    %mul3A_1628 = arith.mulf %add3A_1624, %add3A_1624 : vector<128x300xf32>
    %reduce_sum3A_1629 = arith.constant dense<0.000000e+00> : vector<128xf32>
    %reduce_sum3A_1630 = vector.multi_reduction <add>, %mul3A_1628, %reduce_sum3A_1629 [1] : vector<128x300xf32> to vector<128xf32>
    %broadcast_in_dim3A_1631 = vector.shape_cast %reduce_sum3A_1630 : vector<128xf32> to vector<128x1xf32>
    %mul3A_1632 = arith.constant 0.00333333341 : f32
    %mul3A_1633 = vector.broadcast %mul3A_1632 : f32 to vector<128x1xf32>
    %mul3A_1634 = arith.mulf %broadcast_in_dim3A_1627, %mul3A_1633 : vector<128x1xf32>
    %mul3A_1635 = arith.constant 0.00333333341 : f32
    %mul3A_1636 = vector.broadcast %mul3A_1635 : f32 to vector<128x1xf32>
    %mul3A_1637 = arith.mulf %broadcast_in_dim3A_1631, %mul3A_1636 : vector<128x1xf32>
    %mul3A_1638 = arith.mulf %mul3A_1634, %mul3A_1634 : vector<128x1xf32>
    %sub3A_1639 = arith.subf %mul3A_1637, %mul3A_1638 : vector<128x1xf32>
    %sub3A_1640 = vector.broadcast %mul3A_1634 : vector<128x1xf32> to vector<128x300xf32>
    %sub3A_1641 = arith.subf %add3A_1624, %sub3A_1640 : vector<128x300xf32>
    %add3A_1642 = arith.constant 9.99999974E-6 : f32
    %add3A_1643 = vector.broadcast %add3A_1642 : f32 to vector<128x1xf32>
    %add3A_1644 = arith.addf %sub3A_1639, %add3A_1643 : vector<128x1xf32>
    %rsqrt3A_1645 = math.rsqrt %add3A_1644 : vector<128x1xf32>
    %mul3A_1646 = vector.broadcast %rsqrt3A_1645 : vector<128x1xf32> to vector<128x300xf32>
    %mul3A_1647 = arith.mulf %sub3A_1641, %mul3A_1646 : vector<128x300xf32>
    %convert_element_type3A_1648 = arith.truncf %mul3A_1647 : vector<128x300xf32> to vector<128x300xbf16>
    %mul3A_1649 = vector.broadcast %convert_element_type3A : vector<1x300xbf16> to vector<128x300xbf16>
    %mul3A_1650 = arith.mulf %convert_element_type3A_1648, %mul3A_1649 : vector<128x300xbf16>
    %add3A_1651 = vector.broadcast %convert_element_type3A_28 : vector<1x300xbf16> to vector<128x300xbf16>
    %add3A_1652 = arith.addf %mul3A_1650, %add3A_1651 : vector<128x300xbf16>
    %gt3A_1653 = arith.constant 0.000000e+00 : bf16
    %gt3A_1654 = vector.broadcast %gt3A_1653 : bf16 to vector<128x300xbf16>
    %gt3A_1655 = arith.cmpf ogt, %add3A_1652, %gt3A_1654 : vector<128x300xbf16>
    %exp3A_1656 = math.exp %add3A_1652 : vector<128x300xbf16>
    %sub3A_1657 = arith.constant 1.000000e+00 : bf16
    %sub3A_1658 = vector.broadcast %sub3A_1657 : bf16 to vector<128x300xbf16>
    %sub3A_1659 = arith.subf %exp3A_1656, %sub3A_1658 : vector<128x300xbf16>
    %select_n3A_1660 = arith.select %gt3A_1655, %add3A_1652, %sub3A_1659 : vector<128x300xi1>, vector<128x300xbf16>
    %dot_general3A_1661 = arith.constant dense<0.000000e+00> : vector<1x128xf32>
    %dot_general3A_1662 = tpu.matmul %convert_element_type3A_29, %select_n3A_1660, %dot_general3A_1661 {dimension_numbers = #tpu.dot_dimension_numbers<[1], [1], [0], [0], [0, 0, 1, 0], [], []>, transpose_lhs_hint = false} : vector<1x300xbf16>, vector<128x300xbf16>, vector<1x128xf32> -> vector<1x128xf32>
    %squeeze3A_1663 = vector.shape_cast %dot_general3A_1662 : vector<1x128xf32> to vector<128xf32>
    %add3A_1664 = vector.broadcast %get3A_27 : f32 to vector<128xf32>
    %add3A_1665 = arith.addf %squeeze3A_1663, %add3A_1664 : vector<128xf32>
    %swap3A_1666 = arith.constant 1 : index
    %swap3A_1667 = arith.constant 3 : index
    %swap3A_1668 = arith.constant 0 : index
    %swap3A_1669 = vector.load %arg11[%swap3A_1666, %swap3A_1667, %swap3A_1668] : memref<2x32x128xf32, #tpu.memory_space<vmem>>, vector<1x1x128xf32>
    %swap3A_1670 = vector.shape_cast %swap3A_1669 : vector<1x1x128xf32> to vector<128xf32>
    %swap3A_1671 = vector.shape_cast %add3A_1665 : vector<128xf32> to vector<1x1x128xf32>
    tpu.vector_store %arg11[%swap3A_1666, %swap3A_1667, %swap3A_1668], %swap3A_1671 {strides = array<i32>} : memref<2x32x128xf32, #tpu.memory_space<vmem>>, vector<1x1x128xf32>,
    %slice3A_1672 = vector.extract_strided_slice %dot_general3A_1447 {offsets = [120, 0], sizes = [8, 300], strides = [1, 1]} : vector<128x300xf32> to vector<8x300xf32>
    %slice3A_1673 = vector.extract_strided_slice %dot_general3A_1447 {offsets = [0, 0], sizes = [120, 300], strides = [1, 1]} : vector<128x300xf32> to vector<120x300xf32>
    %concatenate3A_1674 = tpu.concatenate %slice3A_1672, %slice3A_1673 in 0 : vector<8x300xf32>, vector<120x300xf32> -> vector<128x300xf32>
    %add3A_1675 = arith.addf %dot_general3A_1444, %concatenate3A_1674 : vector<128x300xf32>
    %slice3A_1676 = vector.extract_strided_slice %add3A_14 {offsets = [4, 0], sizes = [1, 300], strides = [1, 1]} : vector<25x300xf32> to vector<1x300xf32>
    %squeeze3A_1677 = vector.shape_cast %slice3A_1676 : vector<1x300xf32> to vector<300xf32>
    %broadcast_in_dim3A_1678 = vector.shape_cast %squeeze3A_1677 : vector<300xf32> to vector<1x300xf32>
    %add3A_1679 = vector.broadcast %broadcast_in_dim3A_1678 : vector<1x300xf32> to vector<128x300xf32>
    %add3A_1680 = arith.addf %add3A_1675, %add3A_1679 : vector<128x300xf32>
    %reduce_sum3A_1681 = arith.constant dense<0.000000e+00> : vector<128xf32>
    %reduce_sum3A_1682 = vector.multi_reduction <add>, %add3A_1680, %reduce_sum3A_1681 [1] : vector<128x300xf32> to vector<128xf32>
    %broadcast_in_dim3A_1683 = vector.shape_cast %reduce_sum3A_1682 : vector<128xf32> to vector<128x1xf32>
    %mul3A_1684 = arith.mulf %add3A_1680, %add3A_1680 : vector<128x300xf32>
    %reduce_sum3A_1685 = arith.constant dense<0.000000e+00> : vector<128xf32>
    %reduce_sum3A_1686 = vector.multi_reduction <add>, %mul3A_1684, %reduce_sum3A_1685 [1] : vector<128x300xf32> to vector<128xf32>
    %broadcast_in_dim3A_1687 = vector.shape_cast %reduce_sum3A_1686 : vector<128xf32> to vector<128x1xf32>
    %mul3A_1688 = arith.constant 0.00333333341 : f32
    %mul3A_1689 = vector.broadcast %mul3A_1688 : f32 to vector<128x1xf32>
    %mul3A_1690 = arith.mulf %broadcast_in_dim3A_1683, %mul3A_1689 : vector<128x1xf32>
    %mul3A_1691 = arith.constant 0.00333333341 : f32
    %mul3A_1692 = vector.broadcast %mul3A_1691 : f32 to vector<128x1xf32>
    %mul3A_1693 = arith.mulf %broadcast_in_dim3A_1687, %mul3A_1692 : vector<128x1xf32>
    %mul3A_1694 = arith.mulf %mul3A_1690, %mul3A_1690 : vector<128x1xf32>
    %sub3A_1695 = arith.subf %mul3A_1693, %mul3A_1694 : vector<128x1xf32>
    %sub3A_1696 = vector.broadcast %mul3A_1690 : vector<128x1xf32> to vector<128x300xf32>
    %sub3A_1697 = arith.subf %add3A_1680, %sub3A_1696 : vector<128x300xf32>
    %add3A_1698 = arith.constant 9.99999974E-6 : f32
    %add3A_1699 = vector.broadcast %add3A_1698 : f32 to vector<128x1xf32>
    %add3A_1700 = arith.addf %sub3A_1695, %add3A_1699 : vector<128x1xf32>
    %rsqrt3A_1701 = math.rsqrt %add3A_1700 : vector<128x1xf32>
    %mul3A_1702 = vector.broadcast %rsqrt3A_1701 : vector<128x1xf32> to vector<128x300xf32>
    %mul3A_1703 = arith.mulf %sub3A_1697, %mul3A_1702 : vector<128x300xf32>
    %convert_element_type3A_1704 = arith.truncf %mul3A_1703 : vector<128x300xf32> to vector<128x300xbf16>
    %mul3A_1705 = vector.broadcast %convert_element_type3A : vector<1x300xbf16> to vector<128x300xbf16>
    %mul3A_1706 = arith.mulf %convert_element_type3A_1704, %mul3A_1705 : vector<128x300xbf16>
    %add3A_1707 = vector.broadcast %convert_element_type3A_28 : vector<1x300xbf16> to vector<128x300xbf16>
    %add3A_1708 = arith.addf %mul3A_1706, %add3A_1707 : vector<128x300xbf16>
    %gt3A_1709 = arith.constant 0.000000e+00 : bf16
    %gt3A_1710 = vector.broadcast %gt3A_1709 : bf16 to vector<128x300xbf16>
    %gt3A_1711 = arith.cmpf ogt, %add3A_1708, %gt3A_1710 : vector<128x300xbf16>
    %exp3A_1712 = math.exp %add3A_1708 : vector<128x300xbf16>
    %sub3A_1713 = arith.constant 1.000000e+00 : bf16
    %sub3A_1714 = vector.broadcast %sub3A_1713 : bf16 to vector<128x300xbf16>
    %sub3A_1715 = arith.subf %exp3A_1712, %sub3A_1714 : vector<128x300xbf16>
    %select_n3A_1716 = arith.select %gt3A_1711, %add3A_1708, %sub3A_1715 : vector<128x300xi1>, vector<128x300xbf16>
    %dot_general3A_1717 = arith.constant dense<0.000000e+00> : vector<1x128xf32>
    %dot_general3A_1718 = tpu.matmul %convert_element_type3A_29, %select_n3A_1716, %dot_general3A_1717 {dimension_numbers = #tpu.dot_dimension_numbers<[1], [1], [0], [0], [0, 0, 1, 0], [], []>, transpose_lhs_hint = false} : vector<1x300xbf16>, vector<128x300xbf16>, vector<1x128xf32> -> vector<1x128xf32>
    %squeeze3A_1719 = vector.shape_cast %dot_general3A_1718 : vector<1x128xf32> to vector<128xf32>
    %add3A_1720 = vector.broadcast %get3A_27 : f32 to vector<128xf32>
    %add3A_1721 = arith.addf %squeeze3A_1719, %add3A_1720 : vector<128xf32>
    %swap3A_1722 = arith.constant 1 : index
    %swap3A_1723 = arith.constant 4 : index
    %swap3A_1724 = arith.constant 0 : index
    %swap3A_1725 = vector.load %arg11[%swap3A_1722, %swap3A_1723, %swap3A_1724] : memref<2x32x128xf32, #tpu.memory_space<vmem>>, vector<1x1x128xf32>
    %swap3A_1726 = vector.shape_cast %swap3A_1725 : vector<1x1x128xf32> to vector<128xf32>
    %swap3A_1727 = vector.shape_cast %add3A_1721 : vector<128xf32> to vector<1x1x128xf32>
    tpu.vector_store %arg11[%swap3A_1722, %swap3A_1723, %swap3A_1724], %swap3A_1727 {strides = array<i32>} : memref<2x32x128xf32, #tpu.memory_space<vmem>>, vector<1x1x128xf32>,
    %slice3A_1728 = vector.extract_strided_slice %dot_general3A_1447 {offsets = [121, 0], sizes = [7, 300], strides = [1, 1]} : vector<128x300xf32> to vector<7x300xf32>
    %slice3A_1729 = vector.extract_strided_slice %dot_general3A_1447 {offsets = [0, 0], sizes = [121, 300], strides = [1, 1]} : vector<128x300xf32> to vector<121x300xf32>
    %concatenate3A_1730 = tpu.concatenate %slice3A_1728, %slice3A_1729 in 0 : vector<7x300xf32>, vector<121x300xf32> -> vector<128x300xf32>
    %add3A_1731 = arith.addf %dot_general3A_1444, %concatenate3A_1730 : vector<128x300xf32>
    %slice3A_1732 = vector.extract_strided_slice %add3A_14 {offsets = [5, 0], sizes = [1, 300], strides = [1, 1]} : vector<25x300xf32> to vector<1x300xf32>
    %squeeze3A_1733 = vector.shape_cast %slice3A_1732 : vector<1x300xf32> to vector<300xf32>
    %broadcast_in_dim3A_1734 = vector.shape_cast %squeeze3A_1733 : vector<300xf32> to vector<1x300xf32>
    %add3A_1735 = vector.broadcast %broadcast_in_dim3A_1734 : vector<1x300xf32> to vector<128x300xf32>
    %add3A_1736 = arith.addf %add3A_1731, %add3A_1735 : vector<128x300xf32>
    %reduce_sum3A_1737 = arith.constant dense<0.000000e+00> : vector<128xf32>
    %reduce_sum3A_1738 = vector.multi_reduction <add>, %add3A_1736, %reduce_sum3A_1737 [1] : vector<128x300xf32> to vector<128xf32>
    %broadcast_in_dim3A_1739 = vector.shape_cast %reduce_sum3A_1738 : vector<128xf32> to vector<128x1xf32>
    %mul3A_1740 = arith.mulf %add3A_1736, %add3A_1736 : vector<128x300xf32>
    %reduce_sum3A_1741 = arith.constant dense<0.000000e+00> : vector<128xf32>
    %reduce_sum3A_1742 = vector.multi_reduction <add>, %mul3A_1740, %reduce_sum3A_1741 [1] : vector<128x300xf32> to vector<128xf32>
    %broadcast_in_dim3A_1743 = vector.shape_cast %reduce_sum3A_1742 : vector<128xf32> to vector<128x1xf32>
    %mul3A_1744 = arith.constant 0.00333333341 : f32
    %mul3A_1745 = vector.broadcast %mul3A_1744 : f32 to vector<128x1xf32>
    %mul3A_1746 = arith.mulf %broadcast_in_dim3A_1739, %mul3A_1745 : vector<128x1xf32>
    %mul3A_1747 = arith.constant 0.00333333341 : f32
    %mul3A_1748 = vector.broadcast %mul3A_1747 : f32 to vector<128x1xf32>
    %mul3A_1749 = arith.mulf %broadcast_in_dim3A_1743, %mul3A_1748 : vector<128x1xf32>
    %mul3A_1750 = arith.mulf %mul3A_1746, %mul3A_1746 : vector<128x1xf32>
    %sub3A_1751 = arith.subf %mul3A_1749, %mul3A_1750 : vector<128x1xf32>
    %sub3A_1752 = vector.broadcast %mul3A_1746 : vector<128x1xf32> to vector<128x300xf32>
    %sub3A_1753 = arith.subf %add3A_1736, %sub3A_1752 : vector<128x300xf32>
    %add3A_1754 = arith.constant 9.99999974E-6 : f32
    %add3A_1755 = vector.broadcast %add3A_1754 : f32 to vector<128x1xf32>
    %add3A_1756 = arith.addf %sub3A_1751, %add3A_1755 : vector<128x1xf32>
    %rsqrt3A_1757 = math.rsqrt %add3A_1756 : vector<128x1xf32>
    %mul3A_1758 = vector.broadcast %rsqrt3A_1757 : vector<128x1xf32> to vector<128x300xf32>
    %mul3A_1759 = arith.mulf %sub3A_1753, %mul3A_1758 : vector<128x300xf32>
    %convert_element_type3A_1760 = arith.truncf %mul3A_1759 : vector<128x300xf32> to vector<128x300xbf16>
    %mul3A_1761 = vector.broadcast %convert_element_type3A : vector<1x300xbf16> to vector<128x300xbf16>
    %mul3A_1762 = arith.mulf %convert_element_type3A_1760, %mul3A_1761 : vector<128x300xbf16>
    %add3A_1763 = vector.broadcast %convert_element_type3A_28 : vector<1x300xbf16> to vector<128x300xbf16>
    %add3A_1764 = arith.addf %mul3A_1762, %add3A_1763 : vector<128x300xbf16>
    %gt3A_1765 = arith.constant 0.000000e+00 : bf16
    %gt3A_1766 = vector.broadcast %gt3A_1765 : bf16 to vector<128x300xbf16>
    %gt3A_1767 = arith.cmpf ogt, %add3A_1764, %gt3A_1766 : vector<128x300xbf16>
    %exp3A_1768 = math.exp %add3A_1764 : vector<128x300xbf16>
    %sub3A_1769 = arith.constant 1.000000e+00 : bf16
    %sub3A_1770 = vector.broadcast %sub3A_1769 : bf16 to vector<128x300xbf16>
    %sub3A_1771 = arith.subf %exp3A_1768, %sub3A_1770 : vector<128x300xbf16>
    %select_n3A_1772 = arith.select %gt3A_1767, %add3A_1764, %sub3A_1771 : vector<128x300xi1>, vector<128x300xbf16>
    %dot_general3A_1773 = arith.constant dense<0.000000e+00> : vector<1x128xf32>
    %dot_general3A_1774 = tpu.matmul %convert_element_type3A_29, %select_n3A_1772, %dot_general3A_1773 {dimension_numbers = #tpu.dot_dimension_numbers<[1], [1], [0], [0], [0, 0, 1, 0], [], []>, transpose_lhs_hint = false} : vector<1x300xbf16>, vector<128x300xbf16>, vector<1x128xf32> -> vector<1x128xf32>
    %squeeze3A_1775 = vector.shape_cast %dot_general3A_1774 : vector<1x128xf32> to vector<128xf32>
    %add3A_1776 = vector.broadcast %get3A_27 : f32 to vector<128xf32>
    %add3A_1777 = arith.addf %squeeze3A_1775, %add3A_1776 : vector<128xf32>
    %swap3A_1778 = arith.constant 1 : index
    %swap3A_1779 = arith.constant 5 : index
    %swap3A_1780 = arith.constant 0 : index
    %swap3A_1781 = vector.load %arg11[%swap3A_1778, %swap3A_1779, %swap3A_1780] : memref<2x32x128xf32, #tpu.memory_space<vmem>>, vector<1x1x128xf32>
    %swap3A_1782 = vector.shape_cast %swap3A_1781 : vector<1x1x128xf32> to vector<128xf32>
    %swap3A_1783 = vector.shape_cast %add3A_1777 : vector<128xf32> to vector<1x1x128xf32>
    tpu.vector_store %arg11[%swap3A_1778, %swap3A_1779, %swap3A_1780], %swap3A_1783 {strides = array<i32>} : memref<2x32x128xf32, #tpu.memory_space<vmem>>, vector<1x1x128xf32>,
    %slice3A_1784 = vector.extract_strided_slice %dot_general3A_1447 {offsets = [122, 0], sizes = [6, 300], strides = [1, 1]} : vector<128x300xf32> to vector<6x300xf32>
    %slice3A_1785 = vector.extract_strided_slice %dot_general3A_1447 {offsets = [0, 0], sizes = [122, 300], strides = [1, 1]} : vector<128x300xf32> to vector<122x300xf32>
    %concatenate3A_1786 = tpu.concatenate %slice3A_1784, %slice3A_1785 in 0 : vector<6x300xf32>, vector<122x300xf32> -> vector<128x300xf32>
    %add3A_1787 = arith.addf %dot_general3A_1444, %concatenate3A_1786 : vector<128x300xf32>
    %slice3A_1788 = vector.extract_strided_slice %add3A_14 {offsets = [6, 0], sizes = [1, 300], strides = [1, 1]} : vector<25x300xf32> to vector<1x300xf32>
    %squeeze3A_1789 = vector.shape_cast %slice3A_1788 : vector<1x300xf32> to vector<300xf32>
    %broadcast_in_dim3A_1790 = vector.shape_cast %squeeze3A_1789 : vector<300xf32> to vector<1x300xf32>
    %add3A_1791 = vector.broadcast %broadcast_in_dim3A_1790 : vector<1x300xf32> to vector<128x300xf32>
    %add3A_1792 = arith.addf %add3A_1787, %add3A_1791 : vector<128x300xf32>
    %reduce_sum3A_1793 = arith.constant dense<0.000000e+00> : vector<128xf32>
    %reduce_sum3A_1794 = vector.multi_reduction <add>, %add3A_1792, %reduce_sum3A_1793 [1] : vector<128x300xf32> to vector<128xf32>
    %broadcast_in_dim3A_1795 = vector.shape_cast %reduce_sum3A_1794 : vector<128xf32> to vector<128x1xf32>
    %mul3A_1796 = arith.mulf %add3A_1792, %add3A_1792 : vector<128x300xf32>
    %reduce_sum3A_1797 = arith.constant dense<0.000000e+00> : vector<128xf32>
    %reduce_sum3A_1798 = vector.multi_reduction <add>, %mul3A_1796, %reduce_sum3A_1797 [1] : vector<128x300xf32> to vector<128xf32>
    %broadcast_in_dim3A_1799 = vector.shape_cast %reduce_sum3A_1798 : vector<128xf32> to vector<128x1xf32>
    %mul3A_1800 = arith.constant 0.00333333341 : f32
    %mul3A_1801 = vector.broadcast %mul3A_1800 : f32 to vector<128x1xf32>
    %mul3A_1802 = arith.mulf %broadcast_in_dim3A_1795, %mul3A_1801 : vector<128x1xf32>
    %mul3A_1803 = arith.constant 0.00333333341 : f32
    %mul3A_1804 = vector.broadcast %mul3A_1803 : f32 to vector<128x1xf32>
    %mul3A_1805 = arith.mulf %broadcast_in_dim3A_1799, %mul3A_1804 : vector<128x1xf32>
    %mul3A_1806 = arith.mulf %mul3A_1802, %mul3A_1802 : vector<128x1xf32>
    %sub3A_1807 = arith.subf %mul3A_1805, %mul3A_1806 : vector<128x1xf32>
    %sub3A_1808 = vector.broadcast %mul3A_1802 : vector<128x1xf32> to vector<128x300xf32>
    %sub3A_1809 = arith.subf %add3A_1792, %sub3A_1808 : vector<128x300xf32>
    %add3A_1810 = arith.constant 9.99999974E-6 : f32
    %add3A_1811 = vector.broadcast %add3A_1810 : f32 to vector<128x1xf32>
    %add3A_1812 = arith.addf %sub3A_1807, %add3A_1811 : vector<128x1xf32>
    %rsqrt3A_1813 = math.rsqrt %add3A_1812 : vector<128x1xf32>
    %mul3A_1814 = vector.broadcast %rsqrt3A_1813 : vector<128x1xf32> to vector<128x300xf32>
    %mul3A_1815 = arith.mulf %sub3A_1809, %mul3A_1814 : vector<128x300xf32>
    %convert_element_type3A_1816 = arith.truncf %mul3A_1815 : vector<128x300xf32> to vector<128x300xbf16>
    %mul3A_1817 = vector.broadcast %convert_element_type3A : vector<1x300xbf16> to vector<128x300xbf16>
    %mul3A_1818 = arith.mulf %convert_element_type3A_1816, %mul3A_1817 : vector<128x300xbf16>
    %add3A_1819 = vector.broadcast %convert_element_type3A_28 : vector<1x300xbf16> to vector<128x300xbf16>
    %add3A_1820 = arith.addf %mul3A_1818, %add3A_1819 : vector<128x300xbf16>
    %gt3A_1821 = arith.constant 0.000000e+00 : bf16
    %gt3A_1822 = vector.broadcast %gt3A_1821 : bf16 to vector<128x300xbf16>
    %gt3A_1823 = arith.cmpf ogt, %add3A_1820, %gt3A_1822 : vector<128x300xbf16>
    %exp3A_1824 = math.exp %add3A_1820 : vector<128x300xbf16>
    %sub3A_1825 = arith.constant 1.000000e+00 : bf16
    %sub3A_1826 = vector.broadcast %sub3A_1825 : bf16 to vector<128x300xbf16>
    %sub3A_1827 = arith.subf %exp3A_1824, %sub3A_1826 : vector<128x300xbf16>
    %select_n3A_1828 = arith.select %gt3A_1823, %add3A_1820, %sub3A_1827 : vector<128x300xi1>, vector<128x300xbf16>
    %dot_general3A_1829 = arith.constant dense<0.000000e+00> : vector<1x128xf32>
    %dot_general3A_1830 = tpu.matmul %convert_element_type3A_29, %select_n3A_1828, %dot_general3A_1829 {dimension_numbers = #tpu.dot_dimension_numbers<[1], [1], [0], [0], [0, 0, 1, 0], [], []>, transpose_lhs_hint = false} : vector<1x300xbf16>, vector<128x300xbf16>, vector<1x128xf32> -> vector<1x128xf32>
    %squeeze3A_1831 = vector.shape_cast %dot_general3A_1830 : vector<1x128xf32> to vector<128xf32>
    %add3A_1832 = vector.broadcast %get3A_27 : f32 to vector<128xf32>
    %add3A_1833 = arith.addf %squeeze3A_1831, %add3A_1832 : vector<128xf32>
    %swap3A_1834 = arith.constant 1 : index
    %swap3A_1835 = arith.constant 6 : index
    %swap3A_1836 = arith.constant 0 : index
    %swap3A_1837 = vector.load %arg11[%swap3A_1834, %swap3A_1835, %swap3A_1836] : memref<2x32x128xf32, #tpu.memory_space<vmem>>, vector<1x1x128xf32>
    %swap3A_1838 = vector.shape_cast %swap3A_1837 : vector<1x1x128xf32> to vector<128xf32>
    %swap3A_1839 = vector.shape_cast %add3A_1833 : vector<128xf32> to vector<1x1x128xf32>
    tpu.vector_store %arg11[%swap3A_1834, %swap3A_1835, %swap3A_1836], %swap3A_1839 {strides = array<i32>} : memref<2x32x128xf32, #tpu.memory_space<vmem>>, vector<1x1x128xf32>,
    %slice3A_1840 = vector.extract_strided_slice %dot_general3A_1447 {offsets = [123, 0], sizes = [5, 300], strides = [1, 1]} : vector<128x300xf32> to vector<5x300xf32>
    %slice3A_1841 = vector.extract_strided_slice %dot_general3A_1447 {offsets = [0, 0], sizes = [123, 300], strides = [1, 1]} : vector<128x300xf32> to vector<123x300xf32>
    %concatenate3A_1842 = tpu.concatenate %slice3A_1840, %slice3A_1841 in 0 : vector<5x300xf32>, vector<123x300xf32> -> vector<128x300xf32>
    %add3A_1843 = arith.addf %dot_general3A_1444, %concatenate3A_1842 : vector<128x300xf32>
    %slice3A_1844 = vector.extract_strided_slice %add3A_14 {offsets = [7, 0], sizes = [1, 300], strides = [1, 1]} : vector<25x300xf32> to vector<1x300xf32>
    %squeeze3A_1845 = vector.shape_cast %slice3A_1844 : vector<1x300xf32> to vector<300xf32>
    %broadcast_in_dim3A_1846 = vector.shape_cast %squeeze3A_1845 : vector<300xf32> to vector<1x300xf32>
    %add3A_1847 = vector.broadcast %broadcast_in_dim3A_1846 : vector<1x300xf32> to vector<128x300xf32>
    %add3A_1848 = arith.addf %add3A_1843, %add3A_1847 : vector<128x300xf32>
    %reduce_sum3A_1849 = arith.constant dense<0.000000e+00> : vector<128xf32>
    %reduce_sum3A_1850 = vector.multi_reduction <add>, %add3A_1848, %reduce_sum3A_1849 [1] : vector<128x300xf32> to vector<128xf32>
    %broadcast_in_dim3A_1851 = vector.shape_cast %reduce_sum3A_1850 : vector<128xf32> to vector<128x1xf32>
    %mul3A_1852 = arith.mulf %add3A_1848, %add3A_1848 : vector<128x300xf32>
    %reduce_sum3A_1853 = arith.constant dense<0.000000e+00> : vector<128xf32>
    %reduce_sum3A_1854 = vector.multi_reduction <add>, %mul3A_1852, %reduce_sum3A_1853 [1] : vector<128x300xf32> to vector<128xf32>
    %broadcast_in_dim3A_1855 = vector.shape_cast %reduce_sum3A_1854 : vector<128xf32> to vector<128x1xf32>
    %mul3A_1856 = arith.constant 0.00333333341 : f32
    %mul3A_1857 = vector.broadcast %mul3A_1856 : f32 to vector<128x1xf32>
    %mul3A_1858 = arith.mulf %broadcast_in_dim3A_1851, %mul3A_1857 : vector<128x1xf32>
    %mul3A_1859 = arith.constant 0.00333333341 : f32
    %mul3A_1860 = vector.broadcast %mul3A_1859 : f32 to vector<128x1xf32>
    %mul3A_1861 = arith.mulf %broadcast_in_dim3A_1855, %mul3A_1860 : vector<128x1xf32>
    %mul3A_1862 = arith.mulf %mul3A_1858, %mul3A_1858 : vector<128x1xf32>
    %sub3A_1863 = arith.subf %mul3A_1861, %mul3A_1862 : vector<128x1xf32>
    %sub3A_1864 = vector.broadcast %mul3A_1858 : vector<128x1xf32> to vector<128x300xf32>
    %sub3A_1865 = arith.subf %add3A_1848, %sub3A_1864 : vector<128x300xf32>
    %add3A_1866 = arith.constant 9.99999974E-6 : f32
    %add3A_1867 = vector.broadcast %add3A_1866 : f32 to vector<128x1xf32>
    %add3A_1868 = arith.addf %sub3A_1863, %add3A_1867 : vector<128x1xf32>
    %rsqrt3A_1869 = math.rsqrt %add3A_1868 : vector<128x1xf32>
    %mul3A_1870 = vector.broadcast %rsqrt3A_1869 : vector<128x1xf32> to vector<128x300xf32>
    %mul3A_1871 = arith.mulf %sub3A_1865, %mul3A_1870 : vector<128x300xf32>
    %convert_element_type3A_1872 = arith.truncf %mul3A_1871 : vector<128x300xf32> to vector<128x300xbf16>
    %mul3A_1873 = vector.broadcast %convert_element_type3A : vector<1x300xbf16> to vector<128x300xbf16>
    %mul3A_1874 = arith.mulf %convert_element_type3A_1872, %mul3A_1873 : vector<128x300xbf16>
    %add3A_1875 = vector.broadcast %convert_element_type3A_28 : vector<1x300xbf16> to vector<128x300xbf16>
    %add3A_1876 = arith.addf %mul3A_1874, %add3A_1875 : vector<128x300xbf16>
    %gt3A_1877 = arith.constant 0.000000e+00 : bf16
    %gt3A_1878 = vector.broadcast %gt3A_1877 : bf16 to vector<128x300xbf16>
    %gt3A_1879 = arith.cmpf ogt, %add3A_1876, %gt3A_1878 : vector<128x300xbf16>
    %exp3A_1880 = math.exp %add3A_1876 : vector<128x300xbf16>
    %sub3A_1881 = arith.constant 1.000000e+00 : bf16
    %sub3A_1882 = vector.broadcast %sub3A_1881 : bf16 to vector<128x300xbf16>
    %sub3A_1883 = arith.subf %exp3A_1880, %sub3A_1882 : vector<128x300xbf16>
    %select_n3A_1884 = arith.select %gt3A_1879, %add3A_1876, %sub3A_1883 : vector<128x300xi1>, vector<128x300xbf16>
    %dot_general3A_1885 = arith.constant dense<0.000000e+00> : vector<1x128xf32>
    %dot_general3A_1886 = tpu.matmul %convert_element_type3A_29, %select_n3A_1884, %dot_general3A_1885 {dimension_numbers = #tpu.dot_dimension_numbers<[1], [1], [0], [0], [0, 0, 1, 0], [], []>, transpose_lhs_hint = false} : vector<1x300xbf16>, vector<128x300xbf16>, vector<1x128xf32> -> vector<1x128xf32>
    %squeeze3A_1887 = vector.shape_cast %dot_general3A_1886 : vector<1x128xf32> to vector<128xf32>
    %add3A_1888 = vector.broadcast %get3A_27 : f32 to vector<128xf32>
    %add3A_1889 = arith.addf %squeeze3A_1887, %add3A_1888 : vector<128xf32>
    %swap3A_1890 = arith.constant 1 : index
    %swap3A_1891 = arith.constant 7 : index
    %swap3A_1892 = arith.constant 0 : index
    %swap3A_1893 = vector.load %arg11[%swap3A_1890, %swap3A_1891, %swap3A_1892] : memref<2x32x128xf32, #tpu.memory_space<vmem>>, vector<1x1x128xf32>
    %swap3A_1894 = vector.shape_cast %swap3A_1893 : vector<1x1x128xf32> to vector<128xf32>
    %swap3A_1895 = vector.shape_cast %add3A_1889 : vector<128xf32> to vector<1x1x128xf32>
    tpu.vector_store %arg11[%swap3A_1890, %swap3A_1891, %swap3A_1892], %swap3A_1895 {strides = array<i32>} : memref<2x32x128xf32, #tpu.memory_space<vmem>>, vector<1x1x128xf32>,
    %slice3A_1896 = vector.extract_strided_slice %dot_general3A_1447 {offsets = [124, 0], sizes = [4, 300], strides = [1, 1]} : vector<128x300xf32> to vector<4x300xf32>
    %slice3A_1897 = vector.extract_strided_slice %dot_general3A_1447 {offsets = [0, 0], sizes = [124, 300], strides = [1, 1]} : vector<128x300xf32> to vector<124x300xf32>
    %concatenate3A_1898 = tpu.concatenate %slice3A_1896, %slice3A_1897 in 0 : vector<4x300xf32>, vector<124x300xf32> -> vector<128x300xf32>
    %add3A_1899 = arith.addf %dot_general3A_1444, %concatenate3A_1898 : vector<128x300xf32>
    %slice3A_1900 = vector.extract_strided_slice %add3A_14 {offsets = [8, 0], sizes = [1, 300], strides = [1, 1]} : vector<25x300xf32> to vector<1x300xf32>
    %squeeze3A_1901 = vector.shape_cast %slice3A_1900 : vector<1x300xf32> to vector<300xf32>
    %broadcast_in_dim3A_1902 = vector.shape_cast %squeeze3A_1901 : vector<300xf32> to vector<1x300xf32>
    %add3A_1903 = vector.broadcast %broadcast_in_dim3A_1902 : vector<1x300xf32> to vector<128x300xf32>
    %add3A_1904 = arith.addf %add3A_1899, %add3A_1903 : vector<128x300xf32>
    %reduce_sum3A_1905 = arith.constant dense<0.000000e+00> : vector<128xf32>
    %reduce_sum3A_1906 = vector.multi_reduction <add>, %add3A_1904, %reduce_sum3A_1905 [1] : vector<128x300xf32> to vector<128xf32>
    %broadcast_in_dim3A_1907 = vector.shape_cast %reduce_sum3A_1906 : vector<128xf32> to vector<128x1xf32>
    %mul3A_1908 = arith.mulf %add3A_1904, %add3A_1904 : vector<128x300xf32>
    %reduce_sum3A_1909 = arith.constant dense<0.000000e+00> : vector<128xf32>
    %reduce_sum3A_1910 = vector.multi_reduction <add>, %mul3A_1908, %reduce_sum3A_1909 [1] : vector<128x300xf32> to vector<128xf32>
    %broadcast_in_dim3A_1911 = vector.shape_cast %reduce_sum3A_1910 : vector<128xf32> to vector<128x1xf32>
    %mul3A_1912 = arith.constant 0.00333333341 : f32
    %mul3A_1913 = vector.broadcast %mul3A_1912 : f32 to vector<128x1xf32>
    %mul3A_1914 = arith.mulf %broadcast_in_dim3A_1907, %mul3A_1913 : vector<128x1xf32>
    %mul3A_1915 = arith.constant 0.00333333341 : f32
    %mul3A_1916 = vector.broadcast %mul3A_1915 : f32 to vector<128x1xf32>
    %mul3A_1917 = arith.mulf %broadcast_in_dim3A_1911, %mul3A_1916 : vector<128x1xf32>
    %mul3A_1918 = arith.mulf %mul3A_1914, %mul3A_1914 : vector<128x1xf32>
    %sub3A_1919 = arith.subf %mul3A_1917, %mul3A_1918 : vector<128x1xf32>
    %sub3A_1920 = vector.broadcast %mul3A_1914 : vector<128x1xf32> to vector<128x300xf32>
    %sub3A_1921 = arith.subf %add3A_1904, %sub3A_1920 : vector<128x300xf32>
    %add3A_1922 = arith.constant 9.99999974E-6 : f32
    %add3A_1923 = vector.broadcast %add3A_1922 : f32 to vector<128x1xf32>
    %add3A_1924 = arith.addf %sub3A_1919, %add3A_1923 : vector<128x1xf32>
    %rsqrt3A_1925 = math.rsqrt %add3A_1924 : vector<128x1xf32>
    %mul3A_1926 = vector.broadcast %rsqrt3A_1925 : vector<128x1xf32> to vector<128x300xf32>
    %mul3A_1927 = arith.mulf %sub3A_1921, %mul3A_1926 : vector<128x300xf32>
    %convert_element_type3A_1928 = arith.truncf %mul3A_1927 : vector<128x300xf32> to vector<128x300xbf16>
    %mul3A_1929 = vector.broadcast %convert_element_type3A : vector<1x300xbf16> to vector<128x300xbf16>
    %mul3A_1930 = arith.mulf %convert_element_type3A_1928, %mul3A_1929 : vector<128x300xbf16>
    %add3A_1931 = vector.broadcast %convert_element_type3A_28 : vector<1x300xbf16> to vector<128x300xbf16>
    %add3A_1932 = arith.addf %mul3A_1930, %add3A_1931 : vector<128x300xbf16>
    %gt3A_1933 = arith.constant 0.000000e+00 : bf16
    %gt3A_1934 = vector.broadcast %gt3A_1933 : bf16 to vector<128x300xbf16>
    %gt3A_1935 = arith.cmpf ogt, %add3A_1932, %gt3A_1934 : vector<128x300xbf16>
    %exp3A_1936 = math.exp %add3A_1932 : vector<128x300xbf16>
    %sub3A_1937 = arith.constant 1.000000e+00 : bf16
    %sub3A_1938 = vector.broadcast %sub3A_1937 : bf16 to vector<128x300xbf16>
    %sub3A_1939 = arith.subf %exp3A_1936, %sub3A_1938 : vector<128x300xbf16>
    %select_n3A_1940 = arith.select %gt3A_1935, %add3A_1932, %sub3A_1939 : vector<128x300xi1>, vector<128x300xbf16>
    %dot_general3A_1941 = arith.constant dense<0.000000e+00> : vector<1x128xf32>
    %dot_general3A_1942 = tpu.matmul %convert_element_type3A_29, %select_n3A_1940, %dot_general3A_1941 {dimension_numbers = #tpu.dot_dimension_numbers<[1], [1], [0], [0], [0, 0, 1, 0], [], []>, transpose_lhs_hint = false} : vector<1x300xbf16>, vector<128x300xbf16>, vector<1x128xf32> -> vector<1x128xf32>
    %squeeze3A_1943 = vector.shape_cast %dot_general3A_1942 : vector<1x128xf32> to vector<128xf32>
    %add3A_1944 = vector.broadcast %get3A_27 : f32 to vector<128xf32>
    %add3A_1945 = arith.addf %squeeze3A_1943, %add3A_1944 : vector<128xf32>
    %swap3A_1946 = arith.constant 1 : index
    %swap3A_1947 = arith.constant 8 : index
    %swap3A_1948 = arith.constant 0 : index
    %swap3A_1949 = vector.load %arg11[%swap3A_1946, %swap3A_1947, %swap3A_1948] : memref<2x32x128xf32, #tpu.memory_space<vmem>>, vector<1x1x128xf32>
    %swap3A_1950 = vector.shape_cast %swap3A_1949 : vector<1x1x128xf32> to vector<128xf32>
    %swap3A_1951 = vector.shape_cast %add3A_1945 : vector<128xf32> to vector<1x1x128xf32>
    tpu.vector_store %arg11[%swap3A_1946, %swap3A_1947, %swap3A_1948], %swap3A_1951 {strides = array<i32>} : memref<2x32x128xf32, #tpu.memory_space<vmem>>, vector<1x1x128xf32>,
    %slice3A_1952 = vector.extract_strided_slice %dot_general3A_1447 {offsets = [125, 0], sizes = [3, 300], strides = [1, 1]} : vector<128x300xf32> to vector<3x300xf32>
    %slice3A_1953 = vector.extract_strided_slice %dot_general3A_1447 {offsets = [0, 0], sizes = [125, 300], strides = [1, 1]} : vector<128x300xf32> to vector<125x300xf32>
    %concatenate3A_1954 = tpu.concatenate %slice3A_1952, %slice3A_1953 in 0 : vector<3x300xf32>, vector<125x300xf32> -> vector<128x300xf32>
    %add3A_1955 = arith.addf %dot_general3A_1444, %concatenate3A_1954 : vector<128x300xf32>
    %slice3A_1956 = vector.extract_strided_slice %add3A_14 {offsets = [9, 0], sizes = [1, 300], strides = [1, 1]} : vector<25x300xf32> to vector<1x300xf32>
    %squeeze3A_1957 = vector.shape_cast %slice3A_1956 : vector<1x300xf32> to vector<300xf32>
    %broadcast_in_dim3A_1958 = vector.shape_cast %squeeze3A_1957 : vector<300xf32> to vector<1x300xf32>
    %add3A_1959 = vector.broadcast %broadcast_in_dim3A_1958 : vector<1x300xf32> to vector<128x300xf32>
    %add3A_1960 = arith.addf %add3A_1955, %add3A_1959 : vector<128x300xf32>
    %reduce_sum3A_1961 = arith.constant dense<0.000000e+00> : vector<128xf32>
    %reduce_sum3A_1962 = vector.multi_reduction <add>, %add3A_1960, %reduce_sum3A_1961 [1] : vector<128x300xf32> to vector<128xf32>
    %broadcast_in_dim3A_1963 = vector.shape_cast %reduce_sum3A_1962 : vector<128xf32> to vector<128x1xf32>
    %mul3A_1964 = arith.mulf %add3A_1960, %add3A_1960 : vector<128x300xf32>
    %reduce_sum3A_1965 = arith.constant dense<0.000000e+00> : vector<128xf32>
    %reduce_sum3A_1966 = vector.multi_reduction <add>, %mul3A_1964, %reduce_sum3A_1965 [1] : vector<128x300xf32> to vector<128xf32>
    %broadcast_in_dim3A_1967 = vector.shape_cast %reduce_sum3A_1966 : vector<128xf32> to vector<128x1xf32>
    %mul3A_1968 = arith.constant 0.00333333341 : f32
    %mul3A_1969 = vector.broadcast %mul3A_1968 : f32 to vector<128x1xf32>
    %mul3A_1970 = arith.mulf %broadcast_in_dim3A_1963, %mul3A_1969 : vector<128x1xf32>
    %mul3A_1971 = arith.constant 0.00333333341 : f32
    %mul3A_1972 = vector.broadcast %mul3A_1971 : f32 to vector<128x1xf32>
    %mul3A_1973 = arith.mulf %broadcast_in_dim3A_1967, %mul3A_1972 : vector<128x1xf32>
    %mul3A_1974 = arith.mulf %mul3A_1970, %mul3A_1970 : vector<128x1xf32>
    %sub3A_1975 = arith.subf %mul3A_1973, %mul3A_1974 : vector<128x1xf32>
    %sub3A_1976 = vector.broadcast %mul3A_1970 : vector<128x1xf32> to vector<128x300xf32>
    %sub3A_1977 = arith.subf %add3A_1960, %sub3A_1976 : vector<128x300xf32>
    %add3A_1978 = arith.constant 9.99999974E-6 : f32
    %add3A_1979 = vector.broadcast %add3A_1978 : f32 to vector<128x1xf32>
    %add3A_1980 = arith.addf %sub3A_1975, %add3A_1979 : vector<128x1xf32>
    %rsqrt3A_1981 = math.rsqrt %add3A_1980 : vector<128x1xf32>
    %mul3A_1982 = vector.broadcast %rsqrt3A_1981 : vector<128x1xf32> to vector<128x300xf32>
    %mul3A_1983 = arith.mulf %sub3A_1977, %mul3A_1982 : vector<128x300xf32>
    %convert_element_type3A_1984 = arith.truncf %mul3A_1983 : vector<128x300xf32> to vector<128x300xbf16>
    %mul3A_1985 = vector.broadcast %convert_element_type3A : vector<1x300xbf16> to vector<128x300xbf16>
    %mul3A_1986 = arith.mulf %convert_element_type3A_1984, %mul3A_1985 : vector<128x300xbf16>
    %add3A_1987 = vector.broadcast %convert_element_type3A_28 : vector<1x300xbf16> to vector<128x300xbf16>
    %add3A_1988 = arith.addf %mul3A_1986, %add3A_1987 : vector<128x300xbf16>
    %gt3A_1989 = arith.constant 0.000000e+00 : bf16
    %gt3A_1990 = vector.broadcast %gt3A_1989 : bf16 to vector<128x300xbf16>
    %gt3A_1991 = arith.cmpf ogt, %add3A_1988, %gt3A_1990 : vector<128x300xbf16>
    %exp3A_1992 = math.exp %add3A_1988 : vector<128x300xbf16>
    %sub3A_1993 = arith.constant 1.000000e+00 : bf16
    %sub3A_1994 = vector.broadcast %sub3A_1993 : bf16 to vector<128x300xbf16>
    %sub3A_1995 = arith.subf %exp3A_1992, %sub3A_1994 : vector<128x300xbf16>
    %select_n3A_1996 = arith.select %gt3A_1991, %add3A_1988, %sub3A_1995 : vector<128x300xi1>, vector<128x300xbf16>
    %dot_general3A_1997 = arith.constant dense<0.000000e+00> : vector<1x128xf32>
    %dot_general3A_1998 = tpu.matmul %convert_element_type3A_29, %select_n3A_1996, %dot_general3A_1997 {dimension_numbers = #tpu.dot_dimension_numbers<[1], [1], [0], [0], [0, 0, 1, 0], [], []>, transpose_lhs_hint = false} : vector<1x300xbf16>, vector<128x300xbf16>, vector<1x128xf32> -> vector<1x128xf32>
    %squeeze3A_1999 = vector.shape_cast %dot_general3A_1998 : vector<1x128xf32> to vector<128xf32>
    %add3A_2000 = vector.broadcast %get3A_27 : f32 to vector<128xf32>
    %add3A_2001 = arith.addf %squeeze3A_1999, %add3A_2000 : vector<128xf32>
    %swap3A_2002 = arith.constant 1 : index
    %swap3A_2003 = arith.constant 9 : index
    %swap3A_2004 = arith.constant 0 : index
    %swap3A_2005 = vector.load %arg11[%swap3A_2002, %swap3A_2003, %swap3A_2004] : memref<2x32x128xf32, #tpu.memory_space<vmem>>, vector<1x1x128xf32>
    %swap3A_2006 = vector.shape_cast %swap3A_2005 : vector<1x1x128xf32> to vector<128xf32>
    %swap3A_2007 = vector.shape_cast %add3A_2001 : vector<128xf32> to vector<1x1x128xf32>
    tpu.vector_store %arg11[%swap3A_2002, %swap3A_2003, %swap3A_2004], %swap3A_2007 {strides = array<i32>} : memref<2x32x128xf32, #tpu.memory_space<vmem>>, vector<1x1x128xf32>,
    %slice3A_2008 = vector.extract_strided_slice %dot_general3A_1447 {offsets = [126, 0], sizes = [2, 300], strides = [1, 1]} : vector<128x300xf32> to vector<2x300xf32>
    %slice3A_2009 = vector.extract_strided_slice %dot_general3A_1447 {offsets = [0, 0], sizes = [126, 300], strides = [1, 1]} : vector<128x300xf32> to vector<126x300xf32>
    %concatenate3A_2010 = tpu.concatenate %slice3A_2008, %slice3A_2009 in 0 : vector<2x300xf32>, vector<126x300xf32> -> vector<128x300xf32>
    %add3A_2011 = arith.addf %dot_general3A_1444, %concatenate3A_2010 : vector<128x300xf32>
    %slice3A_2012 = vector.extract_strided_slice %add3A_14 {offsets = [10, 0], sizes = [1, 300], strides = [1, 1]} : vector<25x300xf32> to vector<1x300xf32>
    %squeeze3A_2013 = vector.shape_cast %slice3A_2012 : vector<1x300xf32> to vector<300xf32>
    %broadcast_in_dim3A_2014 = vector.shape_cast %squeeze3A_2013 : vector<300xf32> to vector<1x300xf32>
    %add3A_2015 = vector.broadcast %broadcast_in_dim3A_2014 : vector<1x300xf32> to vector<128x300xf32>
    %add3A_2016 = arith.addf %add3A_2011, %add3A_2015 : vector<128x300xf32>
    %reduce_sum3A_2017 = arith.constant dense<0.000000e+00> : vector<128xf32>
    %reduce_sum3A_2018 = vector.multi_reduction <add>, %add3A_2016, %reduce_sum3A_2017 [1] : vector<128x300xf32> to vector<128xf32>
    %broadcast_in_dim3A_2019 = vector.shape_cast %reduce_sum3A_2018 : vector<128xf32> to vector<128x1xf32>
    %mul3A_2020 = arith.mulf %add3A_2016, %add3A_2016 : vector<128x300xf32>
    %reduce_sum3A_2021 = arith.constant dense<0.000000e+00> : vector<128xf32>
    %reduce_sum3A_2022 = vector.multi_reduction <add>, %mul3A_2020, %reduce_sum3A_2021 [1] : vector<128x300xf32> to vector<128xf32>
    %broadcast_in_dim3A_2023 = vector.shape_cast %reduce_sum3A_2022 : vector<128xf32> to vector<128x1xf32>
    %mul3A_2024 = arith.constant 0.00333333341 : f32
    %mul3A_2025 = vector.broadcast %mul3A_2024 : f32 to vector<128x1xf32>
    %mul3A_2026 = arith.mulf %broadcast_in_dim3A_2019, %mul3A_2025 : vector<128x1xf32>
    %mul3A_2027 = arith.constant 0.00333333341 : f32
    %mul3A_2028 = vector.broadcast %mul3A_2027 : f32 to vector<128x1xf32>
    %mul3A_2029 = arith.mulf %broadcast_in_dim3A_2023, %mul3A_2028 : vector<128x1xf32>
    %mul3A_2030 = arith.mulf %mul3A_2026, %mul3A_2026 : vector<128x1xf32>
    %sub3A_2031 = arith.subf %mul3A_2029, %mul3A_2030 : vector<128x1xf32>
    %sub3A_2032 = vector.broadcast %mul3A_2026 : vector<128x1xf32> to vector<128x300xf32>
    %sub3A_2033 = arith.subf %add3A_2016, %sub3A_2032 : vector<128x300xf32>
    %add3A_2034 = arith.constant 9.99999974E-6 : f32
    %add3A_2035 = vector.broadcast %add3A_2034 : f32 to vector<128x1xf32>
    %add3A_2036 = arith.addf %sub3A_2031, %add3A_2035 : vector<128x1xf32>
    %rsqrt3A_2037 = math.rsqrt %add3A_2036 : vector<128x1xf32>
    %mul3A_2038 = vector.broadcast %rsqrt3A_2037 : vector<128x1xf32> to vector<128x300xf32>
    %mul3A_2039 = arith.mulf %sub3A_2033, %mul3A_2038 : vector<128x300xf32>
    %convert_element_type3A_2040 = arith.truncf %mul3A_2039 : vector<128x300xf32> to vector<128x300xbf16>
    %mul3A_2041 = vector.broadcast %convert_element_type3A : vector<1x300xbf16> to vector<128x300xbf16>
    %mul3A_2042 = arith.mulf %convert_element_type3A_2040, %mul3A_2041 : vector<128x300xbf16>
    %add3A_2043 = vector.broadcast %convert_element_type3A_28 : vector<1x300xbf16> to vector<128x300xbf16>
    %add3A_2044 = arith.addf %mul3A_2042, %add3A_2043 : vector<128x300xbf16>
    %gt3A_2045 = arith.constant 0.000000e+00 : bf16
    %gt3A_2046 = vector.broadcast %gt3A_2045 : bf16 to vector<128x300xbf16>
    %gt3A_2047 = arith.cmpf ogt, %add3A_2044, %gt3A_2046 : vector<128x300xbf16>
    %exp3A_2048 = math.exp %add3A_2044 : vector<128x300xbf16>
    %sub3A_2049 = arith.constant 1.000000e+00 : bf16
    %sub3A_2050 = vector.broadcast %sub3A_2049 : bf16 to vector<128x300xbf16>
    %sub3A_2051 = arith.subf %exp3A_2048, %sub3A_2050 : vector<128x300xbf16>
    %select_n3A_2052 = arith.select %gt3A_2047, %add3A_2044, %sub3A_2051 : vector<128x300xi1>, vector<128x300xbf16>
    %dot_general3A_2053 = arith.constant dense<0.000000e+00> : vector<1x128xf32>
    %dot_general3A_2054 = tpu.matmul %convert_element_type3A_29, %select_n3A_2052, %dot_general3A_2053 {dimension_numbers = #tpu.dot_dimension_numbers<[1], [1], [0], [0], [0, 0, 1, 0], [], []>, transpose_lhs_hint = false} : vector<1x300xbf16>, vector<128x300xbf16>, vector<1x128xf32> -> vector<1x128xf32>
    %squeeze3A_2055 = vector.shape_cast %dot_general3A_2054 : vector<1x128xf32> to vector<128xf32>
    %add3A_2056 = vector.broadcast %get3A_27 : f32 to vector<128xf32>
    %add3A_2057 = arith.addf %squeeze3A_2055, %add3A_2056 : vector<128xf32>
    %swap3A_2058 = arith.constant 1 : index
    %swap3A_2059 = arith.constant 10 : index
    %swap3A_2060 = arith.constant 0 : index
    %swap3A_2061 = vector.load %arg11[%swap3A_2058, %swap3A_2059, %swap3A_2060] : memref<2x32x128xf32, #tpu.memory_space<vmem>>, vector<1x1x128xf32>
    %swap3A_2062 = vector.shape_cast %swap3A_2061 : vector<1x1x128xf32> to vector<128xf32>
    %swap3A_2063 = vector.shape_cast %add3A_2057 : vector<128xf32> to vector<1x1x128xf32>
    tpu.vector_store %arg11[%swap3A_2058, %swap3A_2059, %swap3A_2060], %swap3A_2063 {strides = array<i32>} : memref<2x32x128xf32, #tpu.memory_space<vmem>>, vector<1x1x128xf32>,
    %slice3A_2064 = vector.extract_strided_slice %dot_general3A_1447 {offsets = [127, 0], sizes = [1, 300], strides = [1, 1]} : vector<128x300xf32> to vector<1x300xf32>
    %slice3A_2065 = vector.extract_strided_slice %dot_general3A_1447 {offsets = [0, 0], sizes = [127, 300], strides = [1, 1]} : vector<128x300xf32> to vector<127x300xf32>
    %concatenate3A_2066 = tpu.concatenate %slice3A_2064, %slice3A_2065 in 0 : vector<1x300xf32>, vector<127x300xf32> -> vector<128x300xf32>
    %add3A_2067 = arith.addf %dot_general3A_1444, %concatenate3A_2066 : vector<128x300xf32>
    %slice3A_2068 = vector.extract_strided_slice %add3A_14 {offsets = [11, 0], sizes = [1, 300], strides = [1, 1]} : vector<25x300xf32> to vector<1x300xf32>
    %squeeze3A_2069 = vector.shape_cast %slice3A_2068 : vector<1x300xf32> to vector<300xf32>
    %broadcast_in_dim3A_2070 = vector.shape_cast %squeeze3A_2069 : vector<300xf32> to vector<1x300xf32>
    %add3A_2071 = vector.broadcast %broadcast_in_dim3A_2070 : vector<1x300xf32> to vector<128x300xf32>
    %add3A_2072 = arith.addf %add3A_2067, %add3A_2071 : vector<128x300xf32>
    %reduce_sum3A_2073 = arith.constant dense<0.000000e+00> : vector<128xf32>
    %reduce_sum3A_2074 = vector.multi_reduction <add>, %add3A_2072, %reduce_sum3A_2073 [1] : vector<128x300xf32> to vector<128xf32>
    %broadcast_in_dim3A_2075 = vector.shape_cast %reduce_sum3A_2074 : vector<128xf32> to vector<128x1xf32>
    %mul3A_2076 = arith.mulf %add3A_2072, %add3A_2072 : vector<128x300xf32>
    %reduce_sum3A_2077 = arith.constant dense<0.000000e+00> : vector<128xf32>
    %reduce_sum3A_2078 = vector.multi_reduction <add>, %mul3A_2076, %reduce_sum3A_2077 [1] : vector<128x300xf32> to vector<128xf32>
    %broadcast_in_dim3A_2079 = vector.shape_cast %reduce_sum3A_2078 : vector<128xf32> to vector<128x1xf32>
    %mul3A_2080 = arith.constant 0.00333333341 : f32
    %mul3A_2081 = vector.broadcast %mul3A_2080 : f32 to vector<128x1xf32>
    %mul3A_2082 = arith.mulf %broadcast_in_dim3A_2075, %mul3A_2081 : vector<128x1xf32>
    %mul3A_2083 = arith.constant 0.00333333341 : f32
    %mul3A_2084 = vector.broadcast %mul3A_2083 : f32 to vector<128x1xf32>
    %mul3A_2085 = arith.mulf %broadcast_in_dim3A_2079, %mul3A_2084 : vector<128x1xf32>
    %mul3A_2086 = arith.mulf %mul3A_2082, %mul3A_2082 : vector<128x1xf32>
    %sub3A_2087 = arith.subf %mul3A_2085, %mul3A_2086 : vector<128x1xf32>
    %sub3A_2088 = vector.broadcast %mul3A_2082 : vector<128x1xf32> to vector<128x300xf32>
    %sub3A_2089 = arith.subf %add3A_2072, %sub3A_2088 : vector<128x300xf32>
    %add3A_2090 = arith.constant 9.99999974E-6 : f32
    %add3A_2091 = vector.broadcast %add3A_2090 : f32 to vector<128x1xf32>
    %add3A_2092 = arith.addf %sub3A_2087, %add3A_2091 : vector<128x1xf32>
    %rsqrt3A_2093 = math.rsqrt %add3A_2092 : vector<128x1xf32>
    %mul3A_2094 = vector.broadcast %rsqrt3A_2093 : vector<128x1xf32> to vector<128x300xf32>
    %mul3A_2095 = arith.mulf %sub3A_2089, %mul3A_2094 : vector<128x300xf32>
    %convert_element_type3A_2096 = arith.truncf %mul3A_2095 : vector<128x300xf32> to vector<128x300xbf16>
    %mul3A_2097 = vector.broadcast %convert_element_type3A : vector<1x300xbf16> to vector<128x300xbf16>
    %mul3A_2098 = arith.mulf %convert_element_type3A_2096, %mul3A_2097 : vector<128x300xbf16>
    %add3A_2099 = vector.broadcast %convert_element_type3A_28 : vector<1x300xbf16> to vector<128x300xbf16>
    %add3A_2100 = arith.addf %mul3A_2098, %add3A_2099 : vector<128x300xbf16>
    %gt3A_2101 = arith.constant 0.000000e+00 : bf16
    %gt3A_2102 = vector.broadcast %gt3A_2101 : bf16 to vector<128x300xbf16>
    %gt3A_2103 = arith.cmpf ogt, %add3A_2100, %gt3A_2102 : vector<128x300xbf16>
    %exp3A_2104 = math.exp %add3A_2100 : vector<128x300xbf16>
    %sub3A_2105 = arith.constant 1.000000e+00 : bf16
    %sub3A_2106 = vector.broadcast %sub3A_2105 : bf16 to vector<128x300xbf16>
    %sub3A_2107 = arith.subf %exp3A_2104, %sub3A_2106 : vector<128x300xbf16>
    %select_n3A_2108 = arith.select %gt3A_2103, %add3A_2100, %sub3A_2107 : vector<128x300xi1>, vector<128x300xbf16>
    %dot_general3A_2109 = arith.constant dense<0.000000e+00> : vector<1x128xf32>
    %dot_general3A_2110 = tpu.matmul %convert_element_type3A_29, %select_n3A_2108, %dot_general3A_2109 {dimension_numbers = #tpu.dot_dimension_numbers<[1], [1], [0], [0], [0, 0, 1, 0], [], []>, transpose_lhs_hint = false} : vector<1x300xbf16>, vector<128x300xbf16>, vector<1x128xf32> -> vector<1x128xf32>
    %squeeze3A_2111 = vector.shape_cast %dot_general3A_2110 : vector<1x128xf32> to vector<128xf32>
    %add3A_2112 = vector.broadcast %get3A_27 : f32 to vector<128xf32>
    %add3A_2113 = arith.addf %squeeze3A_2111, %add3A_2112 : vector<128xf32>
    %swap3A_2114 = arith.constant 1 : index
    %swap3A_2115 = arith.constant 11 : index
    %swap3A_2116 = arith.constant 0 : index
    %swap3A_2117 = vector.load %arg11[%swap3A_2114, %swap3A_2115, %swap3A_2116] : memref<2x32x128xf32, #tpu.memory_space<vmem>>, vector<1x1x128xf32>
    %swap3A_2118 = vector.shape_cast %swap3A_2117 : vector<1x1x128xf32> to vector<128xf32>
    %swap3A_2119 = vector.shape_cast %add3A_2113 : vector<128xf32> to vector<1x1x128xf32>
    tpu.vector_store %arg11[%swap3A_2114, %swap3A_2115, %swap3A_2116], %swap3A_2119 {strides = array<i32>} : memref<2x32x128xf32, #tpu.memory_space<vmem>>, vector<1x1x128xf32>,
    %add3A_2120 = arith.addf %dot_general3A_1444, %dot_general3A_1447 : vector<128x300xf32>
    %slice3A_2121 = vector.extract_strided_slice %add3A_14 {offsets = [12, 0], sizes = [1, 300], strides = [1, 1]} : vector<25x300xf32> to vector<1x300xf32>
    %squeeze3A_2122 = vector.shape_cast %slice3A_2121 : vector<1x300xf32> to vector<300xf32>
    %broadcast_in_dim3A_2123 = vector.shape_cast %squeeze3A_2122 : vector<300xf32> to vector<1x300xf32>
    %add3A_2124 = vector.broadcast %broadcast_in_dim3A_2123 : vector<1x300xf32> to vector<128x300xf32>
    %add3A_2125 = arith.addf %add3A_2120, %add3A_2124 : vector<128x300xf32>
    %reduce_sum3A_2126 = arith.constant dense<0.000000e+00> : vector<128xf32>
    %reduce_sum3A_2127 = vector.multi_reduction <add>, %add3A_2125, %reduce_sum3A_2126 [1] : vector<128x300xf32> to vector<128xf32>
    %broadcast_in_dim3A_2128 = vector.shape_cast %reduce_sum3A_2127 : vector<128xf32> to vector<128x1xf32>
    %mul3A_2129 = arith.mulf %add3A_2125, %add3A_2125 : vector<128x300xf32>
    %reduce_sum3A_2130 = arith.constant dense<0.000000e+00> : vector<128xf32>
    %reduce_sum3A_2131 = vector.multi_reduction <add>, %mul3A_2129, %reduce_sum3A_2130 [1] : vector<128x300xf32> to vector<128xf32>
    %broadcast_in_dim3A_2132 = vector.shape_cast %reduce_sum3A_2131 : vector<128xf32> to vector<128x1xf32>
    %mul3A_2133 = arith.constant 0.00333333341 : f32
    %mul3A_2134 = vector.broadcast %mul3A_2133 : f32 to vector<128x1xf32>
    %mul3A_2135 = arith.mulf %broadcast_in_dim3A_2128, %mul3A_2134 : vector<128x1xf32>
    %mul3A_2136 = arith.constant 0.00333333341 : f32
    %mul3A_2137 = vector.broadcast %mul3A_2136 : f32 to vector<128x1xf32>
    %mul3A_2138 = arith.mulf %broadcast_in_dim3A_2132, %mul3A_2137 : vector<128x1xf32>
    %mul3A_2139 = arith.mulf %mul3A_2135, %mul3A_2135 : vector<128x1xf32>
    %sub3A_2140 = arith.subf %mul3A_2138, %mul3A_2139 : vector<128x1xf32>
    %sub3A_2141 = vector.broadcast %mul3A_2135 : vector<128x1xf32> to vector<128x300xf32>
    %sub3A_2142 = arith.subf %add3A_2125, %sub3A_2141 : vector<128x300xf32>
    %add3A_2143 = arith.constant 9.99999974E-6 : f32
    %add3A_2144 = vector.broadcast %add3A_2143 : f32 to vector<128x1xf32>
    %add3A_2145 = arith.addf %sub3A_2140, %add3A_2144 : vector<128x1xf32>
    %rsqrt3A_2146 = math.rsqrt %add3A_2145 : vector<128x1xf32>
    %mul3A_2147 = vector.broadcast %rsqrt3A_2146 : vector<128x1xf32> to vector<128x300xf32>
    %mul3A_2148 = arith.mulf %sub3A_2142, %mul3A_2147 : vector<128x300xf32>
    %convert_element_type3A_2149 = arith.truncf %mul3A_2148 : vector<128x300xf32> to vector<128x300xbf16>
    %mul3A_2150 = vector.broadcast %convert_element_type3A : vector<1x300xbf16> to vector<128x300xbf16>
    %mul3A_2151 = arith.mulf %convert_element_type3A_2149, %mul3A_2150 : vector<128x300xbf16>
    %add3A_2152 = vector.broadcast %convert_element_type3A_28 : vector<1x300xbf16> to vector<128x300xbf16>
    %add3A_2153 = arith.addf %mul3A_2151, %add3A_2152 : vector<128x300xbf16>
    %gt3A_2154 = arith.constant 0.000000e+00 : bf16
    %gt3A_2155 = vector.broadcast %gt3A_2154 : bf16 to vector<128x300xbf16>
    %gt3A_2156 = arith.cmpf ogt, %add3A_2153, %gt3A_2155 : vector<128x300xbf16>
    %exp3A_2157 = math.exp %add3A_2153 : vector<128x300xbf16>
    %sub3A_2158 = arith.constant 1.000000e+00 : bf16
    %sub3A_2159 = vector.broadcast %sub3A_2158 : bf16 to vector<128x300xbf16>
    %sub3A_2160 = arith.subf %exp3A_2157, %sub3A_2159 : vector<128x300xbf16>
    %select_n3A_2161 = arith.select %gt3A_2156, %add3A_2153, %sub3A_2160 : vector<128x300xi1>, vector<128x300xbf16>
    %dot_general3A_2162 = arith.constant dense<0.000000e+00> : vector<1x128xf32>
    %dot_general3A_2163 = tpu.matmul %convert_element_type3A_29, %select_n3A_2161, %dot_general3A_2162 {dimension_numbers = #tpu.dot_dimension_numbers<[1], [1], [0], [0], [0, 0, 1, 0], [], []>, transpose_lhs_hint = false} : vector<1x300xbf16>, vector<128x300xbf16>, vector<1x128xf32> -> vector<1x128xf32>
    %squeeze3A_2164 = vector.shape_cast %dot_general3A_2163 : vector<1x128xf32> to vector<128xf32>
    %add3A_2165 = vector.broadcast %get3A_27 : f32 to vector<128xf32>
    %add3A_2166 = arith.addf %squeeze3A_2164, %add3A_2165 : vector<128xf32>
    %swap3A_2167 = arith.constant 1 : index
    %swap3A_2168 = arith.constant 12 : index
    %swap3A_2169 = arith.constant 0 : index
    %swap3A_2170 = vector.load %arg11[%swap3A_2167, %swap3A_2168, %swap3A_2169] : memref<2x32x128xf32, #tpu.memory_space<vmem>>, vector<1x1x128xf32>
    %swap3A_2171 = vector.shape_cast %swap3A_2170 : vector<1x1x128xf32> to vector<128xf32>
    %swap3A_2172 = vector.shape_cast %add3A_2166 : vector<128xf32> to vector<1x1x128xf32>
    tpu.vector_store %arg11[%swap3A_2167, %swap3A_2168, %swap3A_2169], %swap3A_2172 {strides = array<i32>} : memref<2x32x128xf32, #tpu.memory_space<vmem>>, vector<1x1x128xf32>,
    %slice3A_2173 = vector.extract_strided_slice %dot_general3A_1447 {offsets = [1, 0], sizes = [127, 300], strides = [1, 1]} : vector<128x300xf32> to vector<127x300xf32>
    %slice3A_2174 = vector.extract_strided_slice %dot_general3A_1447 {offsets = [0, 0], sizes = [1, 300], strides = [1, 1]} : vector<128x300xf32> to vector<1x300xf32>
    %concatenate3A_2175 = tpu.concatenate %slice3A_2173, %slice3A_2174 in 0 : vector<127x300xf32>, vector<1x300xf32> -> vector<128x300xf32>
    %add3A_2176 = arith.addf %dot_general3A_1444, %concatenate3A_2175 : vector<128x300xf32>
    %slice3A_2177 = vector.extract_strided_slice %add3A_14 {offsets = [13, 0], sizes = [1, 300], strides = [1, 1]} : vector<25x300xf32> to vector<1x300xf32>
    %squeeze3A_2178 = vector.shape_cast %slice3A_2177 : vector<1x300xf32> to vector<300xf32>
    %broadcast_in_dim3A_2179 = vector.shape_cast %squeeze3A_2178 : vector<300xf32> to vector<1x300xf32>
    %add3A_2180 = vector.broadcast %broadcast_in_dim3A_2179 : vector<1x300xf32> to vector<128x300xf32>
    %add3A_2181 = arith.addf %add3A_2176, %add3A_2180 : vector<128x300xf32>
    %reduce_sum3A_2182 = arith.constant dense<0.000000e+00> : vector<128xf32>
    %reduce_sum3A_2183 = vector.multi_reduction <add>, %add3A_2181, %reduce_sum3A_2182 [1] : vector<128x300xf32> to vector<128xf32>
    %broadcast_in_dim3A_2184 = vector.shape_cast %reduce_sum3A_2183 : vector<128xf32> to vector<128x1xf32>
    %mul3A_2185 = arith.mulf %add3A_2181, %add3A_2181 : vector<128x300xf32>
    %reduce_sum3A_2186 = arith.constant dense<0.000000e+00> : vector<128xf32>
    %reduce_sum3A_2187 = vector.multi_reduction <add>, %mul3A_2185, %reduce_sum3A_2186 [1] : vector<128x300xf32> to vector<128xf32>
    %broadcast_in_dim3A_2188 = vector.shape_cast %reduce_sum3A_2187 : vector<128xf32> to vector<128x1xf32>
    %mul3A_2189 = arith.constant 0.00333333341 : f32
    %mul3A_2190 = vector.broadcast %mul3A_2189 : f32 to vector<128x1xf32>
    %mul3A_2191 = arith.mulf %broadcast_in_dim3A_2184, %mul3A_2190 : vector<128x1xf32>
    %mul3A_2192 = arith.constant 0.00333333341 : f32
    %mul3A_2193 = vector.broadcast %mul3A_2192 : f32 to vector<128x1xf32>
    %mul3A_2194 = arith.mulf %broadcast_in_dim3A_2188, %mul3A_2193 : vector<128x1xf32>
    %mul3A_2195 = arith.mulf %mul3A_2191, %mul3A_2191 : vector<128x1xf32>
    %sub3A_2196 = arith.subf %mul3A_2194, %mul3A_2195 : vector<128x1xf32>
    %sub3A_2197 = vector.broadcast %mul3A_2191 : vector<128x1xf32> to vector<128x300xf32>
    %sub3A_2198 = arith.subf %add3A_2181, %sub3A_2197 : vector<128x300xf32>
    %add3A_2199 = arith.constant 9.99999974E-6 : f32
    %add3A_2200 = vector.broadcast %add3A_2199 : f32 to vector<128x1xf32>
    %add3A_2201 = arith.addf %sub3A_2196, %add3A_2200 : vector<128x1xf32>
    %rsqrt3A_2202 = math.rsqrt %add3A_2201 : vector<128x1xf32>
    %mul3A_2203 = vector.broadcast %rsqrt3A_2202 : vector<128x1xf32> to vector<128x300xf32>
    %mul3A_2204 = arith.mulf %sub3A_2198, %mul3A_2203 : vector<128x300xf32>
    %convert_element_type3A_2205 = arith.truncf %mul3A_2204 : vector<128x300xf32> to vector<128x300xbf16>
    %mul3A_2206 = vector.broadcast %convert_element_type3A : vector<1x300xbf16> to vector<128x300xbf16>
    %mul3A_2207 = arith.mulf %convert_element_type3A_2205, %mul3A_2206 : vector<128x300xbf16>
    %add3A_2208 = vector.broadcast %convert_element_type3A_28 : vector<1x300xbf16> to vector<128x300xbf16>
    %add3A_2209 = arith.addf %mul3A_2207, %add3A_2208 : vector<128x300xbf16>
    %gt3A_2210 = arith.constant 0.000000e+00 : bf16
    %gt3A_2211 = vector.broadcast %gt3A_2210 : bf16 to vector<128x300xbf16>
    %gt3A_2212 = arith.cmpf ogt, %add3A_2209, %gt3A_2211 : vector<128x300xbf16>
    %exp3A_2213 = math.exp %add3A_2209 : vector<128x300xbf16>
    %sub3A_2214 = arith.constant 1.000000e+00 : bf16
    %sub3A_2215 = vector.broadcast %sub3A_2214 : bf16 to vector<128x300xbf16>
    %sub3A_2216 = arith.subf %exp3A_2213, %sub3A_2215 : vector<128x300xbf16>
    %select_n3A_2217 = arith.select %gt3A_2212, %add3A_2209, %sub3A_2216 : vector<128x300xi1>, vector<128x300xbf16>
    %dot_general3A_2218 = arith.constant dense<0.000000e+00> : vector<1x128xf32>
    %dot_general3A_2219 = tpu.matmul %convert_element_type3A_29, %select_n3A_2217, %dot_general3A_2218 {dimension_numbers = #tpu.dot_dimension_numbers<[1], [1], [0], [0], [0, 0, 1, 0], [], []>, transpose_lhs_hint = false} : vector<1x300xbf16>, vector<128x300xbf16>, vector<1x128xf32> -> vector<1x128xf32>
    %squeeze3A_2220 = vector.shape_cast %dot_general3A_2219 : vector<1x128xf32> to vector<128xf32>
    %add3A_2221 = vector.broadcast %get3A_27 : f32 to vector<128xf32>
    %add3A_2222 = arith.addf %squeeze3A_2220, %add3A_2221 : vector<128xf32>
    %swap3A_2223 = arith.constant 1 : index
    %swap3A_2224 = arith.constant 13 : index
    %swap3A_2225 = arith.constant 0 : index
    %swap3A_2226 = vector.load %arg11[%swap3A_2223, %swap3A_2224, %swap3A_2225] : memref<2x32x128xf32, #tpu.memory_space<vmem>>, vector<1x1x128xf32>
    %swap3A_2227 = vector.shape_cast %swap3A_2226 : vector<1x1x128xf32> to vector<128xf32>
    %swap3A_2228 = vector.shape_cast %add3A_2222 : vector<128xf32> to vector<1x1x128xf32>
    tpu.vector_store %arg11[%swap3A_2223, %swap3A_2224, %swap3A_2225], %swap3A_2228 {strides = array<i32>} : memref<2x32x128xf32, #tpu.memory_space<vmem>>, vector<1x1x128xf32>,
    %slice3A_2229 = vector.extract_strided_slice %dot_general3A_1447 {offsets = [2, 0], sizes = [126, 300], strides = [1, 1]} : vector<128x300xf32> to vector<126x300xf32>
    %slice3A_2230 = vector.extract_strided_slice %dot_general3A_1447 {offsets = [0, 0], sizes = [2, 300], strides = [1, 1]} : vector<128x300xf32> to vector<2x300xf32>
    %concatenate3A_2231 = tpu.concatenate %slice3A_2229, %slice3A_2230 in 0 : vector<126x300xf32>, vector<2x300xf32> -> vector<128x300xf32>
    %add3A_2232 = arith.addf %dot_general3A_1444, %concatenate3A_2231 : vector<128x300xf32>
    %slice3A_2233 = vector.extract_strided_slice %add3A_14 {offsets = [14, 0], sizes = [1, 300], strides = [1, 1]} : vector<25x300xf32> to vector<1x300xf32>
    %squeeze3A_2234 = vector.shape_cast %slice3A_2233 : vector<1x300xf32> to vector<300xf32>
    %broadcast_in_dim3A_2235 = vector.shape_cast %squeeze3A_2234 : vector<300xf32> to vector<1x300xf32>
    %add3A_2236 = vector.broadcast %broadcast_in_dim3A_2235 : vector<1x300xf32> to vector<128x300xf32>
    %add3A_2237 = arith.addf %add3A_2232, %add3A_2236 : vector<128x300xf32>
    %reduce_sum3A_2238 = arith.constant dense<0.000000e+00> : vector<128xf32>
    %reduce_sum3A_2239 = vector.multi_reduction <add>, %add3A_2237, %reduce_sum3A_2238 [1] : vector<128x300xf32> to vector<128xf32>
    %broadcast_in_dim3A_2240 = vector.shape_cast %reduce_sum3A_2239 : vector<128xf32> to vector<128x1xf32>
    %mul3A_2241 = arith.mulf %add3A_2237, %add3A_2237 : vector<128x300xf32>
    %reduce_sum3A_2242 = arith.constant dense<0.000000e+00> : vector<128xf32>
    %reduce_sum3A_2243 = vector.multi_reduction <add>, %mul3A_2241, %reduce_sum3A_2242 [1] : vector<128x300xf32> to vector<128xf32>
    %broadcast_in_dim3A_2244 = vector.shape_cast %reduce_sum3A_2243 : vector<128xf32> to vector<128x1xf32>
    %mul3A_2245 = arith.constant 0.00333333341 : f32
    %mul3A_2246 = vector.broadcast %mul3A_2245 : f32 to vector<128x1xf32>
    %mul3A_2247 = arith.mulf %broadcast_in_dim3A_2240, %mul3A_2246 : vector<128x1xf32>
    %mul3A_2248 = arith.constant 0.00333333341 : f32
    %mul3A_2249 = vector.broadcast %mul3A_2248 : f32 to vector<128x1xf32>
    %mul3A_2250 = arith.mulf %broadcast_in_dim3A_2244, %mul3A_2249 : vector<128x1xf32>
    %mul3A_2251 = arith.mulf %mul3A_2247, %mul3A_2247 : vector<128x1xf32>
    %sub3A_2252 = arith.subf %mul3A_2250, %mul3A_2251 : vector<128x1xf32>
    %sub3A_2253 = vector.broadcast %mul3A_2247 : vector<128x1xf32> to vector<128x300xf32>
    %sub3A_2254 = arith.subf %add3A_2237, %sub3A_2253 : vector<128x300xf32>
    %add3A_2255 = arith.constant 9.99999974E-6 : f32
    %add3A_2256 = vector.broadcast %add3A_2255 : f32 to vector<128x1xf32>
    %add3A_2257 = arith.addf %sub3A_2252, %add3A_2256 : vector<128x1xf32>
    %rsqrt3A_2258 = math.rsqrt %add3A_2257 : vector<128x1xf32>
    %mul3A_2259 = vector.broadcast %rsqrt3A_2258 : vector<128x1xf32> to vector<128x300xf32>
    %mul3A_2260 = arith.mulf %sub3A_2254, %mul3A_2259 : vector<128x300xf32>
    %convert_element_type3A_2261 = arith.truncf %mul3A_2260 : vector<128x300xf32> to vector<128x300xbf16>
    %mul3A_2262 = vector.broadcast %convert_element_type3A : vector<1x300xbf16> to vector<128x300xbf16>
    %mul3A_2263 = arith.mulf %convert_element_type3A_2261, %mul3A_2262 : vector<128x300xbf16>
    %add3A_2264 = vector.broadcast %convert_element_type3A_28 : vector<1x300xbf16> to vector<128x300xbf16>
    %add3A_2265 = arith.addf %mul3A_2263, %add3A_2264 : vector<128x300xbf16>
    %gt3A_2266 = arith.constant 0.000000e+00 : bf16
    %gt3A_2267 = vector.broadcast %gt3A_2266 : bf16 to vector<128x300xbf16>
    %gt3A_2268 = arith.cmpf ogt, %add3A_2265, %gt3A_2267 : vector<128x300xbf16>
    %exp3A_2269 = math.exp %add3A_2265 : vector<128x300xbf16>
    %sub3A_2270 = arith.constant 1.000000e+00 : bf16
    %sub3A_2271 = vector.broadcast %sub3A_2270 : bf16 to vector<128x300xbf16>
    %sub3A_2272 = arith.subf %exp3A_2269, %sub3A_2271 : vector<128x300xbf16>
    %select_n3A_2273 = arith.select %gt3A_2268, %add3A_2265, %sub3A_2272 : vector<128x300xi1>, vector<128x300xbf16>
    %dot_general3A_2274 = arith.constant dense<0.000000e+00> : vector<1x128xf32>
    %dot_general3A_2275 = tpu.matmul %convert_element_type3A_29, %select_n3A_2273, %dot_general3A_2274 {dimension_numbers = #tpu.dot_dimension_numbers<[1], [1], [0], [0], [0, 0, 1, 0], [], []>, transpose_lhs_hint = false} : vector<1x300xbf16>, vector<128x300xbf16>, vector<1x128xf32> -> vector<1x128xf32>
    %squeeze3A_2276 = vector.shape_cast %dot_general3A_2275 : vector<1x128xf32> to vector<128xf32>
    %add3A_2277 = vector.broadcast %get3A_27 : f32 to vector<128xf32>
    %add3A_2278 = arith.addf %squeeze3A_2276, %add3A_2277 : vector<128xf32>
    %swap3A_2279 = arith.constant 1 : index
    %swap3A_2280 = arith.constant 14 : index
    %swap3A_2281 = arith.constant 0 : index
    %swap3A_2282 = vector.load %arg11[%swap3A_2279, %swap3A_2280, %swap3A_2281] : memref<2x32x128xf32, #tpu.memory_space<vmem>>, vector<1x1x128xf32>
    %swap3A_2283 = vector.shape_cast %swap3A_2282 : vector<1x1x128xf32> to vector<128xf32>
    %swap3A_2284 = vector.shape_cast %add3A_2278 : vector<128xf32> to vector<1x1x128xf32>
    tpu.vector_store %arg11[%swap3A_2279, %swap3A_2280, %swap3A_2281], %swap3A_2284 {strides = array<i32>} : memref<2x32x128xf32, #tpu.memory_space<vmem>>, vector<1x1x128xf32>,
    %slice3A_2285 = vector.extract_strided_slice %dot_general3A_1447 {offsets = [3, 0], sizes = [125, 300], strides = [1, 1]} : vector<128x300xf32> to vector<125x300xf32>
    %slice3A_2286 = vector.extract_strided_slice %dot_general3A_1447 {offsets = [0, 0], sizes = [3, 300], strides = [1, 1]} : vector<128x300xf32> to vector<3x300xf32>
    %concatenate3A_2287 = tpu.concatenate %slice3A_2285, %slice3A_2286 in 0 : vector<125x300xf32>, vector<3x300xf32> -> vector<128x300xf32>
    %add3A_2288 = arith.addf %dot_general3A_1444, %concatenate3A_2287 : vector<128x300xf32>
    %slice3A_2289 = vector.extract_strided_slice %add3A_14 {offsets = [15, 0], sizes = [1, 300], strides = [1, 1]} : vector<25x300xf32> to vector<1x300xf32>
    %squeeze3A_2290 = vector.shape_cast %slice3A_2289 : vector<1x300xf32> to vector<300xf32>
    %broadcast_in_dim3A_2291 = vector.shape_cast %squeeze3A_2290 : vector<300xf32> to vector<1x300xf32>
    %add3A_2292 = vector.broadcast %broadcast_in_dim3A_2291 : vector<1x300xf32> to vector<128x300xf32>
    %add3A_2293 = arith.addf %add3A_2288, %add3A_2292 : vector<128x300xf32>
    %reduce_sum3A_2294 = arith.constant dense<0.000000e+00> : vector<128xf32>
    %reduce_sum3A_2295 = vector.multi_reduction <add>, %add3A_2293, %reduce_sum3A_2294 [1] : vector<128x300xf32> to vector<128xf32>
    %broadcast_in_dim3A_2296 = vector.shape_cast %reduce_sum3A_2295 : vector<128xf32> to vector<128x1xf32>
    %mul3A_2297 = arith.mulf %add3A_2293, %add3A_2293 : vector<128x300xf32>
    %reduce_sum3A_2298 = arith.constant dense<0.000000e+00> : vector<128xf32>
    %reduce_sum3A_2299 = vector.multi_reduction <add>, %mul3A_2297, %reduce_sum3A_2298 [1] : vector<128x300xf32> to vector<128xf32>
    %broadcast_in_dim3A_2300 = vector.shape_cast %reduce_sum3A_2299 : vector<128xf32> to vector<128x1xf32>
    %mul3A_2301 = arith.constant 0.00333333341 : f32
    %mul3A_2302 = vector.broadcast %mul3A_2301 : f32 to vector<128x1xf32>
    %mul3A_2303 = arith.mulf %broadcast_in_dim3A_2296, %mul3A_2302 : vector<128x1xf32>
    %mul3A_2304 = arith.constant 0.00333333341 : f32
    %mul3A_2305 = vector.broadcast %mul3A_2304 : f32 to vector<128x1xf32>
    %mul3A_2306 = arith.mulf %broadcast_in_dim3A_2300, %mul3A_2305 : vector<128x1xf32>
    %mul3A_2307 = arith.mulf %mul3A_2303, %mul3A_2303 : vector<128x1xf32>
    %sub3A_2308 = arith.subf %mul3A_2306, %mul3A_2307 : vector<128x1xf32>
    %sub3A_2309 = vector.broadcast %mul3A_2303 : vector<128x1xf32> to vector<128x300xf32>
    %sub3A_2310 = arith.subf %add3A_2293, %sub3A_2309 : vector<128x300xf32>
    %add3A_2311 = arith.constant 9.99999974E-6 : f32
    %add3A_2312 = vector.broadcast %add3A_2311 : f32 to vector<128x1xf32>
    %add3A_2313 = arith.addf %sub3A_2308, %add3A_2312 : vector<128x1xf32>
    %rsqrt3A_2314 = math.rsqrt %add3A_2313 : vector<128x1xf32>
    %mul3A_2315 = vector.broadcast %rsqrt3A_2314 : vector<128x1xf32> to vector<128x300xf32>
    %mul3A_2316 = arith.mulf %sub3A_2310, %mul3A_2315 : vector<128x300xf32>
    %convert_element_type3A_2317 = arith.truncf %mul3A_2316 : vector<128x300xf32> to vector<128x300xbf16>
    %mul3A_2318 = vector.broadcast %convert_element_type3A : vector<1x300xbf16> to vector<128x300xbf16>
    %mul3A_2319 = arith.mulf %convert_element_type3A_2317, %mul3A_2318 : vector<128x300xbf16>
    %add3A_2320 = vector.broadcast %convert_element_type3A_28 : vector<1x300xbf16> to vector<128x300xbf16>
    %add3A_2321 = arith.addf %mul3A_2319, %add3A_2320 : vector<128x300xbf16>
    %gt3A_2322 = arith.constant 0.000000e+00 : bf16
    %gt3A_2323 = vector.broadcast %gt3A_2322 : bf16 to vector<128x300xbf16>
    %gt3A_2324 = arith.cmpf ogt, %add3A_2321, %gt3A_2323 : vector<128x300xbf16>
    %exp3A_2325 = math.exp %add3A_2321 : vector<128x300xbf16>
    %sub3A_2326 = arith.constant 1.000000e+00 : bf16
    %sub3A_2327 = vector.broadcast %sub3A_2326 : bf16 to vector<128x300xbf16>
    %sub3A_2328 = arith.subf %exp3A_2325, %sub3A_2327 : vector<128x300xbf16>
    %select_n3A_2329 = arith.select %gt3A_2324, %add3A_2321, %sub3A_2328 : vector<128x300xi1>, vector<128x300xbf16>
    %dot_general3A_2330 = arith.constant dense<0.000000e+00> : vector<1x128xf32>
    %dot_general3A_2331 = tpu.matmul %convert_element_type3A_29, %select_n3A_2329, %dot_general3A_2330 {dimension_numbers = #tpu.dot_dimension_numbers<[1], [1], [0], [0], [0, 0, 1, 0], [], []>, transpose_lhs_hint = false} : vector<1x300xbf16>, vector<128x300xbf16>, vector<1x128xf32> -> vector<1x128xf32>
    %squeeze3A_2332 = vector.shape_cast %dot_general3A_2331 : vector<1x128xf32> to vector<128xf32>
    %add3A_2333 = vector.broadcast %get3A_27 : f32 to vector<128xf32>
    %add3A_2334 = arith.addf %squeeze3A_2332, %add3A_2333 : vector<128xf32>
    %swap3A_2335 = arith.constant 1 : index
    %swap3A_2336 = arith.constant 15 : index
    %swap3A_2337 = arith.constant 0 : index
    %swap3A_2338 = vector.load %arg11[%swap3A_2335, %swap3A_2336, %swap3A_2337] : memref<2x32x128xf32, #tpu.memory_space<vmem>>, vector<1x1x128xf32>
    %swap3A_2339 = vector.shape_cast %swap3A_2338 : vector<1x1x128xf32> to vector<128xf32>
    %swap3A_2340 = vector.shape_cast %add3A_2334 : vector<128xf32> to vector<1x1x128xf32>
    tpu.vector_store %arg11[%swap3A_2335, %swap3A_2336, %swap3A_2337], %swap3A_2340 {strides = array<i32>} : memref<2x32x128xf32, #tpu.memory_space<vmem>>, vector<1x1x128xf32>,
    %slice3A_2341 = vector.extract_strided_slice %dot_general3A_1447 {offsets = [4, 0], sizes = [124, 300], strides = [1, 1]} : vector<128x300xf32> to vector<124x300xf32>
    %slice3A_2342 = vector.extract_strided_slice %dot_general3A_1447 {offsets = [0, 0], sizes = [4, 300], strides = [1, 1]} : vector<128x300xf32> to vector<4x300xf32>
    %concatenate3A_2343 = tpu.concatenate %slice3A_2341, %slice3A_2342 in 0 : vector<124x300xf32>, vector<4x300xf32> -> vector<128x300xf32>
    %add3A_2344 = arith.addf %dot_general3A_1444, %concatenate3A_2343 : vector<128x300xf32>
    %slice3A_2345 = vector.extract_strided_slice %add3A_14 {offsets = [16, 0], sizes = [1, 300], strides = [1, 1]} : vector<25x300xf32> to vector<1x300xf32>
    %squeeze3A_2346 = vector.shape_cast %slice3A_2345 : vector<1x300xf32> to vector<300xf32>
    %broadcast_in_dim3A_2347 = vector.shape_cast %squeeze3A_2346 : vector<300xf32> to vector<1x300xf32>
    %add3A_2348 = vector.broadcast %broadcast_in_dim3A_2347 : vector<1x300xf32> to vector<128x300xf32>
    %add3A_2349 = arith.addf %add3A_2344, %add3A_2348 : vector<128x300xf32>
    %reduce_sum3A_2350 = arith.constant dense<0.000000e+00> : vector<128xf32>
    %reduce_sum3A_2351 = vector.multi_reduction <add>, %add3A_2349, %reduce_sum3A_2350 [1] : vector<128x300xf32> to vector<128xf32>
    %broadcast_in_dim3A_2352 = vector.shape_cast %reduce_sum3A_2351 : vector<128xf32> to vector<128x1xf32>
    %mul3A_2353 = arith.mulf %add3A_2349, %add3A_2349 : vector<128x300xf32>
    %reduce_sum3A_2354 = arith.constant dense<0.000000e+00> : vector<128xf32>
    %reduce_sum3A_2355 = vector.multi_reduction <add>, %mul3A_2353, %reduce_sum3A_2354 [1] : vector<128x300xf32> to vector<128xf32>
    %broadcast_in_dim3A_2356 = vector.shape_cast %reduce_sum3A_2355 : vector<128xf32> to vector<128x1xf32>
    %mul3A_2357 = arith.constant 0.00333333341 : f32
    %mul3A_2358 = vector.broadcast %mul3A_2357 : f32 to vector<128x1xf32>
    %mul3A_2359 = arith.mulf %broadcast_in_dim3A_2352, %mul3A_2358 : vector<128x1xf32>
    %mul3A_2360 = arith.constant 0.00333333341 : f32
    %mul3A_2361 = vector.broadcast %mul3A_2360 : f32 to vector<128x1xf32>
    %mul3A_2362 = arith.mulf %broadcast_in_dim3A_2356, %mul3A_2361 : vector<128x1xf32>
    %mul3A_2363 = arith.mulf %mul3A_2359, %mul3A_2359 : vector<128x1xf32>
    %sub3A_2364 = arith.subf %mul3A_2362, %mul3A_2363 : vector<128x1xf32>
    %sub3A_2365 = vector.broadcast %mul3A_2359 : vector<128x1xf32> to vector<128x300xf32>
    %sub3A_2366 = arith.subf %add3A_2349, %sub3A_2365 : vector<128x300xf32>
    %add3A_2367 = arith.constant 9.99999974E-6 : f32
    %add3A_2368 = vector.broadcast %add3A_2367 : f32 to vector<128x1xf32>
    %add3A_2369 = arith.addf %sub3A_2364, %add3A_2368 : vector<128x1xf32>
    %rsqrt3A_2370 = math.rsqrt %add3A_2369 : vector<128x1xf32>
    %mul3A_2371 = vector.broadcast %rsqrt3A_2370 : vector<128x1xf32> to vector<128x300xf32>
    %mul3A_2372 = arith.mulf %sub3A_2366, %mul3A_2371 : vector<128x300xf32>
    %convert_element_type3A_2373 = arith.truncf %mul3A_2372 : vector<128x300xf32> to vector<128x300xbf16>
    %mul3A_2374 = vector.broadcast %convert_element_type3A : vector<1x300xbf16> to vector<128x300xbf16>
    %mul3A_2375 = arith.mulf %convert_element_type3A_2373, %mul3A_2374 : vector<128x300xbf16>
    %add3A_2376 = vector.broadcast %convert_element_type3A_28 : vector<1x300xbf16> to vector<128x300xbf16>
    %add3A_2377 = arith.addf %mul3A_2375, %add3A_2376 : vector<128x300xbf16>
    %gt3A_2378 = arith.constant 0.000000e+00 : bf16
    %gt3A_2379 = vector.broadcast %gt3A_2378 : bf16 to vector<128x300xbf16>
    %gt3A_2380 = arith.cmpf ogt, %add3A_2377, %gt3A_2379 : vector<128x300xbf16>
    %exp3A_2381 = math.exp %add3A_2377 : vector<128x300xbf16>
    %sub3A_2382 = arith.constant 1.000000e+00 : bf16
    %sub3A_2383 = vector.broadcast %sub3A_2382 : bf16 to vector<128x300xbf16>
    %sub3A_2384 = arith.subf %exp3A_2381, %sub3A_2383 : vector<128x300xbf16>
    %select_n3A_2385 = arith.select %gt3A_2380, %add3A_2377, %sub3A_2384 : vector<128x300xi1>, vector<128x300xbf16>
    %dot_general3A_2386 = arith.constant dense<0.000000e+00> : vector<1x128xf32>
    %dot_general3A_2387 = tpu.matmul %convert_element_type3A_29, %select_n3A_2385, %dot_general3A_2386 {dimension_numbers = #tpu.dot_dimension_numbers<[1], [1], [0], [0], [0, 0, 1, 0], [], []>, transpose_lhs_hint = false} : vector<1x300xbf16>, vector<128x300xbf16>, vector<1x128xf32> -> vector<1x128xf32>
    %squeeze3A_2388 = vector.shape_cast %dot_general3A_2387 : vector<1x128xf32> to vector<128xf32>
    %add3A_2389 = vector.broadcast %get3A_27 : f32 to vector<128xf32>
    %add3A_2390 = arith.addf %squeeze3A_2388, %add3A_2389 : vector<128xf32>
    %swap3A_2391 = arith.constant 1 : index
    %swap3A_2392 = arith.constant 16 : index
    %swap3A_2393 = arith.constant 0 : index
    %swap3A_2394 = vector.load %arg11[%swap3A_2391, %swap3A_2392, %swap3A_2393] : memref<2x32x128xf32, #tpu.memory_space<vmem>>, vector<1x1x128xf32>
    %swap3A_2395 = vector.shape_cast %swap3A_2394 : vector<1x1x128xf32> to vector<128xf32>
    %swap3A_2396 = vector.shape_cast %add3A_2390 : vector<128xf32> to vector<1x1x128xf32>
    tpu.vector_store %arg11[%swap3A_2391, %swap3A_2392, %swap3A_2393], %swap3A_2396 {strides = array<i32>} : memref<2x32x128xf32, #tpu.memory_space<vmem>>, vector<1x1x128xf32>,
    %slice3A_2397 = vector.extract_strided_slice %dot_general3A_1447 {offsets = [5, 0], sizes = [123, 300], strides = [1, 1]} : vector<128x300xf32> to vector<123x300xf32>
    %slice3A_2398 = vector.extract_strided_slice %dot_general3A_1447 {offsets = [0, 0], sizes = [5, 300], strides = [1, 1]} : vector<128x300xf32> to vector<5x300xf32>
    %concatenate3A_2399 = tpu.concatenate %slice3A_2397, %slice3A_2398 in 0 : vector<123x300xf32>, vector<5x300xf32> -> vector<128x300xf32>
    %add3A_2400 = arith.addf %dot_general3A_1444, %concatenate3A_2399 : vector<128x300xf32>
    %slice3A_2401 = vector.extract_strided_slice %add3A_14 {offsets = [17, 0], sizes = [1, 300], strides = [1, 1]} : vector<25x300xf32> to vector<1x300xf32>
    %squeeze3A_2402 = vector.shape_cast %slice3A_2401 : vector<1x300xf32> to vector<300xf32>
    %broadcast_in_dim3A_2403 = vector.shape_cast %squeeze3A_2402 : vector<300xf32> to vector<1x300xf32>
    %add3A_2404 = vector.broadcast %broadcast_in_dim3A_2403 : vector<1x300xf32> to vector<128x300xf32>
    %add3A_2405 = arith.addf %add3A_2400, %add3A_2404 : vector<128x300xf32>
    %reduce_sum3A_2406 = arith.constant dense<0.000000e+00> : vector<128xf32>
    %reduce_sum3A_2407 = vector.multi_reduction <add>, %add3A_2405, %reduce_sum3A_2406 [1] : vector<128x300xf32> to vector<128xf32>
    %broadcast_in_dim3A_2408 = vector.shape_cast %reduce_sum3A_2407 : vector<128xf32> to vector<128x1xf32>
    %mul3A_2409 = arith.mulf %add3A_2405, %add3A_2405 : vector<128x300xf32>
    %reduce_sum3A_2410 = arith.constant dense<0.000000e+00> : vector<128xf32>
    %reduce_sum3A_2411 = vector.multi_reduction <add>, %mul3A_2409, %reduce_sum3A_2410 [1] : vector<128x300xf32> to vector<128xf32>
    %broadcast_in_dim3A_2412 = vector.shape_cast %reduce_sum3A_2411 : vector<128xf32> to vector<128x1xf32>
    %mul3A_2413 = arith.constant 0.00333333341 : f32
    %mul3A_2414 = vector.broadcast %mul3A_2413 : f32 to vector<128x1xf32>
    %mul3A_2415 = arith.mulf %broadcast_in_dim3A_2408, %mul3A_2414 : vector<128x1xf32>
    %mul3A_2416 = arith.constant 0.00333333341 : f32
    %mul3A_2417 = vector.broadcast %mul3A_2416 : f32 to vector<128x1xf32>
    %mul3A_2418 = arith.mulf %broadcast_in_dim3A_2412, %mul3A_2417 : vector<128x1xf32>
    %mul3A_2419 = arith.mulf %mul3A_2415, %mul3A_2415 : vector<128x1xf32>
    %sub3A_2420 = arith.subf %mul3A_2418, %mul3A_2419 : vector<128x1xf32>
    %sub3A_2421 = vector.broadcast %mul3A_2415 : vector<128x1xf32> to vector<128x300xf32>
    %sub3A_2422 = arith.subf %add3A_2405, %sub3A_2421 : vector<128x300xf32>
    %add3A_2423 = arith.constant 9.99999974E-6 : f32
    %add3A_2424 = vector.broadcast %add3A_2423 : f32 to vector<128x1xf32>
    %add3A_2425 = arith.addf %sub3A_2420, %add3A_2424 : vector<128x1xf32>
    %rsqrt3A_2426 = math.rsqrt %add3A_2425 : vector<128x1xf32>
    %mul3A_2427 = vector.broadcast %rsqrt3A_2426 : vector<128x1xf32> to vector<128x300xf32>
    %mul3A_2428 = arith.mulf %sub3A_2422, %mul3A_2427 : vector<128x300xf32>
    %convert_element_type3A_2429 = arith.truncf %mul3A_2428 : vector<128x300xf32> to vector<128x300xbf16>
    %mul3A_2430 = vector.broadcast %convert_element_type3A : vector<1x300xbf16> to vector<128x300xbf16>
    %mul3A_2431 = arith.mulf %convert_element_type3A_2429, %mul3A_2430 : vector<128x300xbf16>
    %add3A_2432 = vector.broadcast %convert_element_type3A_28 : vector<1x300xbf16> to vector<128x300xbf16>
    %add3A_2433 = arith.addf %mul3A_2431, %add3A_2432 : vector<128x300xbf16>
    %gt3A_2434 = arith.constant 0.000000e+00 : bf16
    %gt3A_2435 = vector.broadcast %gt3A_2434 : bf16 to vector<128x300xbf16>
    %gt3A_2436 = arith.cmpf ogt, %add3A_2433, %gt3A_2435 : vector<128x300xbf16>
    %exp3A_2437 = math.exp %add3A_2433 : vector<128x300xbf16>
    %sub3A_2438 = arith.constant 1.000000e+00 : bf16
    %sub3A_2439 = vector.broadcast %sub3A_2438 : bf16 to vector<128x300xbf16>
    %sub3A_2440 = arith.subf %exp3A_2437, %sub3A_2439 : vector<128x300xbf16>
    %select_n3A_2441 = arith.select %gt3A_2436, %add3A_2433, %sub3A_2440 : vector<128x300xi1>, vector<128x300xbf16>
    %dot_general3A_2442 = arith.constant dense<0.000000e+00> : vector<1x128xf32>
    %dot_general3A_2443 = tpu.matmul %convert_element_type3A_29, %select_n3A_2441, %dot_general3A_2442 {dimension_numbers = #tpu.dot_dimension_numbers<[1], [1], [0], [0], [0, 0, 1, 0], [], []>, transpose_lhs_hint = false} : vector<1x300xbf16>, vector<128x300xbf16>, vector<1x128xf32> -> vector<1x128xf32>
    %squeeze3A_2444 = vector.shape_cast %dot_general3A_2443 : vector<1x128xf32> to vector<128xf32>
    %add3A_2445 = vector.broadcast %get3A_27 : f32 to vector<128xf32>
    %add3A_2446 = arith.addf %squeeze3A_2444, %add3A_2445 : vector<128xf32>
    %swap3A_2447 = arith.constant 1 : index
    %swap3A_2448 = arith.constant 17 : index
    %swap3A_2449 = arith.constant 0 : index
    %swap3A_2450 = vector.load %arg11[%swap3A_2447, %swap3A_2448, %swap3A_2449] : memref<2x32x128xf32, #tpu.memory_space<vmem>>, vector<1x1x128xf32>
    %swap3A_2451 = vector.shape_cast %swap3A_2450 : vector<1x1x128xf32> to vector<128xf32>
    %swap3A_2452 = vector.shape_cast %add3A_2446 : vector<128xf32> to vector<1x1x128xf32>
    tpu.vector_store %arg11[%swap3A_2447, %swap3A_2448, %swap3A_2449], %swap3A_2452 {strides = array<i32>} : memref<2x32x128xf32, #tpu.memory_space<vmem>>, vector<1x1x128xf32>,
    %slice3A_2453 = vector.extract_strided_slice %dot_general3A_1447 {offsets = [6, 0], sizes = [122, 300], strides = [1, 1]} : vector<128x300xf32> to vector<122x300xf32>
    %slice3A_2454 = vector.extract_strided_slice %dot_general3A_1447 {offsets = [0, 0], sizes = [6, 300], strides = [1, 1]} : vector<128x300xf32> to vector<6x300xf32>
    %concatenate3A_2455 = tpu.concatenate %slice3A_2453, %slice3A_2454 in 0 : vector<122x300xf32>, vector<6x300xf32> -> vector<128x300xf32>
    %add3A_2456 = arith.addf %dot_general3A_1444, %concatenate3A_2455 : vector<128x300xf32>
    %slice3A_2457 = vector.extract_strided_slice %add3A_14 {offsets = [18, 0], sizes = [1, 300], strides = [1, 1]} : vector<25x300xf32> to vector<1x300xf32>
    %squeeze3A_2458 = vector.shape_cast %slice3A_2457 : vector<1x300xf32> to vector<300xf32>
    %broadcast_in_dim3A_2459 = vector.shape_cast %squeeze3A_2458 : vector<300xf32> to vector<1x300xf32>
    %add3A_2460 = vector.broadcast %broadcast_in_dim3A_2459 : vector<1x300xf32> to vector<128x300xf32>
    %add3A_2461 = arith.addf %add3A_2456, %add3A_2460 : vector<128x300xf32>
    %reduce_sum3A_2462 = arith.constant dense<0.000000e+00> : vector<128xf32>
    %reduce_sum3A_2463 = vector.multi_reduction <add>, %add3A_2461, %reduce_sum3A_2462 [1] : vector<128x300xf32> to vector<128xf32>
    %broadcast_in_dim3A_2464 = vector.shape_cast %reduce_sum3A_2463 : vector<128xf32> to vector<128x1xf32>
    %mul3A_2465 = arith.mulf %add3A_2461, %add3A_2461 : vector<128x300xf32>
    %reduce_sum3A_2466 = arith.constant dense<0.000000e+00> : vector<128xf32>
    %reduce_sum3A_2467 = vector.multi_reduction <add>, %mul3A_2465, %reduce_sum3A_2466 [1] : vector<128x300xf32> to vector<128xf32>
    %broadcast_in_dim3A_2468 = vector.shape_cast %reduce_sum3A_2467 : vector<128xf32> to vector<128x1xf32>
    %mul3A_2469 = arith.constant 0.00333333341 : f32
    %mul3A_2470 = vector.broadcast %mul3A_2469 : f32 to vector<128x1xf32>
    %mul3A_2471 = arith.mulf %broadcast_in_dim3A_2464, %mul3A_2470 : vector<128x1xf32>
    %mul3A_2472 = arith.constant 0.00333333341 : f32
    %mul3A_2473 = vector.broadcast %mul3A_2472 : f32 to vector<128x1xf32>
    %mul3A_2474 = arith.mulf %broadcast_in_dim3A_2468, %mul3A_2473 : vector<128x1xf32>
    %mul3A_2475 = arith.mulf %mul3A_2471, %mul3A_2471 : vector<128x1xf32>
    %sub3A_2476 = arith.subf %mul3A_2474, %mul3A_2475 : vector<128x1xf32>
    %sub3A_2477 = vector.broadcast %mul3A_2471 : vector<128x1xf32> to vector<128x300xf32>
    %sub3A_2478 = arith.subf %add3A_2461, %sub3A_2477 : vector<128x300xf32>
    %add3A_2479 = arith.constant 9.99999974E-6 : f32
    %add3A_2480 = vector.broadcast %add3A_2479 : f32 to vector<128x1xf32>
    %add3A_2481 = arith.addf %sub3A_2476, %add3A_2480 : vector<128x1xf32>
    %rsqrt3A_2482 = math.rsqrt %add3A_2481 : vector<128x1xf32>
    %mul3A_2483 = vector.broadcast %rsqrt3A_2482 : vector<128x1xf32> to vector<128x300xf32>
    %mul3A_2484 = arith.mulf %sub3A_2478, %mul3A_2483 : vector<128x300xf32>
    %convert_element_type3A_2485 = arith.truncf %mul3A_2484 : vector<128x300xf32> to vector<128x300xbf16>
    %mul3A_2486 = vector.broadcast %convert_element_type3A : vector<1x300xbf16> to vector<128x300xbf16>
    %mul3A_2487 = arith.mulf %convert_element_type3A_2485, %mul3A_2486 : vector<128x300xbf16>
    %add3A_2488 = vector.broadcast %convert_element_type3A_28 : vector<1x300xbf16> to vector<128x300xbf16>
    %add3A_2489 = arith.addf %mul3A_2487, %add3A_2488 : vector<128x300xbf16>
    %gt3A_2490 = arith.constant 0.000000e+00 : bf16
    %gt3A_2491 = vector.broadcast %gt3A_2490 : bf16 to vector<128x300xbf16>
    %gt3A_2492 = arith.cmpf ogt, %add3A_2489, %gt3A_2491 : vector<128x300xbf16>
    %exp3A_2493 = math.exp %add3A_2489 : vector<128x300xbf16>
    %sub3A_2494 = arith.constant 1.000000e+00 : bf16
    %sub3A_2495 = vector.broadcast %sub3A_2494 : bf16 to vector<128x300xbf16>
    %sub3A_2496 = arith.subf %exp3A_2493, %sub3A_2495 : vector<128x300xbf16>
    %select_n3A_2497 = arith.select %gt3A_2492, %add3A_2489, %sub3A_2496 : vector<128x300xi1>, vector<128x300xbf16>
    %dot_general3A_2498 = arith.constant dense<0.000000e+00> : vector<1x128xf32>
    %dot_general3A_2499 = tpu.matmul %convert_element_type3A_29, %select_n3A_2497, %dot_general3A_2498 {dimension_numbers = #tpu.dot_dimension_numbers<[1], [1], [0], [0], [0, 0, 1, 0], [], []>, transpose_lhs_hint = false} : vector<1x300xbf16>, vector<128x300xbf16>, vector<1x128xf32> -> vector<1x128xf32>
    %squeeze3A_2500 = vector.shape_cast %dot_general3A_2499 : vector<1x128xf32> to vector<128xf32>
    %add3A_2501 = vector.broadcast %get3A_27 : f32 to vector<128xf32>
    %add3A_2502 = arith.addf %squeeze3A_2500, %add3A_2501 : vector<128xf32>
    %swap3A_2503 = arith.constant 1 : index
    %swap3A_2504 = arith.constant 18 : index
    %swap3A_2505 = arith.constant 0 : index
    %swap3A_2506 = vector.load %arg11[%swap3A_2503, %swap3A_2504, %swap3A_2505] : memref<2x32x128xf32, #tpu.memory_space<vmem>>, vector<1x1x128xf32>
    %swap3A_2507 = vector.shape_cast %swap3A_2506 : vector<1x1x128xf32> to vector<128xf32>
    %swap3A_2508 = vector.shape_cast %add3A_2502 : vector<128xf32> to vector<1x1x128xf32>
    tpu.vector_store %arg11[%swap3A_2503, %swap3A_2504, %swap3A_2505], %swap3A_2508 {strides = array<i32>} : memref<2x32x128xf32, #tpu.memory_space<vmem>>, vector<1x1x128xf32>,
    %slice3A_2509 = vector.extract_strided_slice %dot_general3A_1447 {offsets = [7, 0], sizes = [121, 300], strides = [1, 1]} : vector<128x300xf32> to vector<121x300xf32>
    %slice3A_2510 = vector.extract_strided_slice %dot_general3A_1447 {offsets = [0, 0], sizes = [7, 300], strides = [1, 1]} : vector<128x300xf32> to vector<7x300xf32>
    %concatenate3A_2511 = tpu.concatenate %slice3A_2509, %slice3A_2510 in 0 : vector<121x300xf32>, vector<7x300xf32> -> vector<128x300xf32>
    %add3A_2512 = arith.addf %dot_general3A_1444, %concatenate3A_2511 : vector<128x300xf32>
    %slice3A_2513 = vector.extract_strided_slice %add3A_14 {offsets = [19, 0], sizes = [1, 300], strides = [1, 1]} : vector<25x300xf32> to vector<1x300xf32>
    %squeeze3A_2514 = vector.shape_cast %slice3A_2513 : vector<1x300xf32> to vector<300xf32>
    %broadcast_in_dim3A_2515 = vector.shape_cast %squeeze3A_2514 : vector<300xf32> to vector<1x300xf32>
    %add3A_2516 = vector.broadcast %broadcast_in_dim3A_2515 : vector<1x300xf32> to vector<128x300xf32>
    %add3A_2517 = arith.addf %add3A_2512, %add3A_2516 : vector<128x300xf32>
    %reduce_sum3A_2518 = arith.constant dense<0.000000e+00> : vector<128xf32>
    %reduce_sum3A_2519 = vector.multi_reduction <add>, %add3A_2517, %reduce_sum3A_2518 [1] : vector<128x300xf32> to vector<128xf32>
    %broadcast_in_dim3A_2520 = vector.shape_cast %reduce_sum3A_2519 : vector<128xf32> to vector<128x1xf32>
    %mul3A_2521 = arith.mulf %add3A_2517, %add3A_2517 : vector<128x300xf32>
    %reduce_sum3A_2522 = arith.constant dense<0.000000e+00> : vector<128xf32>
    %reduce_sum3A_2523 = vector.multi_reduction <add>, %mul3A_2521, %reduce_sum3A_2522 [1] : vector<128x300xf32> to vector<128xf32>
    %broadcast_in_dim3A_2524 = vector.shape_cast %reduce_sum3A_2523 : vector<128xf32> to vector<128x1xf32>
    %mul3A_2525 = arith.constant 0.00333333341 : f32
    %mul3A_2526 = vector.broadcast %mul3A_2525 : f32 to vector<128x1xf32>
    %mul3A_2527 = arith.mulf %broadcast_in_dim3A_2520, %mul3A_2526 : vector<128x1xf32>
    %mul3A_2528 = arith.constant 0.00333333341 : f32
    %mul3A_2529 = vector.broadcast %mul3A_2528 : f32 to vector<128x1xf32>
    %mul3A_2530 = arith.mulf %broadcast_in_dim3A_2524, %mul3A_2529 : vector<128x1xf32>
    %mul3A_2531 = arith.mulf %mul3A_2527, %mul3A_2527 : vector<128x1xf32>
    %sub3A_2532 = arith.subf %mul3A_2530, %mul3A_2531 : vector<128x1xf32>
    %sub3A_2533 = vector.broadcast %mul3A_2527 : vector<128x1xf32> to vector<128x300xf32>
    %sub3A_2534 = arith.subf %add3A_2517, %sub3A_2533 : vector<128x300xf32>
    %add3A_2535 = arith.constant 9.99999974E-6 : f32
    %add3A_2536 = vector.broadcast %add3A_2535 : f32 to vector<128x1xf32>
    %add3A_2537 = arith.addf %sub3A_2532, %add3A_2536 : vector<128x1xf32>
    %rsqrt3A_2538 = math.rsqrt %add3A_2537 : vector<128x1xf32>
    %mul3A_2539 = vector.broadcast %rsqrt3A_2538 : vector<128x1xf32> to vector<128x300xf32>
    %mul3A_2540 = arith.mulf %sub3A_2534, %mul3A_2539 : vector<128x300xf32>
    %convert_element_type3A_2541 = arith.truncf %mul3A_2540 : vector<128x300xf32> to vector<128x300xbf16>
    %mul3A_2542 = vector.broadcast %convert_element_type3A : vector<1x300xbf16> to vector<128x300xbf16>
    %mul3A_2543 = arith.mulf %convert_element_type3A_2541, %mul3A_2542 : vector<128x300xbf16>
    %add3A_2544 = vector.broadcast %convert_element_type3A_28 : vector<1x300xbf16> to vector<128x300xbf16>
    %add3A_2545 = arith.addf %mul3A_2543, %add3A_2544 : vector<128x300xbf16>
    %gt3A_2546 = arith.constant 0.000000e+00 : bf16
    %gt3A_2547 = vector.broadcast %gt3A_2546 : bf16 to vector<128x300xbf16>
    %gt3A_2548 = arith.cmpf ogt, %add3A_2545, %gt3A_2547 : vector<128x300xbf16>
    %exp3A_2549 = math.exp %add3A_2545 : vector<128x300xbf16>
    %sub3A_2550 = arith.constant 1.000000e+00 : bf16
    %sub3A_2551 = vector.broadcast %sub3A_2550 : bf16 to vector<128x300xbf16>
    %sub3A_2552 = arith.subf %exp3A_2549, %sub3A_2551 : vector<128x300xbf16>
    %select_n3A_2553 = arith.select %gt3A_2548, %add3A_2545, %sub3A_2552 : vector<128x300xi1>, vector<128x300xbf16>
    %dot_general3A_2554 = arith.constant dense<0.000000e+00> : vector<1x128xf32>
    %dot_general3A_2555 = tpu.matmul %convert_element_type3A_29, %select_n3A_2553, %dot_general3A_2554 {dimension_numbers = #tpu.dot_dimension_numbers<[1], [1], [0], [0], [0, 0, 1, 0], [], []>, transpose_lhs_hint = false} : vector<1x300xbf16>, vector<128x300xbf16>, vector<1x128xf32> -> vector<1x128xf32>
    %squeeze3A_2556 = vector.shape_cast %dot_general3A_2555 : vector<1x128xf32> to vector<128xf32>
    %add3A_2557 = vector.broadcast %get3A_27 : f32 to vector<128xf32>
    %add3A_2558 = arith.addf %squeeze3A_2556, %add3A_2557 : vector<128xf32>
    %swap3A_2559 = arith.constant 1 : index
    %swap3A_2560 = arith.constant 19 : index
    %swap3A_2561 = arith.constant 0 : index
    %swap3A_2562 = vector.load %arg11[%swap3A_2559, %swap3A_2560, %swap3A_2561] : memref<2x32x128xf32, #tpu.memory_space<vmem>>, vector<1x1x128xf32>
    %swap3A_2563 = vector.shape_cast %swap3A_2562 : vector<1x1x128xf32> to vector<128xf32>
    %swap3A_2564 = vector.shape_cast %add3A_2558 : vector<128xf32> to vector<1x1x128xf32>
    tpu.vector_store %arg11[%swap3A_2559, %swap3A_2560, %swap3A_2561], %swap3A_2564 {strides = array<i32>} : memref<2x32x128xf32, #tpu.memory_space<vmem>>, vector<1x1x128xf32>,
    %slice3A_2565 = vector.extract_strided_slice %dot_general3A_1447 {offsets = [8, 0], sizes = [120, 300], strides = [1, 1]} : vector<128x300xf32> to vector<120x300xf32>
    %slice3A_2566 = vector.extract_strided_slice %dot_general3A_1447 {offsets = [0, 0], sizes = [8, 300], strides = [1, 1]} : vector<128x300xf32> to vector<8x300xf32>
    %concatenate3A_2567 = tpu.concatenate %slice3A_2565, %slice3A_2566 in 0 : vector<120x300xf32>, vector<8x300xf32> -> vector<128x300xf32>
    %add3A_2568 = arith.addf %dot_general3A_1444, %concatenate3A_2567 : vector<128x300xf32>
    %slice3A_2569 = vector.extract_strided_slice %add3A_14 {offsets = [20, 0], sizes = [1, 300], strides = [1, 1]} : vector<25x300xf32> to vector<1x300xf32>
    %squeeze3A_2570 = vector.shape_cast %slice3A_2569 : vector<1x300xf32> to vector<300xf32>
    %broadcast_in_dim3A_2571 = vector.shape_cast %squeeze3A_2570 : vector<300xf32> to vector<1x300xf32>
    %add3A_2572 = vector.broadcast %broadcast_in_dim3A_2571 : vector<1x300xf32> to vector<128x300xf32>
    %add3A_2573 = arith.addf %add3A_2568, %add3A_2572 : vector<128x300xf32>
    %reduce_sum3A_2574 = arith.constant dense<0.000000e+00> : vector<128xf32>
    %reduce_sum3A_2575 = vector.multi_reduction <add>, %add3A_2573, %reduce_sum3A_2574 [1] : vector<128x300xf32> to vector<128xf32>
    %broadcast_in_dim3A_2576 = vector.shape_cast %reduce_sum3A_2575 : vector<128xf32> to vector<128x1xf32>
    %mul3A_2577 = arith.mulf %add3A_2573, %add3A_2573 : vector<128x300xf32>
    %reduce_sum3A_2578 = arith.constant dense<0.000000e+00> : vector<128xf32>
    %reduce_sum3A_2579 = vector.multi_reduction <add>, %mul3A_2577, %reduce_sum3A_2578 [1] : vector<128x300xf32> to vector<128xf32>
    %broadcast_in_dim3A_2580 = vector.shape_cast %reduce_sum3A_2579 : vector<128xf32> to vector<128x1xf32>
    %mul3A_2581 = arith.constant 0.00333333341 : f32
    %mul3A_2582 = vector.broadcast %mul3A_2581 : f32 to vector<128x1xf32>
    %mul3A_2583 = arith.mulf %broadcast_in_dim3A_2576, %mul3A_2582 : vector<128x1xf32>
    %mul3A_2584 = arith.constant 0.00333333341 : f32
    %mul3A_2585 = vector.broadcast %mul3A_2584 : f32 to vector<128x1xf32>
    %mul3A_2586 = arith.mulf %broadcast_in_dim3A_2580, %mul3A_2585 : vector<128x1xf32>
    %mul3A_2587 = arith.mulf %mul3A_2583, %mul3A_2583 : vector<128x1xf32>
    %sub3A_2588 = arith.subf %mul3A_2586, %mul3A_2587 : vector<128x1xf32>
    %sub3A_2589 = vector.broadcast %mul3A_2583 : vector<128x1xf32> to vector<128x300xf32>
    %sub3A_2590 = arith.subf %add3A_2573, %sub3A_2589 : vector<128x300xf32>
    %add3A_2591 = arith.constant 9.99999974E-6 : f32
    %add3A_2592 = vector.broadcast %add3A_2591 : f32 to vector<128x1xf32>
    %add3A_2593 = arith.addf %sub3A_2588, %add3A_2592 : vector<128x1xf32>
    %rsqrt3A_2594 = math.rsqrt %add3A_2593 : vector<128x1xf32>
    %mul3A_2595 = vector.broadcast %rsqrt3A_2594 : vector<128x1xf32> to vector<128x300xf32>
    %mul3A_2596 = arith.mulf %sub3A_2590, %mul3A_2595 : vector<128x300xf32>
    %convert_element_type3A_2597 = arith.truncf %mul3A_2596 : vector<128x300xf32> to vector<128x300xbf16>
    %mul3A_2598 = vector.broadcast %convert_element_type3A : vector<1x300xbf16> to vector<128x300xbf16>
    %mul3A_2599 = arith.mulf %convert_element_type3A_2597, %mul3A_2598 : vector<128x300xbf16>
    %add3A_2600 = vector.broadcast %convert_element_type3A_28 : vector<1x300xbf16> to vector<128x300xbf16>
    %add3A_2601 = arith.addf %mul3A_2599, %add3A_2600 : vector<128x300xbf16>
    %gt3A_2602 = arith.constant 0.000000e+00 : bf16
    %gt3A_2603 = vector.broadcast %gt3A_2602 : bf16 to vector<128x300xbf16>
    %gt3A_2604 = arith.cmpf ogt, %add3A_2601, %gt3A_2603 : vector<128x300xbf16>
    %exp3A_2605 = math.exp %add3A_2601 : vector<128x300xbf16>
    %sub3A_2606 = arith.constant 1.000000e+00 : bf16
    %sub3A_2607 = vector.broadcast %sub3A_2606 : bf16 to vector<128x300xbf16>
    %sub3A_2608 = arith.subf %exp3A_2605, %sub3A_2607 : vector<128x300xbf16>
    %select_n3A_2609 = arith.select %gt3A_2604, %add3A_2601, %sub3A_2608 : vector<128x300xi1>, vector<128x300xbf16>
    %dot_general3A_2610 = arith.constant dense<0.000000e+00> : vector<1x128xf32>
    %dot_general3A_2611 = tpu.matmul %convert_element_type3A_29, %select_n3A_2609, %dot_general3A_2610 {dimension_numbers = #tpu.dot_dimension_numbers<[1], [1], [0], [0], [0, 0, 1, 0], [], []>, transpose_lhs_hint = false} : vector<1x300xbf16>, vector<128x300xbf16>, vector<1x128xf32> -> vector<1x128xf32>
    %squeeze3A_2612 = vector.shape_cast %dot_general3A_2611 : vector<1x128xf32> to vector<128xf32>
    %add3A_2613 = vector.broadcast %get3A_27 : f32 to vector<128xf32>
    %add3A_2614 = arith.addf %squeeze3A_2612, %add3A_2613 : vector<128xf32>
    %swap3A_2615 = arith.constant 1 : index
    %swap3A_2616 = arith.constant 20 : index
    %swap3A_2617 = arith.constant 0 : index
    %swap3A_2618 = vector.load %arg11[%swap3A_2615, %swap3A_2616, %swap3A_2617] : memref<2x32x128xf32, #tpu.memory_space<vmem>>, vector<1x1x128xf32>
    %swap3A_2619 = vector.shape_cast %swap3A_2618 : vector<1x1x128xf32> to vector<128xf32>
    %swap3A_2620 = vector.shape_cast %add3A_2614 : vector<128xf32> to vector<1x1x128xf32>
    tpu.vector_store %arg11[%swap3A_2615, %swap3A_2616, %swap3A_2617], %swap3A_2620 {strides = array<i32>} : memref<2x32x128xf32, #tpu.memory_space<vmem>>, vector<1x1x128xf32>,
    %slice3A_2621 = vector.extract_strided_slice %dot_general3A_1447 {offsets = [9, 0], sizes = [119, 300], strides = [1, 1]} : vector<128x300xf32> to vector<119x300xf32>
    %slice3A_2622 = vector.extract_strided_slice %dot_general3A_1447 {offsets = [0, 0], sizes = [9, 300], strides = [1, 1]} : vector<128x300xf32> to vector<9x300xf32>
    %concatenate3A_2623 = tpu.concatenate %slice3A_2621, %slice3A_2622 in 0 : vector<119x300xf32>, vector<9x300xf32> -> vector<128x300xf32>
    %add3A_2624 = arith.addf %dot_general3A_1444, %concatenate3A_2623 : vector<128x300xf32>
    %slice3A_2625 = vector.extract_strided_slice %add3A_14 {offsets = [21, 0], sizes = [1, 300], strides = [1, 1]} : vector<25x300xf32> to vector<1x300xf32>
    %squeeze3A_2626 = vector.shape_cast %slice3A_2625 : vector<1x300xf32> to vector<300xf32>
    %broadcast_in_dim3A_2627 = vector.shape_cast %squeeze3A_2626 : vector<300xf32> to vector<1x300xf32>
    %add3A_2628 = vector.broadcast %broadcast_in_dim3A_2627 : vector<1x300xf32> to vector<128x300xf32>
    %add3A_2629 = arith.addf %add3A_2624, %add3A_2628 : vector<128x300xf32>
    %reduce_sum3A_2630 = arith.constant dense<0.000000e+00> : vector<128xf32>
    %reduce_sum3A_2631 = vector.multi_reduction <add>, %add3A_2629, %reduce_sum3A_2630 [1] : vector<128x300xf32> to vector<128xf32>
    %broadcast_in_dim3A_2632 = vector.shape_cast %reduce_sum3A_2631 : vector<128xf32> to vector<128x1xf32>
    %mul3A_2633 = arith.mulf %add3A_2629, %add3A_2629 : vector<128x300xf32>
    %reduce_sum3A_2634 = arith.constant dense<0.000000e+00> : vector<128xf32>
    %reduce_sum3A_2635 = vector.multi_reduction <add>, %mul3A_2633, %reduce_sum3A_2634 [1] : vector<128x300xf32> to vector<128xf32>
    %broadcast_in_dim3A_2636 = vector.shape_cast %reduce_sum3A_2635 : vector<128xf32> to vector<128x1xf32>
    %mul3A_2637 = arith.constant 0.00333333341 : f32
    %mul3A_2638 = vector.broadcast %mul3A_2637 : f32 to vector<128x1xf32>
    %mul3A_2639 = arith.mulf %broadcast_in_dim3A_2632, %mul3A_2638 : vector<128x1xf32>
    %mul3A_2640 = arith.constant 0.00333333341 : f32
    %mul3A_2641 = vector.broadcast %mul3A_2640 : f32 to vector<128x1xf32>
    %mul3A_2642 = arith.mulf %broadcast_in_dim3A_2636, %mul3A_2641 : vector<128x1xf32>
    %mul3A_2643 = arith.mulf %mul3A_2639, %mul3A_2639 : vector<128x1xf32>
    %sub3A_2644 = arith.subf %mul3A_2642, %mul3A_2643 : vector<128x1xf32>
    %sub3A_2645 = vector.broadcast %mul3A_2639 : vector<128x1xf32> to vector<128x300xf32>
    %sub3A_2646 = arith.subf %add3A_2629, %sub3A_2645 : vector<128x300xf32>
    %add3A_2647 = arith.constant 9.99999974E-6 : f32
    %add3A_2648 = vector.broadcast %add3A_2647 : f32 to vector<128x1xf32>
    %add3A_2649 = arith.addf %sub3A_2644, %add3A_2648 : vector<128x1xf32>
    %rsqrt3A_2650 = math.rsqrt %add3A_2649 : vector<128x1xf32>
    %mul3A_2651 = vector.broadcast %rsqrt3A_2650 : vector<128x1xf32> to vector<128x300xf32>
    %mul3A_2652 = arith.mulf %sub3A_2646, %mul3A_2651 : vector<128x300xf32>
    %convert_element_type3A_2653 = arith.truncf %mul3A_2652 : vector<128x300xf32> to vector<128x300xbf16>
    %mul3A_2654 = vector.broadcast %convert_element_type3A : vector<1x300xbf16> to vector<128x300xbf16>
    %mul3A_2655 = arith.mulf %convert_element_type3A_2653, %mul3A_2654 : vector<128x300xbf16>
    %add3A_2656 = vector.broadcast %convert_element_type3A_28 : vector<1x300xbf16> to vector<128x300xbf16>
    %add3A_2657 = arith.addf %mul3A_2655, %add3A_2656 : vector<128x300xbf16>
    %gt3A_2658 = arith.constant 0.000000e+00 : bf16
    %gt3A_2659 = vector.broadcast %gt3A_2658 : bf16 to vector<128x300xbf16>
    %gt3A_2660 = arith.cmpf ogt, %add3A_2657, %gt3A_2659 : vector<128x300xbf16>
    %exp3A_2661 = math.exp %add3A_2657 : vector<128x300xbf16>
    %sub3A_2662 = arith.constant 1.000000e+00 : bf16
    %sub3A_2663 = vector.broadcast %sub3A_2662 : bf16 to vector<128x300xbf16>
    %sub3A_2664 = arith.subf %exp3A_2661, %sub3A_2663 : vector<128x300xbf16>
    %select_n3A_2665 = arith.select %gt3A_2660, %add3A_2657, %sub3A_2664 : vector<128x300xi1>, vector<128x300xbf16>
    %dot_general3A_2666 = arith.constant dense<0.000000e+00> : vector<1x128xf32>
    %dot_general3A_2667 = tpu.matmul %convert_element_type3A_29, %select_n3A_2665, %dot_general3A_2666 {dimension_numbers = #tpu.dot_dimension_numbers<[1], [1], [0], [0], [0, 0, 1, 0], [], []>, transpose_lhs_hint = false} : vector<1x300xbf16>, vector<128x300xbf16>, vector<1x128xf32> -> vector<1x128xf32>
    %squeeze3A_2668 = vector.shape_cast %dot_general3A_2667 : vector<1x128xf32> to vector<128xf32>
    %add3A_2669 = vector.broadcast %get3A_27 : f32 to vector<128xf32>
    %add3A_2670 = arith.addf %squeeze3A_2668, %add3A_2669 : vector<128xf32>
    %swap3A_2671 = arith.constant 1 : index
    %swap3A_2672 = arith.constant 21 : index
    %swap3A_2673 = arith.constant 0 : index
    %swap3A_2674 = vector.load %arg11[%swap3A_2671, %swap3A_2672, %swap3A_2673] : memref<2x32x128xf32, #tpu.memory_space<vmem>>, vector<1x1x128xf32>
    %swap3A_2675 = vector.shape_cast %swap3A_2674 : vector<1x1x128xf32> to vector<128xf32>
    %swap3A_2676 = vector.shape_cast %add3A_2670 : vector<128xf32> to vector<1x1x128xf32>
    tpu.vector_store %arg11[%swap3A_2671, %swap3A_2672, %swap3A_2673], %swap3A_2676 {strides = array<i32>} : memref<2x32x128xf32, #tpu.memory_space<vmem>>, vector<1x1x128xf32>,
    %slice3A_2677 = vector.extract_strided_slice %dot_general3A_1447 {offsets = [10, 0], sizes = [118, 300], strides = [1, 1]} : vector<128x300xf32> to vector<118x300xf32>
    %slice3A_2678 = vector.extract_strided_slice %dot_general3A_1447 {offsets = [0, 0], sizes = [10, 300], strides = [1, 1]} : vector<128x300xf32> to vector<10x300xf32>
    %concatenate3A_2679 = tpu.concatenate %slice3A_2677, %slice3A_2678 in 0 : vector<118x300xf32>, vector<10x300xf32> -> vector<128x300xf32>
    %add3A_2680 = arith.addf %dot_general3A_1444, %concatenate3A_2679 : vector<128x300xf32>
    %slice3A_2681 = vector.extract_strided_slice %add3A_14 {offsets = [22, 0], sizes = [1, 300], strides = [1, 1]} : vector<25x300xf32> to vector<1x300xf32>
    %squeeze3A_2682 = vector.shape_cast %slice3A_2681 : vector<1x300xf32> to vector<300xf32>
    %broadcast_in_dim3A_2683 = vector.shape_cast %squeeze3A_2682 : vector<300xf32> to vector<1x300xf32>
    %add3A_2684 = vector.broadcast %broadcast_in_dim3A_2683 : vector<1x300xf32> to vector<128x300xf32>
    %add3A_2685 = arith.addf %add3A_2680, %add3A_2684 : vector<128x300xf32>
    %reduce_sum3A_2686 = arith.constant dense<0.000000e+00> : vector<128xf32>
    %reduce_sum3A_2687 = vector.multi_reduction <add>, %add3A_2685, %reduce_sum3A_2686 [1] : vector<128x300xf32> to vector<128xf32>
    %broadcast_in_dim3A_2688 = vector.shape_cast %reduce_sum3A_2687 : vector<128xf32> to vector<128x1xf32>
    %mul3A_2689 = arith.mulf %add3A_2685, %add3A_2685 : vector<128x300xf32>
    %reduce_sum3A_2690 = arith.constant dense<0.000000e+00> : vector<128xf32>
    %reduce_sum3A_2691 = vector.multi_reduction <add>, %mul3A_2689, %reduce_sum3A_2690 [1] : vector<128x300xf32> to vector<128xf32>
    %broadcast_in_dim3A_2692 = vector.shape_cast %reduce_sum3A_2691 : vector<128xf32> to vector<128x1xf32>
    %mul3A_2693 = arith.constant 0.00333333341 : f32
    %mul3A_2694 = vector.broadcast %mul3A_2693 : f32 to vector<128x1xf32>
    %mul3A_2695 = arith.mulf %broadcast_in_dim3A_2688, %mul3A_2694 : vector<128x1xf32>
    %mul3A_2696 = arith.constant 0.00333333341 : f32
    %mul3A_2697 = vector.broadcast %mul3A_2696 : f32 to vector<128x1xf32>
    %mul3A_2698 = arith.mulf %broadcast_in_dim3A_2692, %mul3A_2697 : vector<128x1xf32>
    %mul3A_2699 = arith.mulf %mul3A_2695, %mul3A_2695 : vector<128x1xf32>
    %sub3A_2700 = arith.subf %mul3A_2698, %mul3A_2699 : vector<128x1xf32>
    %sub3A_2701 = vector.broadcast %mul3A_2695 : vector<128x1xf32> to vector<128x300xf32>
    %sub3A_2702 = arith.subf %add3A_2685, %sub3A_2701 : vector<128x300xf32>
    %add3A_2703 = arith.constant 9.99999974E-6 : f32
    %add3A_2704 = vector.broadcast %add3A_2703 : f32 to vector<128x1xf32>
    %add3A_2705 = arith.addf %sub3A_2700, %add3A_2704 : vector<128x1xf32>
    %rsqrt3A_2706 = math.rsqrt %add3A_2705 : vector<128x1xf32>
    %mul3A_2707 = vector.broadcast %rsqrt3A_2706 : vector<128x1xf32> to vector<128x300xf32>
    %mul3A_2708 = arith.mulf %sub3A_2702, %mul3A_2707 : vector<128x300xf32>
    %convert_element_type3A_2709 = arith.truncf %mul3A_2708 : vector<128x300xf32> to vector<128x300xbf16>
    %mul3A_2710 = vector.broadcast %convert_element_type3A : vector<1x300xbf16> to vector<128x300xbf16>
    %mul3A_2711 = arith.mulf %convert_element_type3A_2709, %mul3A_2710 : vector<128x300xbf16>
    %add3A_2712 = vector.broadcast %convert_element_type3A_28 : vector<1x300xbf16> to vector<128x300xbf16>
    %add3A_2713 = arith.addf %mul3A_2711, %add3A_2712 : vector<128x300xbf16>
    %gt3A_2714 = arith.constant 0.000000e+00 : bf16
    %gt3A_2715 = vector.broadcast %gt3A_2714 : bf16 to vector<128x300xbf16>
    %gt3A_2716 = arith.cmpf ogt, %add3A_2713, %gt3A_2715 : vector<128x300xbf16>
    %exp3A_2717 = math.exp %add3A_2713 : vector<128x300xbf16>
    %sub3A_2718 = arith.constant 1.000000e+00 : bf16
    %sub3A_2719 = vector.broadcast %sub3A_2718 : bf16 to vector<128x300xbf16>
    %sub3A_2720 = arith.subf %exp3A_2717, %sub3A_2719 : vector<128x300xbf16>
    %select_n3A_2721 = arith.select %gt3A_2716, %add3A_2713, %sub3A_2720 : vector<128x300xi1>, vector<128x300xbf16>
    %dot_general3A_2722 = arith.constant dense<0.000000e+00> : vector<1x128xf32>
    %dot_general3A_2723 = tpu.matmul %convert_element_type3A_29, %select_n3A_2721, %dot_general3A_2722 {dimension_numbers = #tpu.dot_dimension_numbers<[1], [1], [0], [0], [0, 0, 1, 0], [], []>, transpose_lhs_hint = false} : vector<1x300xbf16>, vector<128x300xbf16>, vector<1x128xf32> -> vector<1x128xf32>
    %squeeze3A_2724 = vector.shape_cast %dot_general3A_2723 : vector<1x128xf32> to vector<128xf32>
    %add3A_2725 = vector.broadcast %get3A_27 : f32 to vector<128xf32>
    %add3A_2726 = arith.addf %squeeze3A_2724, %add3A_2725 : vector<128xf32>
    %swap3A_2727 = arith.constant 1 : index
    %swap3A_2728 = arith.constant 22 : index
    %swap3A_2729 = arith.constant 0 : index
    %swap3A_2730 = vector.load %arg11[%swap3A_2727, %swap3A_2728, %swap3A_2729] : memref<2x32x128xf32, #tpu.memory_space<vmem>>, vector<1x1x128xf32>
    %swap3A_2731 = vector.shape_cast %swap3A_2730 : vector<1x1x128xf32> to vector<128xf32>
    %swap3A_2732 = vector.shape_cast %add3A_2726 : vector<128xf32> to vector<1x1x128xf32>
    tpu.vector_store %arg11[%swap3A_2727, %swap3A_2728, %swap3A_2729], %swap3A_2732 {strides = array<i32>} : memref<2x32x128xf32, #tpu.memory_space<vmem>>, vector<1x1x128xf32>,
    %slice3A_2733 = vector.extract_strided_slice %dot_general3A_1447 {offsets = [11, 0], sizes = [117, 300], strides = [1, 1]} : vector<128x300xf32> to vector<117x300xf32>
    %slice3A_2734 = vector.extract_strided_slice %dot_general3A_1447 {offsets = [0, 0], sizes = [11, 300], strides = [1, 1]} : vector<128x300xf32> to vector<11x300xf32>
    %concatenate3A_2735 = tpu.concatenate %slice3A_2733, %slice3A_2734 in 0 : vector<117x300xf32>, vector<11x300xf32> -> vector<128x300xf32>
    %add3A_2736 = arith.addf %dot_general3A_1444, %concatenate3A_2735 : vector<128x300xf32>
    %slice3A_2737 = vector.extract_strided_slice %add3A_14 {offsets = [23, 0], sizes = [1, 300], strides = [1, 1]} : vector<25x300xf32> to vector<1x300xf32>
    %squeeze3A_2738 = vector.shape_cast %slice3A_2737 : vector<1x300xf32> to vector<300xf32>
    %broadcast_in_dim3A_2739 = vector.shape_cast %squeeze3A_2738 : vector<300xf32> to vector<1x300xf32>
    %add3A_2740 = vector.broadcast %broadcast_in_dim3A_2739 : vector<1x300xf32> to vector<128x300xf32>
    %add3A_2741 = arith.addf %add3A_2736, %add3A_2740 : vector<128x300xf32>
    %reduce_sum3A_2742 = arith.constant dense<0.000000e+00> : vector<128xf32>
    %reduce_sum3A_2743 = vector.multi_reduction <add>, %add3A_2741, %reduce_sum3A_2742 [1] : vector<128x300xf32> to vector<128xf32>
    %broadcast_in_dim3A_2744 = vector.shape_cast %reduce_sum3A_2743 : vector<128xf32> to vector<128x1xf32>
    %mul3A_2745 = arith.mulf %add3A_2741, %add3A_2741 : vector<128x300xf32>
    %reduce_sum3A_2746 = arith.constant dense<0.000000e+00> : vector<128xf32>
    %reduce_sum3A_2747 = vector.multi_reduction <add>, %mul3A_2745, %reduce_sum3A_2746 [1] : vector<128x300xf32> to vector<128xf32>
    %broadcast_in_dim3A_2748 = vector.shape_cast %reduce_sum3A_2747 : vector<128xf32> to vector<128x1xf32>
    %mul3A_2749 = arith.constant 0.00333333341 : f32
    %mul3A_2750 = vector.broadcast %mul3A_2749 : f32 to vector<128x1xf32>
    %mul3A_2751 = arith.mulf %broadcast_in_dim3A_2744, %mul3A_2750 : vector<128x1xf32>
    %mul3A_2752 = arith.constant 0.00333333341 : f32
    %mul3A_2753 = vector.broadcast %mul3A_2752 : f32 to vector<128x1xf32>
    %mul3A_2754 = arith.mulf %broadcast_in_dim3A_2748, %mul3A_2753 : vector<128x1xf32>
    %mul3A_2755 = arith.mulf %mul3A_2751, %mul3A_2751 : vector<128x1xf32>
    %sub3A_2756 = arith.subf %mul3A_2754, %mul3A_2755 : vector<128x1xf32>
    %sub3A_2757 = vector.broadcast %mul3A_2751 : vector<128x1xf32> to vector<128x300xf32>
    %sub3A_2758 = arith.subf %add3A_2741, %sub3A_2757 : vector<128x300xf32>
    %add3A_2759 = arith.constant 9.99999974E-6 : f32
    %add3A_2760 = vector.broadcast %add3A_2759 : f32 to vector<128x1xf32>
    %add3A_2761 = arith.addf %sub3A_2756, %add3A_2760 : vector<128x1xf32>
    %rsqrt3A_2762 = math.rsqrt %add3A_2761 : vector<128x1xf32>
    %mul3A_2763 = vector.broadcast %rsqrt3A_2762 : vector<128x1xf32> to vector<128x300xf32>
    %mul3A_2764 = arith.mulf %sub3A_2758, %mul3A_2763 : vector<128x300xf32>
    %convert_element_type3A_2765 = arith.truncf %mul3A_2764 : vector<128x300xf32> to vector<128x300xbf16>
    %mul3A_2766 = vector.broadcast %convert_element_type3A : vector<1x300xbf16> to vector<128x300xbf16>
    %mul3A_2767 = arith.mulf %convert_element_type3A_2765, %mul3A_2766 : vector<128x300xbf16>
    %add3A_2768 = vector.broadcast %convert_element_type3A_28 : vector<1x300xbf16> to vector<128x300xbf16>
    %add3A_2769 = arith.addf %mul3A_2767, %add3A_2768 : vector<128x300xbf16>
    %gt3A_2770 = arith.constant 0.000000e+00 : bf16
    %gt3A_2771 = vector.broadcast %gt3A_2770 : bf16 to vector<128x300xbf16>
    %gt3A_2772 = arith.cmpf ogt, %add3A_2769, %gt3A_2771 : vector<128x300xbf16>
    %exp3A_2773 = math.exp %add3A_2769 : vector<128x300xbf16>
    %sub3A_2774 = arith.constant 1.000000e+00 : bf16
    %sub3A_2775 = vector.broadcast %sub3A_2774 : bf16 to vector<128x300xbf16>
    %sub3A_2776 = arith.subf %exp3A_2773, %sub3A_2775 : vector<128x300xbf16>
    %select_n3A_2777 = arith.select %gt3A_2772, %add3A_2769, %sub3A_2776 : vector<128x300xi1>, vector<128x300xbf16>
    %dot_general3A_2778 = arith.constant dense<0.000000e+00> : vector<1x128xf32>
    %dot_general3A_2779 = tpu.matmul %convert_element_type3A_29, %select_n3A_2777, %dot_general3A_2778 {dimension_numbers = #tpu.dot_dimension_numbers<[1], [1], [0], [0], [0, 0, 1, 0], [], []>, transpose_lhs_hint = false} : vector<1x300xbf16>, vector<128x300xbf16>, vector<1x128xf32> -> vector<1x128xf32>
    %squeeze3A_2780 = vector.shape_cast %dot_general3A_2779 : vector<1x128xf32> to vector<128xf32>
    %add3A_2781 = vector.broadcast %get3A_27 : f32 to vector<128xf32>
    %add3A_2782 = arith.addf %squeeze3A_2780, %add3A_2781 : vector<128xf32>
    %swap3A_2783 = arith.constant 1 : index
    %swap3A_2784 = arith.constant 23 : index
    %swap3A_2785 = arith.constant 0 : index
    %swap3A_2786 = vector.load %arg11[%swap3A_2783, %swap3A_2784, %swap3A_2785] : memref<2x32x128xf32, #tpu.memory_space<vmem>>, vector<1x1x128xf32>
    %swap3A_2787 = vector.shape_cast %swap3A_2786 : vector<1x1x128xf32> to vector<128xf32>
    %swap3A_2788 = vector.shape_cast %add3A_2782 : vector<128xf32> to vector<1x1x128xf32>
    tpu.vector_store %arg11[%swap3A_2783, %swap3A_2784, %swap3A_2785], %swap3A_2788 {strides = array<i32>} : memref<2x32x128xf32, #tpu.memory_space<vmem>>, vector<1x1x128xf32>,
    %slice3A_2789 = vector.extract_strided_slice %dot_general3A_1447 {offsets = [12, 0], sizes = [116, 300], strides = [1, 1]} : vector<128x300xf32> to vector<116x300xf32>
    %slice3A_2790 = vector.extract_strided_slice %dot_general3A_1447 {offsets = [0, 0], sizes = [12, 300], strides = [1, 1]} : vector<128x300xf32> to vector<12x300xf32>
    %concatenate3A_2791 = tpu.concatenate %slice3A_2789, %slice3A_2790 in 0 : vector<116x300xf32>, vector<12x300xf32> -> vector<128x300xf32>
    %add3A_2792 = arith.addf %dot_general3A_1444, %concatenate3A_2791 : vector<128x300xf32>
    %slice3A_2793 = vector.extract_strided_slice %add3A_14 {offsets = [24, 0], sizes = [1, 300], strides = [1, 1]} : vector<25x300xf32> to vector<1x300xf32>
    %squeeze3A_2794 = vector.shape_cast %slice3A_2793 : vector<1x300xf32> to vector<300xf32>
    %broadcast_in_dim3A_2795 = vector.shape_cast %squeeze3A_2794 : vector<300xf32> to vector<1x300xf32>
    %add3A_2796 = vector.broadcast %broadcast_in_dim3A_2795 : vector<1x300xf32> to vector<128x300xf32>
    %add3A_2797 = arith.addf %add3A_2792, %add3A_2796 : vector<128x300xf32>
    %reduce_sum3A_2798 = arith.constant dense<0.000000e+00> : vector<128xf32>
    %reduce_sum3A_2799 = vector.multi_reduction <add>, %add3A_2797, %reduce_sum3A_2798 [1] : vector<128x300xf32> to vector<128xf32>
    %broadcast_in_dim3A_2800 = vector.shape_cast %reduce_sum3A_2799 : vector<128xf32> to vector<128x1xf32>
    %mul3A_2801 = arith.mulf %add3A_2797, %add3A_2797 : vector<128x300xf32>
    %reduce_sum3A_2802 = arith.constant dense<0.000000e+00> : vector<128xf32>
    %reduce_sum3A_2803 = vector.multi_reduction <add>, %mul3A_2801, %reduce_sum3A_2802 [1] : vector<128x300xf32> to vector<128xf32>
    %broadcast_in_dim3A_2804 = vector.shape_cast %reduce_sum3A_2803 : vector<128xf32> to vector<128x1xf32>
    %mul3A_2805 = arith.constant 0.00333333341 : f32
    %mul3A_2806 = vector.broadcast %mul3A_2805 : f32 to vector<128x1xf32>
    %mul3A_2807 = arith.mulf %broadcast_in_dim3A_2800, %mul3A_2806 : vector<128x1xf32>
    %mul3A_2808 = arith.constant 0.00333333341 : f32
    %mul3A_2809 = vector.broadcast %mul3A_2808 : f32 to vector<128x1xf32>
    %mul3A_2810 = arith.mulf %broadcast_in_dim3A_2804, %mul3A_2809 : vector<128x1xf32>
    %mul3A_2811 = arith.mulf %mul3A_2807, %mul3A_2807 : vector<128x1xf32>
    %sub3A_2812 = arith.subf %mul3A_2810, %mul3A_2811 : vector<128x1xf32>
    %sub3A_2813 = vector.broadcast %mul3A_2807 : vector<128x1xf32> to vector<128x300xf32>
    %sub3A_2814 = arith.subf %add3A_2797, %sub3A_2813 : vector<128x300xf32>
    %add3A_2815 = arith.constant 9.99999974E-6 : f32
    %add3A_2816 = vector.broadcast %add3A_2815 : f32 to vector<128x1xf32>
    %add3A_2817 = arith.addf %sub3A_2812, %add3A_2816 : vector<128x1xf32>
    %rsqrt3A_2818 = math.rsqrt %add3A_2817 : vector<128x1xf32>
    %mul3A_2819 = vector.broadcast %rsqrt3A_2818 : vector<128x1xf32> to vector<128x300xf32>
    %mul3A_2820 = arith.mulf %sub3A_2814, %mul3A_2819 : vector<128x300xf32>
    %convert_element_type3A_2821 = arith.truncf %mul3A_2820 : vector<128x300xf32> to vector<128x300xbf16>
    %mul3A_2822 = vector.broadcast %convert_element_type3A : vector<1x300xbf16> to vector<128x300xbf16>
    %mul3A_2823 = arith.mulf %convert_element_type3A_2821, %mul3A_2822 : vector<128x300xbf16>
    %add3A_2824 = vector.broadcast %convert_element_type3A_28 : vector<1x300xbf16> to vector<128x300xbf16>
    %add3A_2825 = arith.addf %mul3A_2823, %add3A_2824 : vector<128x300xbf16>
    %gt3A_2826 = arith.constant 0.000000e+00 : bf16
    %gt3A_2827 = vector.broadcast %gt3A_2826 : bf16 to vector<128x300xbf16>
    %gt3A_2828 = arith.cmpf ogt, %add3A_2825, %gt3A_2827 : vector<128x300xbf16>
    %exp3A_2829 = math.exp %add3A_2825 : vector<128x300xbf16>
    %sub3A_2830 = arith.constant 1.000000e+00 : bf16
    %sub3A_2831 = vector.broadcast %sub3A_2830 : bf16 to vector<128x300xbf16>
    %sub3A_2832 = arith.subf %exp3A_2829, %sub3A_2831 : vector<128x300xbf16>
    %select_n3A_2833 = arith.select %gt3A_2828, %add3A_2825, %sub3A_2832 : vector<128x300xi1>, vector<128x300xbf16>
    %dot_general3A_2834 = arith.constant dense<0.000000e+00> : vector<1x128xf32>
    %dot_general3A_2835 = tpu.matmul %convert_element_type3A_29, %select_n3A_2833, %dot_general3A_2834 {dimension_numbers = #tpu.dot_dimension_numbers<[1], [1], [0], [0], [0, 0, 1, 0], [], []>, transpose_lhs_hint = false} : vector<1x300xbf16>, vector<128x300xbf16>, vector<1x128xf32> -> vector<1x128xf32>
    %squeeze3A_2836 = vector.shape_cast %dot_general3A_2835 : vector<1x128xf32> to vector<128xf32>
    %add3A_2837 = vector.broadcast %get3A_27 : f32 to vector<128xf32>
    %add3A_2838 = arith.addf %squeeze3A_2836, %add3A_2837 : vector<128xf32>
    %swap3A_2839 = arith.constant 1 : index
    %swap3A_2840 = arith.constant 24 : index
    %swap3A_2841 = arith.constant 0 : index
    %swap3A_2842 = vector.load %arg11[%swap3A_2839, %swap3A_2840, %swap3A_2841] : memref<2x32x128xf32, #tpu.memory_space<vmem>>, vector<1x1x128xf32>
    %swap3A_2843 = vector.shape_cast %swap3A_2842 : vector<1x1x128xf32> to vector<128xf32>
    %swap3A_2844 = vector.shape_cast %add3A_2838 : vector<128xf32> to vector<1x1x128xf32>
    tpu.vector_store %arg11[%swap3A_2839, %swap3A_2840, %swap3A_2841], %swap3A_2844 {strides = array<i32>} : memref<2x32x128xf32, #tpu.memory_space<vmem>>, vector<1x1x128xf32>,
    return
  }
  func.func @transform_0(%arg0: i32) -> (i32, i32) {
    %c0_i32 = arith.constant 0 : i32
    %c0_i32_0 = arith.constant 0 : i32
    %c0_i32_1 = arith.constant 0 : i32
    return %c0_i32, %c0_i32_0 : i32, i32
  }
  func.func @transform_1(%arg0: i32) -> (i32, i32, i32) {
    %c0_i32 = arith.constant 0 : i32
    %c0_i32_0 = arith.constant 0 : i32
    %c0_i32_1 = arith.constant 0 : i32
    return %arg0, %c0_i32, %c0_i32_0 : i32, i32, i32
  }
  func.func @transform_2(%arg0: i32) -> (i32, i32, i32) {
    %c0_i32 = arith.constant 0 : i32
    %c0_i32_0 = arith.constant 0 : i32
    %c0_i32_1 = arith.constant 0 : i32
    return %arg0, %c0_i32, %c0_i32_0 : i32, i32, i32
  }
  func.func @transform_3(%arg0: i32) -> (i32, i32) {
    %c0_i32 = arith.constant 0 : i32
    %c0_i32_0 = arith.constant 0 : i32
    %c0_i32_1 = arith.constant 0 : i32
    return %c0_i32, %c0_i32_0 : i32, i32
  }
  func.func @transform_4(%arg0: i32) -> (i32, i32) {
    %c0_i32 = arith.constant 0 : i32
    %c0_i32_0 = arith.constant 0 : i32
    %c0_i32_1 = arith.constant 0 : i32
    return %c0_i32, %c0_i32_0 : i32, i32
  }
  func.func @transform_5(%arg0: i32) -> (i32, i32) {
    %c0_i32 = arith.constant 0 : i32
    %c0_i32_0 = arith.constant 0 : i32
    %c0_i32_1 = arith.constant 0 : i32
    return %c0_i32, %c0_i32_0 : i32, i32
  }
  func.func @transform_6(%arg0: i32) -> (i32, i32) {
    %c0_i32 = arith.constant 0 : i32
    %c0_i32_0 = arith.constant 0 : i32
    %c0_i32_1 = arith.constant 0 : i32
    return %c0_i32, %c0_i32_0 : i32, i32
  }
  func.func @transform_7(%arg0: i32) -> (i32, i32) {
    %c0_i32 = arith.constant 0 : i32
    %c0_i32_0 = arith.constant 0 : i32
    %c0_i32_1 = arith.constant 0 : i32
    return %c0_i32, %c0_i32_0 : i32, i32
  }
  func.func @transform_8(%arg0: i32) -> (i32, i32) {
    %c0_i32 = arith.constant 0 : i32
    %c0_i32_0 = arith.constant 0 : i32
    %c0_i32_1 = arith.constant 0 : i32
    return %c0_i32, %c0_i32_0 : i32, i32
  }
  func.func @transform_9(%arg0: i32) -> (i32, i32) {
    %c0_i32 = arith.constant 0 : i32
    %c0_i32_0 = arith.constant 0 : i32
    %c0_i32_1 = arith.constant 0 : i32
    return %c0_i32, %c0_i32_0 : i32, i32
  }
  func.func @transform_10(%arg0: i32) -> (i32, i32, i32) {
    %c0_i32 = arith.constant 0 : i32
    %c0_i32_0 = arith.constant 0 : i32
    %c0_i32_1 = arith.constant 0 : i32
    return %arg0, %c0_i32, %c0_i32_0 : i32, i32, i32
  }
}

</mosaic_0001>

<sc_bundles>
// kernel: kernel.4.cloned.1.call-start
scs
__scs_entry_jumppad:
0x0: {  	(pc) =	sbr.rel $0x88, $3  }
0x1: {  	(tag) =	ssettag $0x0;
	lr =	simm.s32 $0x1  }
0x2: {  	[smem:$0x3F97] =	sst lr;
	_ =	strace $0xD0000000  }
0x3: {  	_ = 	snop  }
0x4: {  	_ = 	snop  }
0x5: {  	_ = 	snop  }
0x6: {  	_ = 	snop  }
0x7: {  	_ = 	snop  }
__scs_overlays_trampoline_lowered:
0x8: {  	[smem:$0x3FA6] =	sst s0  }
0x9: {  	[smem:$0x3FA7] =	sst s1  }
0xa: {  	[smem:$0x3FA8] =	sst s2  }
0xb: {  	[smem:$0x3FA9] =	sst s3  }
0xc: {  	[smem:$0x3FAA] =	sst s4  }
0xd: {  	[smem:$0x3FAB] =	sst s5  }
0xe: {  	[smem:$0x3FAC] =	sst s6  }
0xf: {  	[smem:$0x3FAD] =	sst s7  }
0x10: {  	[smem:$0x3FAE] =	sst s8  }
0x11: {  	[smem:$0x3FAF] =	sst s9;
	s0 =	simm.s32 @!p0 $0x0  }
0x12: {  	s1 =	sld [smem:$0x3F95];
	s0 =	simm.s32 @p0 $0x1  }
0x13: {  	[smem:$0x3FB0] =	sst s0;
	s0 =	simm.s32 @!p1 $0x0  }
0x14: {  	s2 =	sld [smem:$0x3F94];
	s0 =	simm.s32 @p1 $0x1  }
0x15: {  	[smem:$0x3FB1] =	sst s0;
	s0 =	simm.s32 @!p2 $0x0  }
0x16: {  	s3 =	sld [smem:$0x3FDB];
	s0 =	simm.s32 @p2 $0x1  }
0x17: {  	s4 =	simm.s32 $0x1BF5;
	[smem:$0x3FB3] =	sst s0  }
0x18: {  	s0 =	sld [smem:$0x3F96];
	_ =	swait.ge [sflag:s4], $0x0  }
0x19: {  	s7 =	sld [smem:$0x3F97]  }
0x1a: {  	s8 =	sadd.s32 $0xFFFFE003, lr  }
0x1b: {  	s9 =	sadd.s32 $0xFFFFFEF7, lr;
	s5 =	simm.s32 $0xFFFFFFFF;
	p2 =	slt.u32 s8, $0xFFFFF086  }
0x1c: {  	p1 =	slt.u32 s9, $0xF7A;
	s5 =	simm.s32 @!p2 $0x0  }
0x1d: {  	s5 =	simm.s32 @p1 $0x1;
	p0 =	seq.s32 s7, s2  }
0x1e: {  	s7 =	smul.u32 @!p0 $0xF7A, s2;
	p2 =	seq.s32 @!p0 s5, $0x0  }
0x1f: {  	s9 =	smul.u32 $0xF7A, s1;
	s8 =	simm.s32 @!p0 $0x1BF5;
	p2 =	por !p2, p0  }
0x20: {  	[sflag:s8] =	ssyncset.s32 @!p0 $0xFFFFF086;
	s6 =	sadd.s32 @!p0 s3, s7;
	s7 =	simm.s32 @!p0 $0x108  }
0x21: {  	s3 =	sadd.s32 s3, s9;
	s6 =	sadd.s32 @!p0 $0x88, s6;
	s7 =	simm.s32 @p2 $0x1082  }
0x22: {  	[simem:s7], [sflag:s8] =	dma.local @!p0 [hbm:s6], $0xF7A  }
0x23: {  	s9 =	sor.u32 $0xD0000000, s2;
	s6 =	simm.s32 $0x108;
	_ =	swait.ge @!p0 [sflag:s8], $0x0  }
0x24: {  	s3 =	sadd.s32 $0x88, s3;
	s6 =	simm.s32 @!p1 $0x1082;
	[sflag:s4] =	ssyncset.s32 $0xFFFFF086  }
0x25: {  	[simem:s6], [sflag:s4] =	dma.local [hbm:s3], $0xF7A  }
0x26: {  	[smem:$0x3F97] =	sst s1;
	(tag) =	ssettag s2;
	_ =	strace s9  }
0x27: {  	s1 =	sld [smem:$0x3FA7]  }
0x28: {  	s2 =	sld [smem:$0x3FA8]  }
0x29: {  	s4 =	sld [smem:$0x3FAA]  }
0x2a: {  	p0 =	seq.s32 s5, $0x0;
	s5 =	sld [smem:$0x3FAB]  }
0x2b: {  	s6 =	sld [smem:$0x3FAC]  }
0x2c: {  	s7 =	sld [smem:$0x3FAD]  }
0x2d: {  	s3 =	simm.s32 $0x108;
	s8 =	sld [smem:$0x3FAE]  }
0x2e: {  	s3 =	simm.s32 @!p0 $0x1082;
	s9 =	sld [smem:$0x3FAF]  }
0x2f: {  	lr =	sadd.s32 s0, s3;
	s0 =	sld [smem:$0x3FA6]  }
0x30: {  	s3 =	sld [smem:$0x3FA9]  }
0x31: {  	[smem:$0x3FB2] =	sst s10  }
0x32: {  	s10 =	sld [smem:$0x3FB0];
	_ =	sdelay $0x3  }
0x33: {  	p0 =	seq.s32 s10, $0x1;
	s10 =	sld [smem:$0x3FB2];
	_ =	sdelay $0x3  }
0x34: {  	[smem:$0x3FB2] =	sst s10  }
0x35: {  	s10 =	sld [smem:$0x3FB1];
	_ =	sdelay $0x3  }
0x36: {  	p1 =	seq.s32 s10, $0x1;
	s10 =	sld [smem:$0x3FB2];
	_ =	sdelay $0x3  }
0x37: {  	[smem:$0x3FB2] =	sst s10  }
0x38: {  	s10 =	sld [smem:$0x3FB3]  }
0x39: {  	_ = 	snop;
	(pc) =	sbr.ind lr, $3  }
0x3a: {  	_ = 	snop  }
0x3b: {  	_ = 	snop  }
0x3c: {  	p2 =	seq.s32 s10, $0x1;
	s10 =	sld [smem:$0x3FB2]  }
0x3d: {  	_ =	shalt  }
0x3e: {  	_ =	shalt  }
0x3f: {  	_ =	shalt  }
0x40: {  	_ =	shalt  }
0x41: {  	_ =	shalt  }
0x42: {  	_ =	shalt  }
0x43: {  	_ =	shalt  }
0x44: {  	_ =	shalt  }
0x45: {  	_ =	shalt  }
0x46: {  	_ =	shalt  }
0x47: {  	_ =	shalt  }
0x48: {  	_ =	shalt  }
0x49: {  	_ =	shalt  }
0x4a: {  	_ =	shalt  }
0x4b: {  	_ =	shalt  }
0x4c: {  	_ =	shalt  }
0x4d: {  	_ =	shalt  }
0x4e: {  	_ =	shalt  }
0x4f: {  	_ =	shalt  }
0x50: {  	_ =	shalt  }
0x51: {  	_ =	shalt  }
0x52: {  	_ =	shalt  }
0x53: {  	_ =	shalt  }
0x54: {  	_ =	shalt  }
0x55: {  	_ =	shalt  }
0x56: {  	_ =	shalt  }
0x57: {  	_ =	shalt  }
0x58: {  	_ =	shalt  }
0x59: {  	_ =	shalt  }
0x5a: {  	_ =	shalt  }
0x5b: {  	_ =	shalt  }
0x5c: {  	_ =	shalt  }
0x5d: {  	_ =	shalt  }
0x5e: {  	_ =	shalt  }
0x5f: {  	_ =	shalt  }
0x60: {  	_ =	shalt  }
0x61: {  	_ =	shalt  }
0x62: {  	_ =	shalt  }
0x63: {  	_ =	shalt  }
0x64: {  	_ =	shalt  }
0x65: {  	_ =	shalt  }
0x66: {  	_ =	shalt  }
0x67: {  	_ =	shalt  }
0x68: {  	_ =	shalt  }
0x69: {  	_ =	shalt  }
0x6a: {  	_ =	shalt  }
0x6b: {  	_ =	shalt  }
0x6c: {  	_ =	shalt  }
0x6d: {  	_ =	shalt  }
0x6e: {  	_ =	shalt  }
0x6f: {  	_ =	shalt  }
0x70: {  	_ =	shalt  }
0x71: {  	_ =	shalt  }
0x72: {  	_ =	shalt  }
0x73: {  	_ =	shalt  }
0x74: {  	_ =	shalt  }
0x75: {  	_ =	shalt  }
0x76: {  	_ =	shalt  }
0x77: {  	_ =	shalt  }
0x78: {  	_ =	shalt  }
0x79: {  	_ =	shalt  }
0x7a: {  	_ =	shalt  }
0x7b: {  	_ =	shalt  }
0x7c: {  	_ =	shalt  }
0x7d: {  	_ =	shalt  }
0x7e: {  	_ =	shalt  }
0x7f: {  	_ =	shalt  }
0x80: {  	_ =	shalt  }
0x81: {  	_ =	shalt  }
0x82: {  	_ =	shalt  }
0x83: {  	_ =	shalt  }
0x84: {  	_ =	shalt  }
0x85: {  	_ =	shalt  }
0x86: {  	_ =	shalt  }
0x87: {  	_ =	shalt  }
.Lfunc_end0:
.L_simem_size_0:
called_computation_lowered:
.L_overlay_start_0:
0x88: {  	s2 =	sld [smem:$0x3FD9]  }
0x89: {  	s3 =	sld [smem:$0x3FFE];
	_ =	sdelay $0x1  }
0x8a: {  	s1 =	srdreg.scid  }
0x8b: {  	s0 =	sand.u32 $0x1, s1  }
0x8c: {  	s14 =	sshll.u32 s0, $0xA;
	s2 =	sadd.s32 s3, s2  }
0x8d: {  	s2 =	sadd.s32 s2, s14  }
0x8e: {  	[smem:$0x3FBE] =	sst s2  }
0x8f: {  	_ = 	snop  }
0x90: {  	s2 =	sld [smem:$0x3FD0];
	_ =	sdelay $0x2  }
0x91: {  	s15 =	simm.s32 $0xA;
	s4 =	simm.s32 $0x10  }
0x92: {  	[smem:s4], [sflag:s15] =	dma.local [hbm:s2], $0x1  }
0x93: {  	_ =	swait.eq [sflag:s15], $0x1  }
0x94: {  	[sflag:s15] =	ssyncset.done $0x0  }
0x95: {  	[sflag:s15] =	ssyncadd.s32 $0xFFFFFFFF  }
0x96: {  	s16 =	sld [smem:$0x10];
	(tm) =	ssettm $0x1  }
0x97: {  	s17 =	sld [smem:$0x3FFB];
	_ =	sdelay $0x3  }
0x98: {  	_ =	strace s17  }
0x99: {  	s3 =	sld [smem:$0x3FFC];
	_ =	sdelay $0x3  }
0x9a: {  	_ =	strace s3  }
0x9b: {  	s3 =	sld [smem:$0x3FFD];
	_ =	sdelay $0x3  }
0x9c: {  	_ =	strace s3  }
0x9d: {  	_ =	strace $0x8FFFFFFF  }
0x9e: {  	s18 =	sld [smem:$0x3FDB];
	_ =	sdelay $0x1  }
0x9f: {  	s19 =	simm.s32 $_scs_section_size  }
0xa0: {  	s5 =	simm.s32 $_size__tile_overlayer_lowered;
	s6 =	simm.s32 $_tile_overlayer_lowered  }
0xa1: {  	s22 =	simm.s32 $0x1BFF;
	s21 =	sshll.u32 s6, $0x1;
	s3 =	sadd.s32 s19, s18  }
0xa2: {  	s7 =	simm.s32 $0x0;
	s20 =	sshll.u32 s5, $0x1;
	s5 =	sadd.s32 s21, s3  }
0xa3: {  	[timem:s7], [sflag:s22] =	dma.local [hbm:s5], s20  }
0xa4: {  	_ =	swait.ge [sflag:s22], s20  }
0xa5: {  	s4 =	ssub.s32 $0x0, s20;
	[sflag:s22] =	ssyncset.done $0x0  }
0xa6: {  	[sflag:s22] =	ssyncadd.s32 s4;
	_ =	sdelay $0x1  }
0xa7: {  	s23 =	simm.s32 $0x1B8B  }
0xa8: {  	_ =	swait.ge [sflag:s23], $0x1  }
0xa9: {  	[sflag:s23] =	ssyncset.done $0x0  }
0xaa: {  	s25 =	simm.s32 $0x1B8E;
	s24 =	sld [smem:$0x3FFE];
	[sflag:s23] =	ssyncadd.s32 $0xFFFFFFFF  }
0xab: {  	s26 =	simm.s32 $execute0_lowered;
	[smem:$0x3FD2] =	sst s25  }
0xac: {  	s5 =	sshll.u32 s26, $0x1;
	_ =	strace $0x80000046;
	[dreg:$0x1] =	wrdreg $0xFFFFFFFF  }
0xad: {  	s28 =	simm.s32 $_size_execute0_lowered;
	s3 =	sadd.s32 s3, s5;
	[dreg:$0x0] =	wrdreg $0x0  }
0xae: {  	s5 =	sshll.u32 s28, $0x1;
	[dreg:$0x2] =	wrdreg s3  }
0xaf: {  	[dreg:$0x3] =	wrdreg s5  }
0xb0: {  	[dreg:$0x4] =	wrdreg $0xC0  }
0xb1: {  	_ =	task [dreg:s7], $0x5FFFF  }
0xb2: {  	[dreg:$0x1] =	wrdreg $0xFFFFFFFF  }
0xb3: {  	[dreg:$0x0] =	wrdreg $0x60  }
0xb4: {  	[dreg:$0x2] =	wrdreg s24  }
0xb5: {  	[dreg:$0x3] =	wrdreg s16  }
0xb6: {  	[dreg:$0x4] =	wrdreg $0x9  }
0xb7: {  	_ =	task.clear_ibuf [dreg:s7], $0x5FFFF;
	_ =	strace $0x90000046  }
0xb8: {  	s29 =	simm.s32 $0x9;
	_ =	strace $0x80000048  }
0xb9: {  	_ =	swait.ge [sflag:s29], $0x1  }
0xba: {  	[sflag:s29] =	ssyncadd.s32 $0xFFFFFFFF  }
0xbb: {  	_ =	strace $0x90000048  }
0xbc: {  	_ =	sfence  }
0xbd: {  	s30 =	sld [smem:$0x0];
	_ =	sdelay $0x2  }
0xbe: {  	s31 =	sshll.u32 s1, $0xD;
	s1 =	sshrl.u32 s1, $0x2  }
0xbf: {  	s3 =	sand.u32 $0x4000, s31;
	s1 =	sadd.s32 s1, s30  }
0xc0: {  	s0 =	sor.u32 s3, s0;
	s1 =	sshll.u32 s1, $0x11  }
0xc1: {  	s0 =	sor.u32 s1, s0  }
0xc2: {  	s0 =	sadd.s32 $0x8F2B, s0  }
0xc3: {  	[sflag:s0] =	ssyncadd.remote.s32 $0x1  }
0xc4: {  	_ =	sfence.sel $0xFFFF  }
0xc5: {  	[dreg:$0x0] =	wrdreg $0xFFFFFFFF;
	(pc) =	sbr.abs _section_cstart, $3  }
0xc6: {  	[dreg:$0x1] =	wrdreg $0xFFFFFFFF  }
0xc7: {  	_ =	task.clear_ibuf [dreg:s7], $0x2FFFF;
	_ =	strace $0x9FFFFFFF  }
0xc8: {  	(tm) =	ssettm $0x7FFFFFFF  }
0xc9: {  	_ =	shalt  }
tec
execute0_lowered:
.L_overlay_start_1:
0x0: {  	(tag) =	ssettag $0x1  }
0x1: {  	s1 =	srdreg.scid;
	s0 =	stileid.u32  }
0x2: {  	s8 =	rddreg [dreg:$0x0];
	s6 =	sand.u32 $0x1, s1;
	s30 =	sshll.u32 s0, $0x1  }
0x3: {  	s3 =	rddreg [dreg:$0x1];
	s2 =	simm.s32 $0x0;
	s4 =	sor.u32 s6, s30  }
0x4: {  	[smem:$0x7FF] =	sst s2;
	s9 =	smul.u32 $0xC0, s4  }
0x5: {  	s7 =	simm.s32 $0x1;
	s1 =	rddreg [dreg:$0x2];
	_ =	strace $0x80000047  }
0x6: {  	s10 =	ssub.s32 $0x2, s6;
	s4 =	sadd.s32 s3, s9;
	s3 =	simm.s32 $0x2  }
0x7: {  	[tilespmem:s2], [sflag:$0x2] =	stream.linear.gather [hbm4b:s4+s2], $0x600, $0x38;
	[tilespmem:$0xC00] =	vst v63  }
0x8: {  	s5 =	sadd.s32 $0x1A00, s8;
	s11 =	sshrl.u32 s10, $0x1;
	_ =	swait.ge [sflag:s3], $0x600  }
0x9: {  	s6 =	simm.s32 $0x600;
	s31 =	ssub.s32 s10, s11;
	[sflag:s3] =	ssyncset.done $0x0  }
0xa: {  	s8 =	sadd.s32 s9, s8;
	s9 =	smax.u32 s31, $0x1;
	[sflag:s3] =	ssyncadd.s32 $0xFFFFFA00  }
0xb: {  	[tilespmem:s6], [sflag:$0x1] =	stream.indirect.gather [hbm4b:s5+s6], $0x1, s2, s6, $0xb8;
	[tilespmem:$0xC00] =	vst v63  }
0xc: {  	p0 =	sne.s32 s9, $0x1;
	_ =	swait.ge [sflag:s7], $0x600  }
.Ltmp0:
0xd: {  	[sflag:s7] =	ssyncset.done $0x0;
	(pc) =	sbr.rel @!p0 .LBB2_2-.Ltmp0, $4  }
0xe: {  	s8 =	sadd.s32 $0x3A00, s8;
	[sflag:s7] =	ssyncadd.s32 $0xFFFFFA00  }
0xf: {  	[hbm4b:s8+s2] =	stream.linear.scatter [tilespmem:s6], [sflag:$0x2], $0x600, $0x38;
	[tilespmem:$0xC00] =	vst v63  }
0x10: {  	_ =	swait.ge [sflag:s3], $0x600  }
0x11: {  	s9 =	sadd.s32 $0xFFFFFFFF, s9;
	[sflag:s3] =	ssyncset.done $0x0  }
.LBB2_1:
0x12: {  	p0 =	sne.s32 s9, $0x1;
	s9 =	sadd.s32 $0xFFFFFFFF, s9;
	[sflag:s3] =	ssyncadd.s32 $0xFFFFFA00  }
0x13: {  	[tilespmem:s2], [sflag:$0x2] =	stream.linear.gather [hbm4b:s4+s2], $0x600, $0x38;
	[tilespmem:$0xC00] =	vst v63  }
0x14: {  	_ =	swait.ge [sflag:s3], $0x600  }
0x15: {  	[sflag:s3] =	ssyncset.done $0x0  }
0x16: {  	[sflag:s3] =	ssyncadd.s32 $0xFFFFFA00  }
0x17: {  	[tilespmem:s6], [sflag:$0x1] =	stream.indirect.gather [hbm4b:s5+s6], $0x1, s2, s6, $0xb8;
	[tilespmem:$0xC00] =	vst v63  }
0x18: {  	_ =	swait.ge [sflag:s7], $0x600  }
.Ltmp1:
0x19: {  	[sflag:s7] =	ssyncset.done $0x0;
	(pc) =	sbr.rel @p0 .LBB2_1-.Ltmp1, $4  }
0x1a: {  	[sflag:s7] =	ssyncadd.s32 $0xFFFFFA00  }
0x1b: {  	[hbm4b:s8+s2] =	stream.linear.scatter [tilespmem:s6], [sflag:$0x2], $0x600, $0x38;
	[tilespmem:$0xC00] =	vst v63  }
0x1c: {  	_ =	swait.ge [sflag:s3], $0x600  }
0x1d: {  	[sflag:s3] =	ssyncset.done $0x0  }
.LBB2_2:
0x1e: {  	[sflag:s3] =	ssyncadd.s32 $0xFFFFFA00  }
0x1f: {  	_ =	sfence.sel $0x180000  }
0x20: {  	[bflag:$0x0] =	sbarrier.arrive $0xFFFF  }
0x21: {  	p0 =	sne.s32 s0, $0x0;
	_ =	strace $0x90000047  }
0x22: {  	s0 =	sadd.s32 @!p0 $0x100000, s1;
	[bflag:$0x2] =	sbarrier.arrive $0xFFFF  }
0x23: {  	[sflag:s0] =	ssyncadd.tile.s32 @!p0 $0x1;
	_ =	shalt  }
.Lfunc_end2:
_tile_overlayer_lowered:
.L_overlay_start_2:
0x24: {  	(tag) =	ssettag $0x2  }
0x25: {  	s0 =	rddreg [dreg:$0x0];
	s2 =	stileid.u32  }
0x26: {  	s1 =	rddreg [dreg:$0x1];
	p0 =	sne.s32 s2, $0x0  }
0x27: {  	s3 =	rddreg [dreg:$0x2];
	[bflag:$0x3] =	sbarrier.arrive $0xFFFF;
	s2 =	simm.s32 @!p0 $0x1C02  }
0x28: {  	[timem:s3], [sflag:s2] =	dma.local @!p0 [hbm:s0], s1  }
0x29: {  	s0 =	simm.s32 @!p0 $0x2  }
0x2a: {  	_ =	swait.ge @!p0 [sflag:s0], s1  }
0x2b: {  	s1 =	ssub.s32 @!p0 $0x0, s1;
	[sflag:s0] =	ssyncset.done @!p0 $0x0  }
0x2c: {  	[sflag:s0] =	ssyncadd.s32 @!p0 s1  }
0x2d: {  	[bflag:$0x3] =	sbarrier.arrive $0xFFFF  }
0x2e: {  	_ =	shalt  }

</sc_bundles>
